<compile_context>
chip_gen: v7x
topology: tpu7x:2x2x1
jax: 0.10.2.dev20260603
libtpu: 0.0.44.dev20260713+nightly
codegen_flags: <defaults>
</compile_context>

<pallas_src>
import functools

import jax
import jax.numpy as jnp
from jax import lax
from jax.experimental import pallas as pl
from jax.experimental.pallas import tpu as pltpu
from jax.experimental.pallas import tpu_sc as plsc

N = 10000
NDP = 10240
E = 320000
D = 128

NC = 2
NS = 16
NW = NC * NS
EPT = E // NW
C = 80
NCHUNK = EPT // C
RPT = 624
RPTD = NDP // NS

BR = 5000
GRID = N // BR

_mesh = plsc.VectorSubcoreMesh(core_axis_name="c", subcore_axis_name="s")


@functools.partial(
    pl.kernel,
    out_type=jax.ShapeDtypeStruct((NC, 2, NDP), jnp.float32),
    mesh=_mesh,
    scratch_types=[
        pltpu.VMEM_SHARED((NDP,), jnp.float32),
        pltpu.VMEM_SHARED((NDP,), jnp.float32),
        pltpu.VMEM((NCHUNK, C), jnp.int32),
        pltpu.VMEM((NCHUNK, C), jnp.int32),
        pltpu.VMEM((C,), jnp.float32),
        pltpu.SemaphoreType.DMA,
        pltpu.SemaphoreType.DMA,
        pltpu.SemaphoreType.DMA,
        pltpu.SemaphoreType.DMA,
    ],
)
def _deg_kernel(e4_hbm, zeros_hbm, out_hbm, acc_o, acc_i, sidx, didx, ones,
                d0, d1, d2, d3):
    c = lax.axis_index("c")
    s = lax.axis_index("s")
    tile = c * NS + s
    z0 = pltpu.async_copy(zeros_hbm.at[pl.ds(s * RPTD, RPTD)], acc_o.at[pl.ds(s * RPTD, RPTD)], d0)
    z1 = pltpu.async_copy(zeros_hbm.at[pl.ds(s * RPTD, RPTD)], acc_i.at[pl.ds(s * RPTD, RPTD)], d1)
    i0 = pltpu.async_copy(e4_hbm.at[0, tile], sidx, d2)
    i1 = pltpu.async_copy(e4_hbm.at[1, tile], didx, d3)
    for j in range(C // 16):
        ones[pl.ds(j * 16, 16)] = jnp.full((16,), 1.0, jnp.float32)
    z0.wait(); z1.wait(); i0.wait(); i1.wait()
    plsc.subcore_barrier()

    def _swait(acc, idx, sem):
        pltpu.make_async_copy(ones, acc.at[idx.at[0]], sem).wait()

    pltpu.async_copy(ones, acc_o.at[sidx.at[0]], d0, add=True)
    pltpu.async_copy(ones, acc_i.at[didx.at[0]], d1, add=True)
    pltpu.async_copy(ones, acc_o.at[sidx.at[1]], d2, add=True)
    pltpu.async_copy(ones, acc_i.at[didx.at[1]], d3, add=True)

    def body(j, _):
        k = 2 * j
        _swait(acc_o, sidx, d0)
        pltpu.async_copy(ones, acc_o.at[sidx.at[k]], d0, add=True)
        _swait(acc_i, didx, d1)
        pltpu.async_copy(ones, acc_i.at[didx.at[k]], d1, add=True)
        _swait(acc_o, sidx, d2)
        pltpu.async_copy(ones, acc_o.at[sidx.at[k + 1]], d2, add=True)
        _swait(acc_i, didx, d3)
        pltpu.async_copy(ones, acc_i.at[didx.at[k + 1]], d3, add=True)
        return ()

    lax.fori_loop(1, NCHUNK // 2, body, ())
    la = pltpu.async_copy(ones, acc_o.at[sidx.at[NCHUNK - 1]], d0, add=True)
    lb = pltpu.async_copy(ones, acc_i.at[didx.at[NCHUNK - 1]], d1, add=True)
    _swait(acc_o, sidx, d0); _swait(acc_i, didx, d1)
    _swait(acc_o, sidx, d0); _swait(acc_i, didx, d1)
    _swait(acc_o, sidx, d2); _swait(acc_i, didx, d3)
    plsc.subcore_barrier()
    pltpu.sync_copy(acc_o.at[pl.ds(s * RPTD, RPTD)], out_hbm.at[c, 0, pl.ds(s * RPTD, RPTD)])
    pltpu.sync_copy(acc_i.at[pl.ds(s * RPTD, RPTD)], out_hbm.at[c, 1, pl.ds(s * RPTD, RPTD)])


@functools.partial(
    pl.kernel,
    out_type=jax.ShapeDtypeStruct((NC, N, D), jnp.float32),
    mesh=_mesh,
    scratch_types=[
        pltpu.VMEM_SHARED((N, D), jnp.float32),
        pltpu.VMEM((EPT,), jnp.int32),
        pltpu.VMEM((NCHUNK, C), jnp.int32),
        pltpu.VMEM((C, D), jnp.float32),
        pltpu.VMEM((C, D), jnp.float32),
        pltpu.SemaphoreType.DMA,
        pltpu.SemaphoreType.DMA,
    ],
)
def _seg_kernel(h_hbm, e2_hbm, e4_hbm, zsmall_hbm, out_hbm, acc, sidx, didx,
                rows0, rows1, gs0, gs1):
    c = lax.axis_index("c")
    s = lax.axis_index("s")
    tile = c * NS + s
    zf = pltpu.async_copy(zsmall_hbm, rows0, gs0)
    i0 = pltpu.async_copy(e2_hbm.at[0, tile], sidx, gs1)
    i1 = pltpu.async_copy(e4_hbm.at[1, tile], didx, gs1)
    zf.wait()
    zcs = [pltpu.async_copy(rows0, acc.at[pl.ds(s * RPT + r * C, C)], gs0)
           for r in range(RPT // C)]
    zcs.append(pltpu.async_copy(rows0.at[pl.ds(0, RPT - C * (RPT // C))],
                                acc.at[pl.ds(s * RPT + C * (RPT // C), RPT - C * (RPT // C))],
                                gs0))

    @pl.when(s == 0)
    def _zero_tail():
        pltpu.async_copy(rows0.at[pl.ds(0, N - NS * RPT)],
                         acc.at[pl.ds(NS * RPT, N - NS * RPT)], gs0).wait()

    for z in zcs:
        z.wait()
    i0.wait(); i1.wait()
    plsc.subcore_barrier()

    def _gwait(buf, sem):
        pltpu.make_async_copy(h_hbm.at[pl.ds(0, C)], buf, sem).wait()

    pltpu.async_copy(h_hbm.at[sidx.at[pl.ds(0, C)]], rows0, gs0)

    def body(j, _):
        k = 2 * j
        pltpu.async_copy(h_hbm.at[sidx.at[pl.ds(pl.multiple_of((k + 1) * C, 8), C)]], rows1, gs1)
        _gwait(rows0, gs0)
        pltpu.sync_copy(rows0, acc.at[didx.at[k]], add=True)
        pltpu.async_copy(h_hbm.at[sidx.at[pl.ds(pl.multiple_of((k + 2) * C, 8), C)]], rows0, gs0)
        _gwait(rows1, gs1)
        pltpu.sync_copy(rows1, acc.at[didx.at[k + 1]], add=True)
        return ()

    lax.fori_loop(0, (NCHUNK - 1) // 2, body, ())
    _gwait(rows0, gs0)
    pltpu.sync_copy(rows0, acc.at[didx.at[NCHUNK - 1]], add=True)
    plsc.subcore_barrier()
    pltpu.sync_copy(acc.at[pl.ds(s * RPT, RPT)], out_hbm.at[c, pl.ds(s * RPT, RPT)])

    @pl.when(s == 0)
    def _out_tail():
        pltpu.sync_copy(acc.at[pl.ds(NS * RPT, N - NS * RPT)],
                        out_hbm.at[c, pl.ds(NS * RPT, N - NS * RPT)])


def _mm0a_body(x_ref, w_ref, h_ref):
    h_ref[...] = jnp.dot(x_ref[...], w_ref[...], preferred_element_type=jnp.float32)


def _mm0b_body(h_ref, deg_ref, ho_ref, dis_ref):
    deg = deg_ref[...]
    deg_out = deg[:, 0:1] + deg[:, 2:3]
    deg_in = deg[:, 1:2] + deg[:, 3:4]
    dis_out = jnp.where(deg_out > 0, lax.rsqrt(jnp.maximum(deg_out, 1.0)), 0.0)
    dis_in = jnp.where(deg_in > 0, lax.rsqrt(jnp.maximum(deg_in, 1.0)), 0.0)
    ho_ref[...] = h_ref[...] * dis_out
    dis_ref[...] = jnp.concatenate([dis_out, dis_in], axis=1)


def _mm_mid_body(p_ref, dis_ref, w_ref, b_ref, h_ref):
    dis = dis_ref[...]
    agg = (p_ref[0] + p_ref[1]) * dis[:, 1:2]
    t = jnp.maximum(agg + b_ref[...], 0.0)
    h = jnp.dot(t, w_ref[...], preferred_element_type=jnp.float32)
    h_ref[...] = h * dis[:, 0:1]


def _mm_fin_body(p_ref, dis_ref, w_ref, b_ref, bfc_ref, o_ref):
    dis = dis_ref[...]
    agg = (p_ref[0] + p_ref[1]) * dis[:, 1:2]
    t = jnp.maximum(agg + b_ref[...], 0.0)
    o_ref[...] = jnp.dot(t, w_ref[...], preferred_element_type=jnp.float32) + bfc_ref[...]


_row_spec = pl.BlockSpec((BR, D), lambda i: (i, 0))
_w_spec = pl.BlockSpec((D, D), lambda i: (0, 0))
_b_spec = pl.BlockSpec((1, D), lambda i: (0, 0))
_dis_spec = pl.BlockSpec((BR, 2), lambda i: (i, 0))
_p_spec = pl.BlockSpec((2, BR, D), lambda i: (0, i, 0))
_deg_spec = pl.BlockSpec((BR, 4), lambda i: (i, 0))

_mm0a = pl.pallas_call(
    _mm0a_body,
    grid=(GRID,),
    in_specs=[_row_spec, _w_spec],
    out_specs=_row_spec,
    out_shape=jax.ShapeDtypeStruct((N, D), jnp.float32),
)

_mm0b = pl.pallas_call(
    _mm0b_body,
    grid=(GRID,),
    in_specs=[_row_spec, _deg_spec],
    out_specs=[_row_spec, _dis_spec],
    out_shape=[
        jax.ShapeDtypeStruct((N, D), jnp.float32),
        jax.ShapeDtypeStruct((N, 2), jnp.float32),
    ],
)

_mm_mid = pl.pallas_call(
    _mm_mid_body,
    grid=(GRID,),
    in_specs=[_p_spec, _dis_spec, _w_spec, _b_spec],
    out_specs=_row_spec,
    out_shape=jax.ShapeDtypeStruct((N, D), jnp.float32),
)

_mm_fin = pl.pallas_call(
    _mm_fin_body,
    grid=(GRID,),
    in_specs=[_p_spec, _dis_spec, _w_spec, _b_spec, _b_spec],
    out_specs=_row_spec,
    out_shape=jax.ShapeDtypeStruct((N, D), jnp.float32),
)


def kernel(features, edge_index, W0, b0, W1, b1, W2, b2, Wfc, bfc):
    e4 = edge_index.reshape(2, NW, NCHUNK, C)
    e2 = edge_index.reshape(2, NW, EPT)
    zn = jnp.zeros((NDP,), jnp.float32)
    zsmall = jnp.zeros((C, D), jnp.float32)
    b0r, b1r, b2r, bfcr = (v.reshape(1, D) for v in (b0, b1, b2, bfc))

    deg_parts = _deg_kernel(e4, zn)
    hraw = _mm0a(features, W0)
    deg4 = jnp.transpose(deg_parts.reshape(4, NDP))[:N]
    h, dis = _mm0b(hraw, deg4)
    p = _seg_kernel(h, e2, e4, zsmall)
    h = _mm_mid(p, dis, W1, b0r)
    p = _seg_kernel(h, e2, e4, zsmall)
    h = _mm_mid(p, dis, W2, b1r)
    p = _seg_kernel(h, e2, e4, zsmall)
    return _mm_fin(p, dis, Wfc, b2r, bfcr)

# --- scband reference (transcript-rebuilt; emitter-appended) ---
"""Pipeline reference for scband-net-72052371357881 (READ-ONLY COPY).

The authoritative reference and input builder live on the scoring server;
editing this copy changes nothing except your own understanding.
"""

import jax, jax.numpy as jnp
import numpy as np

N = 10000
E = 320000
D = 128


def setup_inputs(seed: int = 0) -> dict:
    key = jax.random.key(seed)
    ks = jax.random.split(key, 10)
    s = 1.0 / np.sqrt(D)
    inp = {}
    inp["features"] = jax.random.normal(ks[0], (N, D), dtype=jnp.float32)
    inp["edge_index"] = jax.random.randint(ks[1], (2, E), 0, N, dtype=jnp.int32)
    inp["W0"] = jax.random.normal(ks[2], (D, D), dtype=jnp.float32) * s
    inp["b0"] = jnp.zeros((D,), jnp.float32)
    inp["W1"] = jax.random.normal(ks[3], (D, D), dtype=jnp.float32) * s
    inp["b1"] = jnp.zeros((D,), jnp.float32)
    inp["W2"] = jax.random.normal(ks[4], (D, D), dtype=jnp.float32) * s
    inp["b2"] = jnp.zeros((D,), jnp.float32)
    inp["Wfc"] = jax.random.normal(ks[5], (D, D), dtype=jnp.float32) * s
    inp["bfc"] = jnp.zeros((D,), jnp.float32)
    return inp


def _gcn_block(x, W, b, src, dst, edge_norm):
    # GCNBlock: linear transform -> normalized message passing -> bias -> ReLU
    h = x @ W
    msg = h[src] * edge_norm[:, None]           # gather on src nodes
    agg = jax.ops.segment_sum(msg, dst, num_segments=N)  # scatter-add on dst
    return jax.nn.relu(agg + b)


def reference(features, edge_index, W0, b0, W1, b1, W2, b2, Wfc, bfc):
    src = edge_index[0]
    dst = edge_index[1]
    ones = jnp.ones((E,), jnp.float32)
    deg_out = jax.ops.segment_sum(ones, src, num_segments=N)
    deg_in = jax.ops.segment_sum(ones, dst, num_segments=N)
    dis_out = jnp.where(deg_out > 0, 1.0 / jnp.sqrt(jnp.maximum(deg_out, 1.0)), 0.0)
    dis_in = jnp.where(deg_in > 0, 1.0 / jnp.sqrt(jnp.maximum(deg_in, 1.0)), 0.0)
    edge_norm = dis_out[src] * dis_in[dst]      # symmetric GCN normalization
    x = _gcn_block(features, W0, b0, src, dst, edge_norm)
    x = _gcn_block(x, W1, b1, src, dst, edge_norm)
    x = _gcn_block(x, W2, b2, src, dst, edge_norm)
    return x @ Wfc + bfc

if __name__ == "__main__":
    import jax
    _d = setup_inputs()
    print(jax.jit(kernel)(*tuple(_d.values())))

</pallas_src>

<mosaic_0001>
#map = affine_map<(d0, d1) -> (0, 0)>
#map1 = affine_map<(d0, d1) -> (0, 0, 0)>
#map2 = affine_map<(d0, d1) -> (0, 0, 0, 0)>
module attributes {stable_mosaic.version = 14 : i64} {
  func.func @_seg_kernel(%arg0: i32, %arg1: i32, %arg2: memref<10000x128xf32, #tpu.memory_space<hbm>>, %arg3: memref<2x32x10000xi32, #tpu.memory_space<hbm>>, %arg4: memref<2x32x125x80xi32, #tpu.memory_space<hbm>>, %arg5: memref<80x128xf32, #tpu.memory_space<hbm>>, %arg6: memref<2x10000x128xf32, #tpu.memory_space<hbm>>, %arg7: memref<10000x128xf32, #tpu.memory_space<vmem_shared>>, %arg8: memref<10000xi32, #tpu.memory_space<vmem>>, %arg9: memref<125x80xi32, #tpu.memory_space<vmem>>, %arg10: memref<80x128xf32, #tpu.memory_space<vmem>>, %arg11: memref<80x128xf32, #tpu.memory_space<vmem>>, %arg12: memref<!tpu.dma_semaphore, #tpu.memory_space<semaphore_mem>>, %arg13: memref<!tpu.dma_semaphore, #tpu.memory_space<semaphore_mem>>) attributes {dimension_semantics = [#tpu.dimension_semantics<core_parallel>, #tpu.dimension_semantics<subcore_parallel>], iteration_bounds = array<i64: 2, 16>, scalar_prefetch = 0 : i64, scratch_operands = 7 : i64, tpu.core_type = #tpu.core_type<sc_vector_subcore>, window_params = [{transform_indices = #map}, {transform_indices = #map1}, {transform_indices = #map2}, {transform_indices = #map}, {transform_indices = #map1}]} {
    %mul3A = arith.constant 16 : i32
    %mul3A_0 = arith.muli %arg0, %mul3A : i32
    %add3A = arith.addi %mul3A_0, %arg1 : i32
    tpu.enqueue_dma source(%arg5 : memref<80x128xf32, #tpu.memory_space<hbm>>) target(%arg10 : memref<80x128xf32, #tpu.memory_space<vmem>>) target_semaphore(%arg12 : memref<!tpu.dma_semaphore, #tpu.memory_space<semaphore_mem>>)
    %dma_start3A = arith.constant 0 : i32
    %dma_start3A_1 = arith.constant 0 : i32
    %dma_start3A_2 = tpu.memref_slice %arg3[%dma_start3A, %add3A, %dma_start3A_1] : memref<2x32x10000xi32, #tpu.memory_space<hbm>> -> memref<1x1x10000xi32, #tpu.memory_space<hbm>>
    %dma_start3A_3 = tpu.memref_squeeze %dma_start3A_2 : memref<1x1x10000xi32, #tpu.memory_space<hbm>> -> memref<10000xi32, #tpu.memory_space<hbm>>
    %dma_start3A_4 = arith.constant 0 : i32
    %dma_start3A_5 = tpu.memref_slice %arg3[%dma_start3A, %add3A, %dma_start3A_4] : memref<2x32x10000xi32, #tpu.memory_space<hbm>> -> memref<1x1x10000xi32, #tpu.memory_space<hbm>>
    %dma_start3A_6 = tpu.memref_squeeze %dma_start3A_5 : memref<1x1x10000xi32, #tpu.memory_space<hbm>> -> memref<10000xi32, #tpu.memory_space<hbm>>
    tpu.enqueue_dma source(%dma_start3A_6 : memref<10000xi32, #tpu.memory_space<hbm>>) target(%arg8 : memref<10000xi32, #tpu.memory_space<vmem>>) target_semaphore(%arg13 : memref<!tpu.dma_semaphore, #tpu.memory_space<semaphore_mem>>)
    %dma_start3A_7 = arith.constant 1 : i32
    %dma_start3A_8 = arith.constant 0 : i32
    %dma_start3A_9 = arith.constant 0 : i32
    %dma_start3A_10 = tpu.memref_slice %arg4[%dma_start3A_7, %add3A, %dma_start3A_8, %dma_start3A_9] : memref<2x32x125x80xi32, #tpu.memory_space<hbm>> -> memref<1x1x125x80xi32, #tpu.memory_space<hbm>>
    %dma_start3A_11 = tpu.memref_squeeze %dma_start3A_10 : memref<1x1x125x80xi32, #tpu.memory_space<hbm>> -> memref<125x80xi32, #tpu.memory_space<hbm>>
    %dma_start3A_12 = arith.constant 0 : i32
    %dma_start3A_13 = arith.constant 0 : i32
    %dma_start3A_14 = tpu.memref_slice %arg4[%dma_start3A_7, %add3A, %dma_start3A_12, %dma_start3A_13] : memref<2x32x125x80xi32, #tpu.memory_space<hbm>> -> memref<1x1x125x80xi32, #tpu.memory_space<hbm>>
    %dma_start3A_15 = tpu.memref_squeeze %dma_start3A_14 : memref<1x1x125x80xi32, #tpu.memory_space<hbm>> -> memref<125x80xi32, #tpu.memory_space<hbm>>
    tpu.enqueue_dma source(%dma_start3A_15 : memref<125x80xi32, #tpu.memory_space<hbm>>) target(%arg9 : memref<125x80xi32, #tpu.memory_space<vmem>>) target_semaphore(%arg13 : memref<!tpu.dma_semaphore, #tpu.memory_space<semaphore_mem>>)
    tpu.wait_dma2 semaphore(%arg12 : memref<!tpu.dma_semaphore, #tpu.memory_space<semaphore_mem>>) src(%arg5 : memref<80x128xf32, #tpu.memory_space<hbm>>) dst(%arg10 : memref<80x128xf32, #tpu.memory_space<vmem>>)
    %mul3A_16 = arith.constant 624 : i32
    %mul3A_17 = arith.muli %arg1, %mul3A_16 : i32
    %add3A_18 = arith.constant 0 : i32
    %add3A_19 = arith.addi %mul3A_17, %add3A_18 : i32
    %dma_start3A_20 = arith.constant 0 : i32
    %dma_start3A_21 = tpu.memref_slice %arg7[%add3A_19, %dma_start3A_20] : memref<10000x128xf32, #tpu.memory_space<vmem_shared>> -> memref<80x128xf32, #tpu.memory_space<vmem_shared>>
    %dma_start3A_22 = arith.constant 0 : i32
    %dma_start3A_23 = tpu.memref_slice %arg7[%add3A_19, %dma_start3A_22] : memref<10000x128xf32, #tpu.memory_space<vmem_shared>> -> memref<80x128xf32, #tpu.memory_space<vmem_shared>>
    tpu.enqueue_dma source(%arg10 : memref<80x128xf32, #tpu.memory_space<vmem>>) target(%dma_start3A_23 : memref<80x128xf32, #tpu.memory_space<vmem_shared>>) target_semaphore(%arg12 : memref<!tpu.dma_semaphore, #tpu.memory_space<semaphore_mem>>)
    %mul3A_24 = arith.constant 624 : i32
    %mul3A_25 = arith.muli %arg1, %mul3A_24 : i32
    %add3A_26 = arith.constant 80 : i32
    %add3A_27 = arith.addi %mul3A_25, %add3A_26 : i32
    %dma_start3A_28 = arith.constant 0 : i32
    %dma_start3A_29 = tpu.memref_slice %arg7[%add3A_27, %dma_start3A_28] : memref<10000x128xf32, #tpu.memory_space<vmem_shared>> -> memref<80x128xf32, #tpu.memory_space<vmem_shared>>
    %dma_start3A_30 = arith.constant 0 : i32
    %dma_start3A_31 = tpu.memref_slice %arg7[%add3A_27, %dma_start3A_30] : memref<10000x128xf32, #tpu.memory_space<vmem_shared>> -> memref<80x128xf32, #tpu.memory_space<vmem_shared>>
    tpu.enqueue_dma source(%arg10 : memref<80x128xf32, #tpu.memory_space<vmem>>) target(%dma_start3A_31 : memref<80x128xf32, #tpu.memory_space<vmem_shared>>) target_semaphore(%arg12 : memref<!tpu.dma_semaphore, #tpu.memory_space<semaphore_mem>>)
    %mul3A_32 = arith.constant 624 : i32
    %mul3A_33 = arith.muli %arg1, %mul3A_32 : i32
    %add3A_34 = arith.constant 160 : i32
    %add3A_35 = arith.addi %mul3A_33, %add3A_34 : i32
    %dma_start3A_36 = arith.constant 0 : i32
    %dma_start3A_37 = tpu.memref_slice %arg7[%add3A_35, %dma_start3A_36] : memref<10000x128xf32, #tpu.memory_space<vmem_shared>> -> memref<80x128xf32, #tpu.memory_space<vmem_shared>>
    %dma_start3A_38 = arith.constant 0 : i32
    %dma_start3A_39 = tpu.memref_slice %arg7[%add3A_35, %dma_start3A_38] : memref<10000x128xf32, #tpu.memory_space<vmem_shared>> -> memref<80x128xf32, #tpu.memory_space<vmem_shared>>
    tpu.enqueue_dma source(%arg10 : memref<80x128xf32, #tpu.memory_space<vmem>>) target(%dma_start3A_39 : memref<80x128xf32, #tpu.memory_space<vmem_shared>>) target_semaphore(%arg12 : memref<!tpu.dma_semaphore, #tpu.memory_space<semaphore_mem>>)
    %mul3A_40 = arith.constant 624 : i32
    %mul3A_41 = arith.muli %arg1, %mul3A_40 : i32
    %add3A_42 = arith.constant 240 : i32
    %add3A_43 = arith.addi %mul3A_41, %add3A_42 : i32
    %dma_start3A_44 = arith.constant 0 : i32
    %dma_start3A_45 = tpu.memref_slice %arg7[%add3A_43, %dma_start3A_44] : memref<10000x128xf32, #tpu.memory_space<vmem_shared>> -> memref<80x128xf32, #tpu.memory_space<vmem_shared>>
    %dma_start3A_46 = arith.constant 0 : i32
    %dma_start3A_47 = tpu.memref_slice %arg7[%add3A_43, %dma_start3A_46] : memref<10000x128xf32, #tpu.memory_space<vmem_shared>> -> memref<80x128xf32, #tpu.memory_space<vmem_shared>>
    tpu.enqueue_dma source(%arg10 : memref<80x128xf32, #tpu.memory_space<vmem>>) target(%dma_start3A_47 : memref<80x128xf32, #tpu.memory_space<vmem_shared>>) target_semaphore(%arg12 : memref<!tpu.dma_semaphore, #tpu.memory_space<semaphore_mem>>)
    %mul3A_48 = arith.constant 624 : i32
    %mul3A_49 = arith.muli %arg1, %mul3A_48 : i32
    %add3A_50 = arith.constant 320 : i32
    %add3A_51 = arith.addi %mul3A_49, %add3A_50 : i32
    %dma_start3A_52 = arith.constant 0 : i32
    %dma_start3A_53 = tpu.memref_slice %arg7[%add3A_51, %dma_start3A_52] : memref<10000x128xf32, #tpu.memory_space<vmem_shared>> -> memref<80x128xf32, #tpu.memory_space<vmem_shared>>
    %dma_start3A_54 = arith.constant 0 : i32
    %dma_start3A_55 = tpu.memref_slice %arg7[%add3A_51, %dma_start3A_54] : memref<10000x128xf32, #tpu.memory_space<vmem_shared>> -> memref<80x128xf32, #tpu.memory_space<vmem_shared>>
    tpu.enqueue_dma source(%arg10 : memref<80x128xf32, #tpu.memory_space<vmem>>) target(%dma_start3A_55 : memref<80x128xf32, #tpu.memory_space<vmem_shared>>) target_semaphore(%arg12 : memref<!tpu.dma_semaphore, #tpu.memory_space<semaphore_mem>>)
    %mul3A_56 = arith.constant 624 : i32
    %mul3A_57 = arith.muli %arg1, %mul3A_56 : i32
    %add3A_58 = arith.constant 400 : i32
    %add3A_59 = arith.addi %mul3A_57, %add3A_58 : i32
    %dma_start3A_60 = arith.constant 0 : i32
    %dma_start3A_61 = tpu.memref_slice %arg7[%add3A_59, %dma_start3A_60] : memref<10000x128xf32, #tpu.memory_space<vmem_shared>> -> memref<80x128xf32, #tpu.memory_space<vmem_shared>>
    %dma_start3A_62 = arith.constant 0 : i32
    %dma_start3A_63 = tpu.memref_slice %arg7[%add3A_59, %dma_start3A_62] : memref<10000x128xf32, #tpu.memory_space<vmem_shared>> -> memref<80x128xf32, #tpu.memory_space<vmem_shared>>
    tpu.enqueue_dma source(%arg10 : memref<80x128xf32, #tpu.memory_space<vmem>>) target(%dma_start3A_63 : memref<80x128xf32, #tpu.memory_space<vmem_shared>>) target_semaphore(%arg12 : memref<!tpu.dma_semaphore, #tpu.memory_space<semaphore_mem>>)
    %mul3A_64 = arith.constant 624 : i32
    %mul3A_65 = arith.muli %arg1, %mul3A_64 : i32
    %add3A_66 = arith.constant 480 : i32
    %add3A_67 = arith.addi %mul3A_65, %add3A_66 : i32
    %dma_start3A_68 = arith.constant 0 : i32
    %dma_start3A_69 = tpu.memref_slice %arg7[%add3A_67, %dma_start3A_68] : memref<10000x128xf32, #tpu.memory_space<vmem_shared>> -> memref<80x128xf32, #tpu.memory_space<vmem_shared>>
    %dma_start3A_70 = arith.constant 0 : i32
    %dma_start3A_71 = tpu.memref_slice %arg7[%add3A_67, %dma_start3A_70] : memref<10000x128xf32, #tpu.memory_space<vmem_shared>> -> memref<80x128xf32, #tpu.memory_space<vmem_shared>>
    tpu.enqueue_dma source(%arg10 : memref<80x128xf32, #tpu.memory_space<vmem>>) target(%dma_start3A_71 : memref<80x128xf32, #tpu.memory_space<vmem_shared>>) target_semaphore(%arg12 : memref<!tpu.dma_semaphore, #tpu.memory_space<semaphore_mem>>)
    %mul3A_72 = arith.constant 624 : i32
    %mul3A_73 = arith.muli %arg1, %mul3A_72 : i32
    %add3A_74 = arith.constant 560 : i32
    %add3A_75 = arith.addi %mul3A_73, %add3A_74 : i32
    %dma_start3A_76 = arith.constant 0 : i32
    %dma_start3A_77 = arith.constant 0 : i32
    %dma_start3A_78 = tpu.memref_slice %arg10[%dma_start3A_76, %dma_start3A_77] : memref<80x128xf32, #tpu.memory_space<vmem>> -> memref<64x128xf32, #tpu.memory_space<vmem>>
    %dma_start3A_79 = arith.constant 0 : i32
    %dma_start3A_80 = tpu.memref_slice %arg7[%add3A_75, %dma_start3A_79] : memref<10000x128xf32, #tpu.memory_space<vmem_shared>> -> memref<64x128xf32, #tpu.memory_space<vmem_shared>>
    %dma_start3A_81 = arith.constant 0 : i32
    %dma_start3A_82 = tpu.memref_slice %arg7[%add3A_75, %dma_start3A_81] : memref<10000x128xf32, #tpu.memory_space<vmem_shared>> -> memref<64x128xf32, #tpu.memory_space<vmem_shared>>
    %dma_start3A_83 = arith.constant 0 : i32
    %dma_start3A_84 = arith.constant 0 : i32
    %dma_start3A_85 = tpu.memref_slice %arg10[%dma_start3A_83, %dma_start3A_84] : memref<80x128xf32, #tpu.memory_space<vmem>> -> memref<64x128xf32, #tpu.memory_space<vmem>>
    tpu.enqueue_dma source(%dma_start3A_85 : memref<64x128xf32, #tpu.memory_space<vmem>>) target(%dma_start3A_82 : memref<64x128xf32, #tpu.memory_space<vmem_shared>>) target_semaphore(%arg12 : memref<!tpu.dma_semaphore, #tpu.memory_space<semaphore_mem>>)
    %eq3A = arith.constant 0 : i32
    %eq3A_86 = arith.cmpi eq, %arg1, %eq3A : i32
    %convert_element_type3A = arith.extui %eq3A_86 : i1 to i32
    %cond3A = arith.constant 0 : i32
    %cond3A_87 = arith.cmpi ne, %convert_element_type3A, %cond3A : i32
    scf.if %cond3A_87 {
      %dma_start3A_166 = arith.constant 0 : i32
      %dma_start3A_167 = arith.constant 0 : i32
      %dma_start3A_168 = tpu.memref_slice %arg10[%dma_start3A_166, %dma_start3A_167] : memref<80x128xf32, #tpu.memory_space<vmem>> -> memref<16x128xf32, #tpu.memory_space<vmem>>
      %dma_start3A_169 = arith.constant 9984 : i32
      %dma_start3A_170 = arith.constant 0 : i32
      %dma_start3A_171 = tpu.memref_slice %arg7[%dma_start3A_169, %dma_start3A_170] : memref<10000x128xf32, #tpu.memory_space<vmem_shared>> -> memref<16x128xf32, #tpu.memory_space<vmem_shared>>
      %dma_start3A_172 = arith.constant 9984 : i32
      %dma_start3A_173 = arith.constant 0 : i32
      %dma_start3A_174 = tpu.memref_slice %arg7[%dma_start3A_172, %dma_start3A_173] : memref<10000x128xf32, #tpu.memory_space<vmem_shared>> -> memref<16x128xf32, #tpu.memory_space<vmem_shared>>
      %dma_start3A_175 = arith.constant 0 : i32
      %dma_start3A_176 = arith.constant 0 : i32
      %dma_start3A_177 = tpu.memref_slice %arg10[%dma_start3A_175, %dma_start3A_176] : memref<80x128xf32, #tpu.memory_space<vmem>> -> memref<16x128xf32, #tpu.memory_space<vmem>>
      tpu.enqueue_dma source(%dma_start3A_177 : memref<16x128xf32, #tpu.memory_space<vmem>>) target(%dma_start3A_174 : memref<16x128xf32, #tpu.memory_space<vmem_shared>>) target_semaphore(%arg12 : memref<!tpu.dma_semaphore, #tpu.memory_space<semaphore_mem>>)
      %dma_wait3A_178 = arith.constant 0 : i32
      %dma_wait3A_179 = arith.constant 0 : i32
      %dma_wait3A_180 = tpu.memref_slice %arg10[%dma_wait3A_178, %dma_wait3A_179] : memref<80x128xf32, #tpu.memory_space<vmem>> -> memref<16x128xf32, #tpu.memory_space<vmem>>
      %dma_wait3A_181 = arith.constant 9984 : i32
      %dma_wait3A_182 = arith.constant 0 : i32
      %dma_wait3A_183 = tpu.memref_slice %arg7[%dma_wait3A_181, %dma_wait3A_182] : memref<10000x128xf32, #tpu.memory_space<vmem_shared>> -> memref<16x128xf32, #tpu.memory_space<vmem_shared>>
      %dma_wait3A_184 = arith.constant 9984 : i32
      %dma_wait3A_185 = arith.constant 0 : i32
      %dma_wait3A_186 = tpu.memref_slice %arg7[%dma_wait3A_184, %dma_wait3A_185] : memref<10000x128xf32, #tpu.memory_space<vmem_shared>> -> memref<16x128xf32, #tpu.memory_space<vmem_shared>>
      %dma_wait3A_187 = arith.constant 0 : i32
      %dma_wait3A_188 = arith.constant 0 : i32
      %dma_wait3A_189 = tpu.memref_slice %arg10[%dma_wait3A_187, %dma_wait3A_188] : memref<80x128xf32, #tpu.memory_space<vmem>> -> memref<16x128xf32, #tpu.memory_space<vmem>>
      tpu.wait_dma2 semaphore(%arg12 : memref<!tpu.dma_semaphore, #tpu.memory_space<semaphore_mem>>) src(%dma_wait3A_189 : memref<16x128xf32, #tpu.memory_space<vmem>>) dst(%dma_wait3A_186 : memref<16x128xf32, #tpu.memory_space<vmem_shared>>)
    } else {
    }
    %dma_wait3A = arith.constant 0 : i32
    %dma_wait3A_88 = tpu.memref_slice %arg7[%add3A_19, %dma_wait3A] : memref<10000x128xf32, #tpu.memory_space<vmem_shared>> -> memref<80x128xf32, #tpu.memory_space<vmem_shared>>
    %dma_wait3A_89 = arith.constant 0 : i32
    %dma_wait3A_90 = tpu.memref_slice %arg7[%add3A_19, %dma_wait3A_89] : memref<10000x128xf32, #tpu.memory_space<vmem_shared>> -> memref<80x128xf32, #tpu.memory_space<vmem_shared>>
    tpu.wait_dma2 semaphore(%arg12 : memref<!tpu.dma_semaphore, #tpu.memory_space<semaphore_mem>>) src(%arg10 : memref<80x128xf32, #tpu.memory_space<vmem>>) dst(%dma_wait3A_90 : memref<80x128xf32, #tpu.memory_space<vmem_shared>>)
    %dma_wait3A_91 = arith.constant 0 : i32
    %dma_wait3A_92 = tpu.memref_slice %arg7[%add3A_27, %dma_wait3A_91] : memref<10000x128xf32, #tpu.memory_space<vmem_shared>> -> memref<80x128xf32, #tpu.memory_space<vmem_shared>>
    %dma_wait3A_93 = arith.constant 0 : i32
    %dma_wait3A_94 = tpu.memref_slice %arg7[%add3A_27, %dma_wait3A_93] : memref<10000x128xf32, #tpu.memory_space<vmem_shared>> -> memref<80x128xf32, #tpu.memory_space<vmem_shared>>
    tpu.wait_dma2 semaphore(%arg12 : memref<!tpu.dma_semaphore, #tpu.memory_space<semaphore_mem>>) src(%arg10 : memref<80x128xf32, #tpu.memory_space<vmem>>) dst(%dma_wait3A_94 : memref<80x128xf32, #tpu.memory_space<vmem_shared>>)
    %dma_wait3A_95 = arith.constant 0 : i32
    %dma_wait3A_96 = tpu.memref_slice %arg7[%add3A_35, %dma_wait3A_95] : memref<10000x128xf32, #tpu.memory_space<vmem_shared>> -> memref<80x128xf32, #tpu.memory_space<vmem_shared>>
    %dma_wait3A_97 = arith.constant 0 : i32
    %dma_wait3A_98 = tpu.memref_slice %arg7[%add3A_35, %dma_wait3A_97] : memref<10000x128xf32, #tpu.memory_space<vmem_shared>> -> memref<80x128xf32, #tpu.memory_space<vmem_shared>>
    tpu.wait_dma2 semaphore(%arg12 : memref<!tpu.dma_semaphore, #tpu.memory_space<semaphore_mem>>) src(%arg10 : memref<80x128xf32, #tpu.memory_space<vmem>>) dst(%dma_wait3A_98 : memref<80x128xf32, #tpu.memory_space<vmem_shared>>)
    %dma_wait3A_99 = arith.constant 0 : i32
    %dma_wait3A_100 = tpu.memref_slice %arg7[%add3A_43, %dma_wait3A_99] : memref<10000x128xf32, #tpu.memory_space<vmem_shared>> -> memref<80x128xf32, #tpu.memory_space<vmem_shared>>
    %dma_wait3A_101 = arith.constant 0 : i32
    %dma_wait3A_102 = tpu.memref_slice %arg7[%add3A_43, %dma_wait3A_101] : memref<10000x128xf32, #tpu.memory_space<vmem_shared>> -> memref<80x128xf32, #tpu.memory_space<vmem_shared>>
    tpu.wait_dma2 semaphore(%arg12 : memref<!tpu.dma_semaphore, #tpu.memory_space<semaphore_mem>>) src(%arg10 : memref<80x128xf32, #tpu.memory_space<vmem>>) dst(%dma_wait3A_102 : memref<80x128xf32, #tpu.memory_space<vmem_shared>>)
    %dma_wait3A_103 = arith.constant 0 : i32
    %dma_wait3A_104 = tpu.memref_slice %arg7[%add3A_51, %dma_wait3A_103] : memref<10000x128xf32, #tpu.memory_space<vmem_shared>> -> memref<80x128xf32, #tpu.memory_space<vmem_shared>>
    %dma_wait3A_105 = arith.constant 0 : i32
    %dma_wait3A_106 = tpu.memref_slice %arg7[%add3A_51, %dma_wait3A_105] : memref<10000x128xf32, #tpu.memory_space<vmem_shared>> -> memref<80x128xf32, #tpu.memory_space<vmem_shared>>
    tpu.wait_dma2 semaphore(%arg12 : memref<!tpu.dma_semaphore, #tpu.memory_space<semaphore_mem>>) src(%arg10 : memref<80x128xf32, #tpu.memory_space<vmem>>) dst(%dma_wait3A_106 : memref<80x128xf32, #tpu.memory_space<vmem_shared>>)
    %dma_wait3A_107 = arith.constant 0 : i32
    %dma_wait3A_108 = tpu.memref_slice %arg7[%add3A_59, %dma_wait3A_107] : memref<10000x128xf32, #tpu.memory_space<vmem_shared>> -> memref<80x128xf32, #tpu.memory_space<vmem_shared>>
    %dma_wait3A_109 = arith.constant 0 : i32
    %dma_wait3A_110 = tpu.memref_slice %arg7[%add3A_59, %dma_wait3A_109] : memref<10000x128xf32, #tpu.memory_space<vmem_shared>> -> memref<80x128xf32, #tpu.memory_space<vmem_shared>>
    tpu.wait_dma2 semaphore(%arg12 : memref<!tpu.dma_semaphore, #tpu.memory_space<semaphore_mem>>) src(%arg10 : memref<80x128xf32, #tpu.memory_space<vmem>>) dst(%dma_wait3A_110 : memref<80x128xf32, #tpu.memory_space<vmem_shared>>)
    %dma_wait3A_111 = arith.constant 0 : i32
    %dma_wait3A_112 = tpu.memref_slice %arg7[%add3A_67, %dma_wait3A_111] : memref<10000x128xf32, #tpu.memory_space<vmem_shared>> -> memref<80x128xf32, #tpu.memory_space<vmem_shared>>
    %dma_wait3A_113 = arith.constant 0 : i32
    %dma_wait3A_114 = tpu.memref_slice %arg7[%add3A_67, %dma_wait3A_113] : memref<10000x128xf32, #tpu.memory_space<vmem_shared>> -> memref<80x128xf32, #tpu.memory_space<vmem_shared>>
    tpu.wait_dma2 semaphore(%arg12 : memref<!tpu.dma_semaphore, #tpu.memory_space<semaphore_mem>>) src(%arg10 : memref<80x128xf32, #tpu.memory_space<vmem>>) dst(%dma_wait3A_114 : memref<80x128xf32, #tpu.memory_space<vmem_shared>>)
    %dma_wait3A_115 = arith.constant 0 : i32
    %dma_wait3A_116 = arith.constant 0 : i32
    %dma_wait3A_117 = tpu.memref_slice %arg10[%dma_wait3A_115, %dma_wait3A_116] : memref<80x128xf32, #tpu.memory_space<vmem>> -> memref<64x128xf32, #tpu.memory_space<vmem>>
    %dma_wait3A_118 = arith.constant 0 : i32
    %dma_wait3A_119 = tpu.memref_slice %arg7[%add3A_75, %dma_wait3A_118] : memref<10000x128xf32, #tpu.memory_space<vmem_shared>> -> memref<64x128xf32, #tpu.memory_space<vmem_shared>>
    %dma_wait3A_120 = arith.constant 0 : i32
    %dma_wait3A_121 = tpu.memref_slice %arg7[%add3A_75, %dma_wait3A_120] : memref<10000x128xf32, #tpu.memory_space<vmem_shared>> -> memref<64x128xf32, #tpu.memory_space<vmem_shared>>
    %dma_wait3A_122 = arith.constant 0 : i32
    %dma_wait3A_123 = arith.constant 0 : i32
    %dma_wait3A_124 = tpu.memref_slice %arg10[%dma_wait3A_122, %dma_wait3A_123] : memref<80x128xf32, #tpu.memory_space<vmem>> -> memref<64x128xf32, #tpu.memory_space<vmem>>
    tpu.wait_dma2 semaphore(%arg12 : memref<!tpu.dma_semaphore, #tpu.memory_space<semaphore_mem>>) src(%dma_wait3A_124 : memref<64x128xf32, #tpu.memory_space<vmem>>) dst(%dma_wait3A_121 : memref<64x128xf32, #tpu.memory_space<vmem_shared>>)
    %dma_wait3A_125 = arith.constant 0 : i32
    %dma_wait3A_126 = arith.constant 0 : i32
    %dma_wait3A_127 = tpu.memref_slice %arg3[%dma_wait3A_125, %add3A, %dma_wait3A_126] : memref<2x32x10000xi32, #tpu.memory_space<hbm>> -> memref<1x1x10000xi32, #tpu.memory_space<hbm>>
    %dma_wait3A_128 = tpu.memref_squeeze %dma_wait3A_127 : memref<1x1x10000xi32, #tpu.memory_space<hbm>> -> memref<10000xi32, #tpu.memory_space<hbm>>
    %dma_wait3A_129 = arith.constant 0 : i32
    %dma_wait3A_130 = tpu.memref_slice %arg3[%dma_wait3A_125, %add3A, %dma_wait3A_129] : memref<2x32x10000xi32, #tpu.memory_space<hbm>> -> memref<1x1x10000xi32, #tpu.memory_space<hbm>>
    %dma_wait3A_131 = tpu.memref_squeeze %dma_wait3A_130 : memref<1x1x10000xi32, #tpu.memory_space<hbm>> -> memref<10000xi32, #tpu.memory_space<hbm>>
    tpu.wait_dma2 semaphore(%arg13 : memref<!tpu.dma_semaphore, #tpu.memory_space<semaphore_mem>>) src(%dma_wait3A_131 : memref<10000xi32, #tpu.memory_space<hbm>>) dst(%arg8 : memref<10000xi32, #tpu.memory_space<vmem>>)
    %dma_wait3A_132 = arith.constant 1 : i32
    %dma_wait3A_133 = arith.constant 0 : i32
    %dma_wait3A_134 = arith.constant 0 : i32
    %dma_wait3A_135 = tpu.memref_slice %arg4[%dma_wait3A_132, %add3A, %dma_wait3A_133, %dma_wait3A_134] : memref<2x32x125x80xi32, #tpu.memory_space<hbm>> -> memref<1x1x125x80xi32, #tpu.memory_space<hbm>>
    %dma_wait3A_136 = tpu.memref_squeeze %dma_wait3A_135 : memref<1x1x125x80xi32, #tpu.memory_space<hbm>> -> memref<125x80xi32, #tpu.memory_space<hbm>>
    %dma_wait3A_137 = arith.constant 0 : i32
    %dma_wait3A_138 = arith.constant 0 : i32
    %dma_wait3A_139 = tpu.memref_slice %arg4[%dma_wait3A_132, %add3A, %dma_wait3A_137, %dma_wait3A_138] : memref<2x32x125x80xi32, #tpu.memory_space<hbm>> -> memref<1x1x125x80xi32, #tpu.memory_space<hbm>>
    %dma_wait3A_140 = tpu.memref_squeeze %dma_wait3A_139 : memref<1x1x125x80xi32, #tpu.memory_space<hbm>> -> memref<125x80xi32, #tpu.memory_space<hbm>>
    tpu.wait_dma2 semaphore(%arg13 : memref<!tpu.dma_semaphore, #tpu.memory_space<semaphore_mem>>) src(%dma_wait3A_140 : memref<125x80xi32, #tpu.memory_space<hbm>>) dst(%arg9 : memref<125x80xi32, #tpu.memory_space<vmem>>)
    %barrier3A = arith.constant 0 : index
    tpu.barrier barrier_id(%barrier3A)
    %dma_start3A_141 = arith.constant 0 : i32
    %dma_start3A_142 = tpu.memref_slice %arg8[%dma_start3A_141] : memref<10000xi32, #tpu.memory_space<vmem>> -> memref<80xi32, #tpu.memory_space<vmem>>
    %dma_start3A_143 = arith.constant 0 : i32
    %dma_start3A_144 = arith.constant 0 : i32
    %dma_start3A_145 = tpu.memref_slice %arg2[%dma_start3A_143, %dma_start3A_144] : memref<10000x128xf32, #tpu.memory_space<hbm>> -> memref<10000x128xf32, #tpu.memory_space<hbm>>
    tpu.enqueue_indirect_dma source(%dma_start3A_145 : memref<10000x128xf32, #tpu.memory_space<hbm>>) target(%arg10 : memref<80x128xf32, #tpu.memory_space<vmem>>) offsets(%dma_start3A_142 : memref<80xi32, #tpu.memory_space<vmem>>) semaphore(%arg12 : memref<!tpu.dma_semaphore, #tpu.memory_space<semaphore_mem>>)
    %scan3A = arith.constant 0 : i32
    %scan3A_146 = arith.constant 62 : i32
    %scan3A_147 = arith.addi %scan3A, %scan3A_146 : i32
    %scan3A_148 = arith.constant 1 : i32
    scf.for %scan3A_166 = %scan3A to %scan3A_147 step %scan3A_148  : i32 {
      %mul3A_167 = arith.constant 2 : i32
      %mul3A_168 = arith.muli %mul3A_167, %scan3A_166 : i32
      %add3A_169 = arith.constant 1 : i32
      %add3A_170 = arith.addi %mul3A_168, %add3A_169 : i32
      %mul3A_171 = arith.constant 80 : i32
      %mul3A_172 = arith.muli %add3A_170, %mul3A_171 : i32
      %multiple_of3A = tpu.assume_multiple %mul3A_172, 8 : i32
      %dma_start3A_173 = tpu.memref_slice %arg8[%multiple_of3A] : memref<10000xi32, #tpu.memory_space<vmem>> -> memref<80xi32, #tpu.memory_space<vmem>>
      %dma_start3A_174 = arith.constant 0 : i32
      %dma_start3A_175 = arith.constant 0 : i32
      %dma_start3A_176 = tpu.memref_slice %arg2[%dma_start3A_174, %dma_start3A_175] : memref<10000x128xf32, #tpu.memory_space<hbm>> -> memref<10000x128xf32, #tpu.memory_space<hbm>>
      tpu.enqueue_indirect_dma source(%dma_start3A_176 : memref<10000x128xf32, #tpu.memory_space<hbm>>) target(%arg11 : memref<80x128xf32, #tpu.memory_space<vmem>>) offsets(%dma_start3A_173 : memref<80xi32, #tpu.memory_space<vmem>>) semaphore(%arg13 : memref<!tpu.dma_semaphore, #tpu.memory_space<semaphore_mem>>)
      %dma_wait3A_177 = arith.constant 0 : i32
      %dma_wait3A_178 = arith.constant 0 : i32
      %dma_wait3A_179 = tpu.memref_slice %arg2[%dma_wait3A_177, %dma_wait3A_178] : memref<10000x128xf32, #tpu.memory_space<hbm>> -> memref<80x128xf32, #tpu.memory_space<hbm>>
      %dma_wait3A_180 = arith.constant 0 : i32
      %dma_wait3A_181 = arith.constant 0 : i32
      %dma_wait3A_182 = tpu.memref_slice %arg2[%dma_wait3A_180, %dma_wait3A_181] : memref<10000x128xf32, #tpu.memory_space<hbm>> -> memref<80x128xf32, #tpu.memory_space<hbm>>
      tpu.wait_dma2 semaphore(%arg12 : memref<!tpu.dma_semaphore, #tpu.memory_space<semaphore_mem>>) src(%dma_wait3A_182 : memref<80x128xf32, #tpu.memory_space<hbm>>) dst(%arg10 : memref<80x128xf32, #tpu.memory_space<vmem>>)
      "tpu.region"() ({
        %run_scoped3A_200 = tpu.sem_alloc : memref<!tpu.dma_semaphore, #tpu.memory_space<semaphore_mem>>
        %dma_start3A_201 = arith.constant 0 : i32
        %dma_start3A_202 = tpu.memref_slice %arg9[%mul3A_168, %dma_start3A_201] : memref<125x80xi32, #tpu.memory_space<vmem>> -> memref<1x80xi32, #tpu.memory_space<vmem>>
        %dma_start3A_203 = tpu.memref_squeeze %dma_start3A_202 : memref<1x80xi32, #tpu.memory_space<vmem>> -> memref<80xi32, #tpu.memory_space<vmem>>
        %dma_start3A_204 = arith.constant 0 : i32
        %dma_start3A_205 = arith.constant 0 : i32
        %dma_start3A_206 = tpu.memref_slice %arg7[%dma_start3A_204, %dma_start3A_205] : memref<10000x128xf32, #tpu.memory_space<vmem_shared>> -> memref<10000x128xf32, #tpu.memory_space<vmem_shared>>
        tpu.enqueue_indirect_dma source(%arg10 : memref<80x128xf32, #tpu.memory_space<vmem>>) target(%dma_start3A_206 : memref<10000x128xf32, #tpu.memory_space<vmem_shared>>) offsets(%dma_start3A_203 : memref<80xi32, #tpu.memory_space<vmem>>) semaphore(%run_scoped3A_200 : memref<!tpu.dma_semaphore, #tpu.memory_space<semaphore_mem>>) {add = true}
        %dma_wait3A_207 = arith.constant 0 : i32
        %dma_wait3A_208 = tpu.memref_slice %arg9[%mul3A_168, %dma_wait3A_207] : memref<125x80xi32, #tpu.memory_space<vmem>> -> memref<1x80xi32, #tpu.memory_space<vmem>>
        %dma_wait3A_209 = tpu.memref_squeeze %dma_wait3A_208 : memref<1x80xi32, #tpu.memory_space<vmem>> -> memref<80xi32, #tpu.memory_space<vmem>>
        %dma_wait3A_210 = arith.constant 0 : i32
        %dma_wait3A_211 = arith.constant 0 : i32
        %dma_wait3A_212 = tpu.memref_slice %arg7[%dma_wait3A_210, %dma_wait3A_211] : memref<10000x128xf32, #tpu.memory_space<vmem_shared>> -> memref<10000x128xf32, #tpu.memory_space<vmem_shared>>
        tpu.wait_indirect_dma semaphore(%run_scoped3A_200 : memref<!tpu.dma_semaphore, #tpu.memory_space<semaphore_mem>>) src(%arg10 : memref<80x128xf32, #tpu.memory_space<vmem>>) dst(%dma_wait3A_212 : memref<10000x128xf32, #tpu.memory_space<vmem_shared>>)
        tpu.yield
      }) : () -> ()
      %add3A_183 = arith.constant 2 : i32
      %add3A_184 = arith.addi %mul3A_168, %add3A_183 : i32
      %mul3A_185 = arith.constant 80 : i32
      %mul3A_186 = arith.muli %add3A_184, %mul3A_185 : i32
      %multiple_of3A_187 = tpu.assume_multiple %mul3A_186, 8 : i32
      %dma_start3A_188 = tpu.memref_slice %arg8[%multiple_of3A_187] : memref<10000xi32, #tpu.memory_space<vmem>> -> memref<80xi32, #tpu.memory_space<vmem>>
      %dma_start3A_189 = arith.constant 0 : i32
      %dma_start3A_190 = arith.constant 0 : i32
      %dma_start3A_191 = tpu.memref_slice %arg2[%dma_start3A_189, %dma_start3A_190] : memref<10000x128xf32, #tpu.memory_space<hbm>> -> memref<10000x128xf32, #tpu.memory_space<hbm>>
      tpu.enqueue_indirect_dma source(%dma_start3A_191 : memref<10000x128xf32, #tpu.memory_space<hbm>>) target(%arg10 : memref<80x128xf32, #tpu.memory_space<vmem>>) offsets(%dma_start3A_188 : memref<80xi32, #tpu.memory_space<vmem>>) semaphore(%arg12 : memref<!tpu.dma_semaphore, #tpu.memory_space<semaphore_mem>>)
      %dma_wait3A_192 = arith.constant 0 : i32
      %dma_wait3A_193 = arith.constant 0 : i32
      %dma_wait3A_194 = tpu.memref_slice %arg2[%dma_wait3A_192, %dma_wait3A_193] : memref<10000x128xf32, #tpu.memory_space<hbm>> -> memref<80x128xf32, #tpu.memory_space<hbm>>
      %dma_wait3A_195 = arith.constant 0 : i32
      %dma_wait3A_196 = arith.constant 0 : i32
      %dma_wait3A_197 = tpu.memref_slice %arg2[%dma_wait3A_195, %dma_wait3A_196] : memref<10000x128xf32, #tpu.memory_space<hbm>> -> memref<80x128xf32, #tpu.memory_space<hbm>>
      tpu.wait_dma2 semaphore(%arg13 : memref<!tpu.dma_semaphore, #tpu.memory_space<semaphore_mem>>) src(%dma_wait3A_197 : memref<80x128xf32, #tpu.memory_space<hbm>>) dst(%arg11 : memref<80x128xf32, #tpu.memory_space<vmem>>)
      %add3A_198 = arith.constant 1 : i32
      %add3A_199 = arith.addi %mul3A_168, %add3A_198 : i32
      "tpu.region"() ({
        %run_scoped3A_200 = tpu.sem_alloc : memref<!tpu.dma_semaphore, #tpu.memory_space<semaphore_mem>>
        %dma_start3A_201 = arith.constant 0 : i32
        %dma_start3A_202 = tpu.memref_slice %arg9[%add3A_199, %dma_start3A_201] : memref<125x80xi32, #tpu.memory_space<vmem>> -> memref<1x80xi32, #tpu.memory_space<vmem>>
        %dma_start3A_203 = tpu.memref_squeeze %dma_start3A_202 : memref<1x80xi32, #tpu.memory_space<vmem>> -> memref<80xi32, #tpu.memory_space<vmem>>
        %dma_start3A_204 = arith.constant 0 : i32
        %dma_start3A_205 = arith.constant 0 : i32
        %dma_start3A_206 = tpu.memref_slice %arg7[%dma_start3A_204, %dma_start3A_205] : memref<10000x128xf32, #tpu.memory_space<vmem_shared>> -> memref<10000x128xf32, #tpu.memory_space<vmem_shared>>
        tpu.enqueue_indirect_dma source(%arg11 : memref<80x128xf32, #tpu.memory_space<vmem>>) target(%dma_start3A_206 : memref<10000x128xf32, #tpu.memory_space<vmem_shared>>) offsets(%dma_start3A_203 : memref<80xi32, #tpu.memory_space<vmem>>) semaphore(%run_scoped3A_200 : memref<!tpu.dma_semaphore, #tpu.memory_space<semaphore_mem>>) {add = true}
        %dma_wait3A_207 = arith.constant 0 : i32
        %dma_wait3A_208 = tpu.memref_slice %arg9[%add3A_199, %dma_wait3A_207] : memref<125x80xi32, #tpu.memory_space<vmem>> -> memref<1x80xi32, #tpu.memory_space<vmem>>
        %dma_wait3A_209 = tpu.memref_squeeze %dma_wait3A_208 : memref<1x80xi32, #tpu.memory_space<vmem>> -> memref<80xi32, #tpu.memory_space<vmem>>
        %dma_wait3A_210 = arith.constant 0 : i32
        %dma_wait3A_211 = arith.constant 0 : i32
        %dma_wait3A_212 = tpu.memref_slice %arg7[%dma_wait3A_210, %dma_wait3A_211] : memref<10000x128xf32, #tpu.memory_space<vmem_shared>> -> memref<10000x128xf32, #tpu.memory_space<vmem_shared>>
        tpu.wait_indirect_dma semaphore(%run_scoped3A_200 : memref<!tpu.dma_semaphore, #tpu.memory_space<semaphore_mem>>) src(%arg11 : memref<80x128xf32, #tpu.memory_space<vmem>>) dst(%dma_wait3A_212 : memref<10000x128xf32, #tpu.memory_space<vmem_shared>>)
        tpu.yield
      }) : () -> ()
    }
    %scan3A_149 = arith.constant 62 : i32
    %dma_wait3A_150 = arith.constant 0 : i32
    %dma_wait3A_151 = arith.constant 0 : i32
    %dma_wait3A_152 = tpu.memref_slice %arg2[%dma_wait3A_150, %dma_wait3A_151] : memref<10000x128xf32, #tpu.memory_space<hbm>> -> memref<80x128xf32, #tpu.memory_space<hbm>>
    %dma_wait3A_153 = arith.constant 0 : i32
    %dma_wait3A_154 = arith.constant 0 : i32
    %dma_wait3A_155 = tpu.memref_slice %arg2[%dma_wait3A_153, %dma_wait3A_154] : memref<10000x128xf32, #tpu.memory_space<hbm>> -> memref<80x128xf32, #tpu.memory_space<hbm>>
    tpu.wait_dma2 semaphore(%arg12 : memref<!tpu.dma_semaphore, #tpu.memory_space<semaphore_mem>>) src(%dma_wait3A_155 : memref<80x128xf32, #tpu.memory_space<hbm>>) dst(%arg10 : memref<80x128xf32, #tpu.memory_space<vmem>>)
    %run_scoped3A = arith.constant 124 : i32
    "tpu.region"() ({
      %run_scoped3A_166 = tpu.sem_alloc : memref<!tpu.dma_semaphore, #tpu.memory_space<semaphore_mem>>
      %dma_start3A_167 = arith.constant 0 : i32
      %dma_start3A_168 = tpu.memref_slice %arg9[%run_scoped3A, %dma_start3A_167] : memref<125x80xi32, #tpu.memory_space<vmem>> -> memref<1x80xi32, #tpu.memory_space<vmem>>
      %dma_start3A_169 = tpu.memref_squeeze %dma_start3A_168 : memref<1x80xi32, #tpu.memory_space<vmem>> -> memref<80xi32, #tpu.memory_space<vmem>>
      %dma_start3A_170 = arith.constant 0 : i32
      %dma_start3A_171 = arith.constant 0 : i32
      %dma_start3A_172 = tpu.memref_slice %arg7[%dma_start3A_170, %dma_start3A_171] : memref<10000x128xf32, #tpu.memory_space<vmem_shared>> -> memref<10000x128xf32, #tpu.memory_space<vmem_shared>>
      tpu.enqueue_indirect_dma source(%arg10 : memref<80x128xf32, #tpu.memory_space<vmem>>) target(%dma_start3A_172 : memref<10000x128xf32, #tpu.memory_space<vmem_shared>>) offsets(%dma_start3A_169 : memref<80xi32, #tpu.memory_space<vmem>>) semaphore(%run_scoped3A_166 : memref<!tpu.dma_semaphore, #tpu.memory_space<semaphore_mem>>) {add = true}
      %dma_wait3A_173 = arith.constant 0 : i32
      %dma_wait3A_174 = tpu.memref_slice %arg9[%run_scoped3A, %dma_wait3A_173] : memref<125x80xi32, #tpu.memory_space<vmem>> -> memref<1x80xi32, #tpu.memory_space<vmem>>
      %dma_wait3A_175 = tpu.memref_squeeze %dma_wait3A_174 : memref<1x80xi32, #tpu.memory_space<vmem>> -> memref<80xi32, #tpu.memory_space<vmem>>
      %dma_wait3A_176 = arith.constant 0 : i32
      %dma_wait3A_177 = arith.constant 0 : i32
      %dma_wait3A_178 = tpu.memref_slice %arg7[%dma_wait3A_176, %dma_wait3A_177] : memref<10000x128xf32, #tpu.memory_space<vmem_shared>> -> memref<10000x128xf32, #tpu.memory_space<vmem_shared>>
      tpu.wait_indirect_dma semaphore(%run_scoped3A_166 : memref<!tpu.dma_semaphore, #tpu.memory_space<semaphore_mem>>) src(%arg10 : memref<80x128xf32, #tpu.memory_space<vmem>>) dst(%dma_wait3A_178 : memref<10000x128xf32, #tpu.memory_space<vmem_shared>>)
      tpu.yield
    }) : () -> ()
    %barrier3A_156 = arith.constant 0 : index
    tpu.barrier barrier_id(%barrier3A_156)
    %mul3A_157 = arith.constant 624 : i32
    %mul3A_158 = arith.muli %arg1, %mul3A_157 : i32
    %mul3A_159 = arith.constant 624 : i32
    %mul3A_160 = arith.muli %arg1, %mul3A_159 : i32
    "tpu.region"() ({
      %run_scoped3A_166 = tpu.sem_alloc : memref<!tpu.dma_semaphore, #tpu.memory_space<semaphore_mem>>
      %dma_start3A_167 = arith.constant 0 : i32
      %dma_start3A_168 = tpu.memref_slice %arg6[%arg0, %mul3A_160, %dma_start3A_167] : memref<2x10000x128xf32, #tpu.memory_space<hbm>> -> memref<1x624x128xf32, #tpu.memory_space<hbm>>
      %dma_start3A_169 = tpu.memref_squeeze %dma_start3A_168 : memref<1x624x128xf32, #tpu.memory_space<hbm>> -> memref<624x128xf32, #tpu.memory_space<hbm>>
      %dma_start3A_170 = arith.constant 0 : i32
      %dma_start3A_171 = tpu.memref_slice %arg7[%mul3A_158, %dma_start3A_170] : memref<10000x128xf32, #tpu.memory_space<vmem_shared>> -> memref<624x128xf32, #tpu.memory_space<vmem_shared>>
      tpu.enqueue_dma source(%dma_start3A_171 : memref<624x128xf32, #tpu.memory_space<vmem_shared>>) target(%dma_start3A_169 : memref<624x128xf32, #tpu.memory_space<hbm>>) target_semaphore(%run_scoped3A_166 : memref<!tpu.dma_semaphore, #tpu.memory_space<semaphore_mem>>)
      %dma_wait3A_172 = arith.constant 0 : i32
      %dma_wait3A_173 = tpu.memref_slice %arg6[%arg0, %mul3A_160, %dma_wait3A_172] : memref<2x10000x128xf32, #tpu.memory_space<hbm>> -> memref<1x624x128xf32, #tpu.memory_space<hbm>>
      %dma_wait3A_174 = tpu.memref_squeeze %dma_wait3A_173 : memref<1x624x128xf32, #tpu.memory_space<hbm>> -> memref<624x128xf32, #tpu.memory_space<hbm>>
      %dma_wait3A_175 = arith.constant 0 : i32
      %dma_wait3A_176 = tpu.memref_slice %arg7[%mul3A_158, %dma_wait3A_175] : memref<10000x128xf32, #tpu.memory_space<vmem_shared>> -> memref<624x128xf32, #tpu.memory_space<vmem_shared>>
      tpu.wait_dma2 semaphore(%run_scoped3A_166 : memref<!tpu.dma_semaphore, #tpu.memory_space<semaphore_mem>>) src(%dma_wait3A_176 : memref<624x128xf32, #tpu.memory_space<vmem_shared>>) dst(%dma_wait3A_174 : memref<624x128xf32, #tpu.memory_space<hbm>>)
      tpu.yield
    }) : () -> ()
    %eq3A_161 = arith.constant 0 : i32
    %eq3A_162 = arith.cmpi eq, %arg1, %eq3A_161 : i32
    %convert_element_type3A_163 = arith.extui %eq3A_162 : i1 to i32
    %cond3A_164 = arith.constant 0 : i32
    %cond3A_165 = arith.cmpi ne, %convert_element_type3A_163, %cond3A_164 : i32
    scf.if %cond3A_165 {
      "tpu.region"() ({
        %run_scoped3A_166 = tpu.sem_alloc : memref<!tpu.dma_semaphore, #tpu.memory_space<semaphore_mem>>
        %dma_start3A_167 = arith.constant 9984 : i32
        %dma_start3A_168 = arith.constant 0 : i32
        %dma_start3A_169 = tpu.memref_slice %arg6[%arg0, %dma_start3A_167, %dma_start3A_168] : memref<2x10000x128xf32, #tpu.memory_space<hbm>> -> memref<1x16x128xf32, #tpu.memory_space<hbm>>
        %dma_start3A_170 = tpu.memref_squeeze %dma_start3A_169 : memref<1x16x128xf32, #tpu.memory_space<hbm>> -> memref<16x128xf32, #tpu.memory_space<hbm>>
        %dma_start3A_171 = arith.constant 9984 : i32
        %dma_start3A_172 = arith.constant 0 : i32
        %dma_start3A_173 = tpu.memref_slice %arg7[%dma_start3A_171, %dma_start3A_172] : memref<10000x128xf32, #tpu.memory_space<vmem_shared>> -> memref<16x128xf32, #tpu.memory_space<vmem_shared>>
        tpu.enqueue_dma source(%dma_start3A_173 : memref<16x128xf32, #tpu.memory_space<vmem_shared>>) target(%dma_start3A_170 : memref<16x128xf32, #tpu.memory_space<hbm>>) target_semaphore(%run_scoped3A_166 : memref<!tpu.dma_semaphore, #tpu.memory_space<semaphore_mem>>)
        %dma_wait3A_174 = arith.constant 9984 : i32
        %dma_wait3A_175 = arith.constant 0 : i32
        %dma_wait3A_176 = tpu.memref_slice %arg6[%arg0, %dma_wait3A_174, %dma_wait3A_175] : memref<2x10000x128xf32, #tpu.memory_space<hbm>> -> memref<1x16x128xf32, #tpu.memory_space<hbm>>
        %dma_wait3A_177 = tpu.memref_squeeze %dma_wait3A_176 : memref<1x16x128xf32, #tpu.memory_space<hbm>> -> memref<16x128xf32, #tpu.memory_space<hbm>>
        %dma_wait3A_178 = arith.constant 9984 : i32
        %dma_wait3A_179 = arith.constant 0 : i32
        %dma_wait3A_180 = tpu.memref_slice %arg7[%dma_wait3A_178, %dma_wait3A_179] : memref<10000x128xf32, #tpu.memory_space<vmem_shared>> -> memref<16x128xf32, #tpu.memory_space<vmem_shared>>
        tpu.wait_dma2 semaphore(%run_scoped3A_166 : memref<!tpu.dma_semaphore, #tpu.memory_space<semaphore_mem>>) src(%dma_wait3A_180 : memref<16x128xf32, #tpu.memory_space<vmem_shared>>) dst(%dma_wait3A_177 : memref<16x128xf32, #tpu.memory_space<hbm>>)
        tpu.yield
      }) : () -> ()
    } else {
    }
    return
  }
}

#map = affine_map<(d0, d1) -> (0, 0, 0, 0)>
#map1 = affine_map<(d0, d1) -> (0)>
#map2 = affine_map<(d0, d1) -> (0, 0, 0)>
module attributes {stable_mosaic.version = 14 : i64} {
  func.func @_deg_kernel(%arg0: i32, %arg1: i32, %arg2: memref<2x32x125x80xi32, #tpu.memory_space<hbm>>, %arg3: memref<10240xf32, #tpu.memory_space<hbm>>, %arg4: memref<2x2x10240xf32, #tpu.memory_space<hbm>>, %arg5: memref<10240xf32, #tpu.memory_space<vmem_shared>>, %arg6: memref<10240xf32, #tpu.memory_space<vmem_shared>>, %arg7: memref<125x80xi32, #tpu.memory_space<vmem>>, %arg8: memref<125x80xi32, #tpu.memory_space<vmem>>, %arg9: memref<80xf32, #tpu.memory_space<vmem>>, %arg10: memref<!tpu.dma_semaphore, #tpu.memory_space<semaphore_mem>>, %arg11: memref<!tpu.dma_semaphore, #tpu.memory_space<semaphore_mem>>, %arg12: memref<!tpu.dma_semaphore, #tpu.memory_space<semaphore_mem>>, %arg13: memref<!tpu.dma_semaphore, #tpu.memory_space<semaphore_mem>>) attributes {dimension_semantics = [#tpu.dimension_semantics<core_parallel>, #tpu.dimension_semantics<subcore_parallel>], iteration_bounds = array<i64: 2, 16>, scalar_prefetch = 0 : i64, scratch_operands = 9 : i64, tpu.core_type = #tpu.core_type<sc_vector_subcore>, window_params = [{transform_indices = #map}, {transform_indices = #map1}, {transform_indices = #map2}]} {
    %mul3A = arith.constant 16 : i32
    %mul3A_0 = arith.muli %arg0, %mul3A : i32
    %add3A = arith.addi %mul3A_0, %arg1 : i32
    %mul3A_1 = arith.constant 640 : i32
    %mul3A_2 = arith.muli %arg1, %mul3A_1 : i32
    %mul3A_3 = arith.constant 640 : i32
    %mul3A_4 = arith.muli %arg1, %mul3A_3 : i32
    %dma_start3A = tpu.memref_slice %arg5[%mul3A_4] : memref<10240xf32, #tpu.memory_space<vmem_shared>> -> memref<640xf32, #tpu.memory_space<vmem_shared>>
    %dma_start3A_5 = tpu.memref_slice %arg3[%mul3A_2] : memref<10240xf32, #tpu.memory_space<hbm>> -> memref<640xf32, #tpu.memory_space<hbm>>
    tpu.enqueue_dma source(%dma_start3A_5 : memref<640xf32, #tpu.memory_space<hbm>>) target(%dma_start3A : memref<640xf32, #tpu.memory_space<vmem_shared>>) target_semaphore(%arg10 : memref<!tpu.dma_semaphore, #tpu.memory_space<semaphore_mem>>)
    %mul3A_6 = arith.constant 640 : i32
    %mul3A_7 = arith.muli %arg1, %mul3A_6 : i32
    %mul3A_8 = arith.constant 640 : i32
    %mul3A_9 = arith.muli %arg1, %mul3A_8 : i32
    %dma_start3A_10 = tpu.memref_slice %arg6[%mul3A_9] : memref<10240xf32, #tpu.memory_space<vmem_shared>> -> memref<640xf32, #tpu.memory_space<vmem_shared>>
    %dma_start3A_11 = tpu.memref_slice %arg3[%mul3A_7] : memref<10240xf32, #tpu.memory_space<hbm>> -> memref<640xf32, #tpu.memory_space<hbm>>
    tpu.enqueue_dma source(%dma_start3A_11 : memref<640xf32, #tpu.memory_space<hbm>>) target(%dma_start3A_10 : memref<640xf32, #tpu.memory_space<vmem_shared>>) target_semaphore(%arg11 : memref<!tpu.dma_semaphore, #tpu.memory_space<semaphore_mem>>)
    %dma_start3A_12 = arith.constant 0 : i32
    %dma_start3A_13 = arith.constant 0 : i32
    %dma_start3A_14 = arith.constant 0 : i32
    %dma_start3A_15 = tpu.memref_slice %arg2[%dma_start3A_12, %add3A, %dma_start3A_13, %dma_start3A_14] : memref<2x32x125x80xi32, #tpu.memory_space<hbm>> -> memref<1x1x125x80xi32, #tpu.memory_space<hbm>>
    %dma_start3A_16 = tpu.memref_squeeze %dma_start3A_15 : memref<1x1x125x80xi32, #tpu.memory_space<hbm>> -> memref<125x80xi32, #tpu.memory_space<hbm>>
    %dma_start3A_17 = arith.constant 0 : i32
    %dma_start3A_18 = arith.constant 0 : i32
    %dma_start3A_19 = tpu.memref_slice %arg2[%dma_start3A_12, %add3A, %dma_start3A_17, %dma_start3A_18] : memref<2x32x125x80xi32, #tpu.memory_space<hbm>> -> memref<1x1x125x80xi32, #tpu.memory_space<hbm>>
    %dma_start3A_20 = tpu.memref_squeeze %dma_start3A_19 : memref<1x1x125x80xi32, #tpu.memory_space<hbm>> -> memref<125x80xi32, #tpu.memory_space<hbm>>
    tpu.enqueue_dma source(%dma_start3A_20 : memref<125x80xi32, #tpu.memory_space<hbm>>) target(%arg7 : memref<125x80xi32, #tpu.memory_space<vmem>>) target_semaphore(%arg12 : memref<!tpu.dma_semaphore, #tpu.memory_space<semaphore_mem>>)
    %dma_start3A_21 = arith.constant 1 : i32
    %dma_start3A_22 = arith.constant 0 : i32
    %dma_start3A_23 = arith.constant 0 : i32
    %dma_start3A_24 = tpu.memref_slice %arg2[%dma_start3A_21, %add3A, %dma_start3A_22, %dma_start3A_23] : memref<2x32x125x80xi32, #tpu.memory_space<hbm>> -> memref<1x1x125x80xi32, #tpu.memory_space<hbm>>
    %dma_start3A_25 = tpu.memref_squeeze %dma_start3A_24 : memref<1x1x125x80xi32, #tpu.memory_space<hbm>> -> memref<125x80xi32, #tpu.memory_space<hbm>>
    %dma_start3A_26 = arith.constant 0 : i32
    %dma_start3A_27 = arith.constant 0 : i32
    %dma_start3A_28 = tpu.memref_slice %arg2[%dma_start3A_21, %add3A, %dma_start3A_26, %dma_start3A_27] : memref<2x32x125x80xi32, #tpu.memory_space<hbm>> -> memref<1x1x125x80xi32, #tpu.memory_space<hbm>>
    %dma_start3A_29 = tpu.memref_squeeze %dma_start3A_28 : memref<1x1x125x80xi32, #tpu.memory_space<hbm>> -> memref<125x80xi32, #tpu.memory_space<hbm>>
    tpu.enqueue_dma source(%dma_start3A_29 : memref<125x80xi32, #tpu.memory_space<hbm>>) target(%arg8 : memref<125x80xi32, #tpu.memory_space<vmem>>) target_semaphore(%arg13 : memref<!tpu.dma_semaphore, #tpu.memory_space<semaphore_mem>>)
    %broadcast_in_dim3A = arith.constant 1.000000e+00 : f32
    %broadcast_in_dim3A_30 = vector.broadcast %broadcast_in_dim3A : f32 to vector<16xf32>
    %swap3A = arith.constant 0 : index
    %swap3A_31 = tpu.vector_load %arg9[%swap3A] {strides = array<i32>} : memref<80xf32, #tpu.memory_space<vmem>>, vector<16xf32>,
    %swap3A_32 = vector.shape_cast %swap3A_31 : vector<16xf32> to vector<16xf32>
    %swap3A_33 = vector.shape_cast %broadcast_in_dim3A_30 : vector<16xf32> to vector<16xf32>
    tpu.vector_store %arg9[%swap3A], %swap3A_33 {strides = array<i32>} : memref<80xf32, #tpu.memory_space<vmem>>, vector<16xf32>,
    %broadcast_in_dim3A_34 = arith.constant 1.000000e+00 : f32
    %broadcast_in_dim3A_35 = vector.broadcast %broadcast_in_dim3A_34 : f32 to vector<16xf32>
    %swap3A_36 = arith.constant 16 : index
    %swap3A_37 = tpu.vector_load %arg9[%swap3A_36] {strides = array<i32>} : memref<80xf32, #tpu.memory_space<vmem>>, vector<16xf32>,
    %swap3A_38 = vector.shape_cast %swap3A_37 : vector<16xf32> to vector<16xf32>
    %swap3A_39 = vector.shape_cast %broadcast_in_dim3A_35 : vector<16xf32> to vector<16xf32>
    tpu.vector_store %arg9[%swap3A_36], %swap3A_39 {strides = array<i32>} : memref<80xf32, #tpu.memory_space<vmem>>, vector<16xf32>,
    %broadcast_in_dim3A_40 = arith.constant 1.000000e+00 : f32
    %broadcast_in_dim3A_41 = vector.broadcast %broadcast_in_dim3A_40 : f32 to vector<16xf32>
    %swap3A_42 = arith.constant 32 : index
    %swap3A_43 = tpu.vector_load %arg9[%swap3A_42] {strides = array<i32>} : memref<80xf32, #tpu.memory_space<vmem>>, vector<16xf32>,
    %swap3A_44 = vector.shape_cast %swap3A_43 : vector<16xf32> to vector<16xf32>
    %swap3A_45 = vector.shape_cast %broadcast_in_dim3A_41 : vector<16xf32> to vector<16xf32>
    tpu.vector_store %arg9[%swap3A_42], %swap3A_45 {strides = array<i32>} : memref<80xf32, #tpu.memory_space<vmem>>, vector<16xf32>,
    %broadcast_in_dim3A_46 = arith.constant 1.000000e+00 : f32
    %broadcast_in_dim3A_47 = vector.broadcast %broadcast_in_dim3A_46 : f32 to vector<16xf32>
    %swap3A_48 = arith.constant 48 : index
    %swap3A_49 = tpu.vector_load %arg9[%swap3A_48] {strides = array<i32>} : memref<80xf32, #tpu.memory_space<vmem>>, vector<16xf32>,
    %swap3A_50 = vector.shape_cast %swap3A_49 : vector<16xf32> to vector<16xf32>
    %swap3A_51 = vector.shape_cast %broadcast_in_dim3A_47 : vector<16xf32> to vector<16xf32>
    tpu.vector_store %arg9[%swap3A_48], %swap3A_51 {strides = array<i32>} : memref<80xf32, #tpu.memory_space<vmem>>, vector<16xf32>,
    %broadcast_in_dim3A_52 = arith.constant 1.000000e+00 : f32
    %broadcast_in_dim3A_53 = vector.broadcast %broadcast_in_dim3A_52 : f32 to vector<16xf32>
    %swap3A_54 = arith.constant 64 : index
    %swap3A_55 = tpu.vector_load %arg9[%swap3A_54] {strides = array<i32>} : memref<80xf32, #tpu.memory_space<vmem>>, vector<16xf32>,
    %swap3A_56 = vector.shape_cast %swap3A_55 : vector<16xf32> to vector<16xf32>
    %swap3A_57 = vector.shape_cast %broadcast_in_dim3A_53 : vector<16xf32> to vector<16xf32>
    tpu.vector_store %arg9[%swap3A_54], %swap3A_57 {strides = array<i32>} : memref<80xf32, #tpu.memory_space<vmem>>, vector<16xf32>,
    %dma_wait3A = tpu.memref_slice %arg5[%mul3A_4] : memref<10240xf32, #tpu.memory_space<vmem_shared>> -> memref<640xf32, #tpu.memory_space<vmem_shared>>
    %dma_wait3A_58 = tpu.memref_slice %arg3[%mul3A_2] : memref<10240xf32, #tpu.memory_space<hbm>> -> memref<640xf32, #tpu.memory_space<hbm>>
    tpu.wait_dma2 semaphore(%arg10 : memref<!tpu.dma_semaphore, #tpu.memory_space<semaphore_mem>>) src(%dma_wait3A_58 : memref<640xf32, #tpu.memory_space<hbm>>) dst(%dma_wait3A : memref<640xf32, #tpu.memory_space<vmem_shared>>)
    %dma_wait3A_59 = tpu.memref_slice %arg6[%mul3A_9] : memref<10240xf32, #tpu.memory_space<vmem_shared>> -> memref<640xf32, #tpu.memory_space<vmem_shared>>
    %dma_wait3A_60 = tpu.memref_slice %arg3[%mul3A_7] : memref<10240xf32, #tpu.memory_space<hbm>> -> memref<640xf32, #tpu.memory_space<hbm>>
    tpu.wait_dma2 semaphore(%arg11 : memref<!tpu.dma_semaphore, #tpu.memory_space<semaphore_mem>>) src(%dma_wait3A_60 : memref<640xf32, #tpu.memory_space<hbm>>) dst(%dma_wait3A_59 : memref<640xf32, #tpu.memory_space<vmem_shared>>)
    %dma_wait3A_61 = arith.constant 0 : i32
    %dma_wait3A_62 = arith.constant 0 : i32
    %dma_wait3A_63 = arith.constant 0 : i32
    %dma_wait3A_64 = tpu.memref_slice %arg2[%dma_wait3A_61, %add3A, %dma_wait3A_62, %dma_wait3A_63] : memref<2x32x125x80xi32, #tpu.memory_space<hbm>> -> memref<1x1x125x80xi32, #tpu.memory_space<hbm>>
    %dma_wait3A_65 = tpu.memref_squeeze %dma_wait3A_64 : memref<1x1x125x80xi32, #tpu.memory_space<hbm>> -> memref<125x80xi32, #tpu.memory_space<hbm>>
    %dma_wait3A_66 = arith.constant 0 : i32
    %dma_wait3A_67 = arith.constant 0 : i32
    %dma_wait3A_68 = tpu.memref_slice %arg2[%dma_wait3A_61, %add3A, %dma_wait3A_66, %dma_wait3A_67] : memref<2x32x125x80xi32, #tpu.memory_space<hbm>> -> memref<1x1x125x80xi32, #tpu.memory_space<hbm>>
    %dma_wait3A_69 = tpu.memref_squeeze %dma_wait3A_68 : memref<1x1x125x80xi32, #tpu.memory_space<hbm>> -> memref<125x80xi32, #tpu.memory_space<hbm>>
    tpu.wait_dma2 semaphore(%arg12 : memref<!tpu.dma_semaphore, #tpu.memory_space<semaphore_mem>>) src(%dma_wait3A_69 : memref<125x80xi32, #tpu.memory_space<hbm>>) dst(%arg7 : memref<125x80xi32, #tpu.memory_space<vmem>>)
    %dma_wait3A_70 = arith.constant 1 : i32
    %dma_wait3A_71 = arith.constant 0 : i32
    %dma_wait3A_72 = arith.constant 0 : i32
    %dma_wait3A_73 = tpu.memref_slice %arg2[%dma_wait3A_70, %add3A, %dma_wait3A_71, %dma_wait3A_72] : memref<2x32x125x80xi32, #tpu.memory_space<hbm>> -> memref<1x1x125x80xi32, #tpu.memory_space<hbm>>
    %dma_wait3A_74 = tpu.memref_squeeze %dma_wait3A_73 : memref<1x1x125x80xi32, #tpu.memory_space<hbm>> -> memref<125x80xi32, #tpu.memory_space<hbm>>
    %dma_wait3A_75 = arith.constant 0 : i32
    %dma_wait3A_76 = arith.constant 0 : i32
    %dma_wait3A_77 = tpu.memref_slice %arg2[%dma_wait3A_70, %add3A, %dma_wait3A_75, %dma_wait3A_76] : memref<2x32x125x80xi32, #tpu.memory_space<hbm>> -> memref<1x1x125x80xi32, #tpu.memory_space<hbm>>
    %dma_wait3A_78 = tpu.memref_squeeze %dma_wait3A_77 : memref<1x1x125x80xi32, #tpu.memory_space<hbm>> -> memref<125x80xi32, #tpu.memory_space<hbm>>
    tpu.wait_dma2 semaphore(%arg13 : memref<!tpu.dma_semaphore, #tpu.memory_space<semaphore_mem>>) src(%dma_wait3A_78 : memref<125x80xi32, #tpu.memory_space<hbm>>) dst(%arg8 : memref<125x80xi32, #tpu.memory_space<vmem>>)
    %barrier3A = arith.constant 0 : index
    tpu.barrier barrier_id(%barrier3A)
    %dma_start3A_79 = arith.constant 0 : i32
    %dma_start3A_80 = arith.constant 0 : i32
    %dma_start3A_81 = tpu.memref_slice %arg7[%dma_start3A_79, %dma_start3A_80] : memref<125x80xi32, #tpu.memory_space<vmem>> -> memref<1x80xi32, #tpu.memory_space<vmem>>
    %dma_start3A_82 = tpu.memref_squeeze %dma_start3A_81 : memref<1x80xi32, #tpu.memory_space<vmem>> -> memref<80xi32, #tpu.memory_space<vmem>>
    %dma_start3A_83 = arith.constant 0 : i32
    %dma_start3A_84 = tpu.memref_slice %arg5[%dma_start3A_83] : memref<10240xf32, #tpu.memory_space<vmem_shared>> -> memref<10240xf32, #tpu.memory_space<vmem_shared>>
    tpu.enqueue_indirect_dma source(%arg9 : memref<80xf32, #tpu.memory_space<vmem>>) target(%dma_start3A_84 : memref<10240xf32, #tpu.memory_space<vmem_shared>>) offsets(%dma_start3A_82 : memref<80xi32, #tpu.memory_space<vmem>>) semaphore(%arg10 : memref<!tpu.dma_semaphore, #tpu.memory_space<semaphore_mem>>) {add = true}
    %dma_start3A_85 = arith.constant 0 : i32
    %dma_start3A_86 = arith.constant 0 : i32
    %dma_start3A_87 = tpu.memref_slice %arg8[%dma_start3A_85, %dma_start3A_86] : memref<125x80xi32, #tpu.memory_space<vmem>> -> memref<1x80xi32, #tpu.memory_space<vmem>>
    %dma_start3A_88 = tpu.memref_squeeze %dma_start3A_87 : memref<1x80xi32, #tpu.memory_space<vmem>> -> memref<80xi32, #tpu.memory_space<vmem>>
    %dma_start3A_89 = arith.constant 0 : i32
    %dma_start3A_90 = tpu.memref_slice %arg6[%dma_start3A_89] : memref<10240xf32, #tpu.memory_space<vmem_shared>> -> memref<10240xf32, #tpu.memory_space<vmem_shared>>
    tpu.enqueue_indirect_dma source(%arg9 : memref<80xf32, #tpu.memory_space<vmem>>) target(%dma_start3A_90 : memref<10240xf32, #tpu.memory_space<vmem_shared>>) offsets(%dma_start3A_88 : memref<80xi32, #tpu.memory_space<vmem>>) semaphore(%arg11 : memref<!tpu.dma_semaphore, #tpu.memory_space<semaphore_mem>>) {add = true}
    %dma_start3A_91 = arith.constant 1 : i32
    %dma_start3A_92 = arith.constant 0 : i32
    %dma_start3A_93 = tpu.memref_slice %arg7[%dma_start3A_91, %dma_start3A_92] : memref<125x80xi32, #tpu.memory_space<vmem>> -> memref<1x80xi32, #tpu.memory_space<vmem>>
    %dma_start3A_94 = tpu.memref_squeeze %dma_start3A_93 : memref<1x80xi32, #tpu.memory_space<vmem>> -> memref<80xi32, #tpu.memory_space<vmem>>
    %dma_start3A_95 = arith.constant 0 : i32
    %dma_start3A_96 = tpu.memref_slice %arg5[%dma_start3A_95] : memref<10240xf32, #tpu.memory_space<vmem_shared>> -> memref<10240xf32, #tpu.memory_space<vmem_shared>>
    tpu.enqueue_indirect_dma source(%arg9 : memref<80xf32, #tpu.memory_space<vmem>>) target(%dma_start3A_96 : memref<10240xf32, #tpu.memory_space<vmem_shared>>) offsets(%dma_start3A_94 : memref<80xi32, #tpu.memory_space<vmem>>) semaphore(%arg12 : memref<!tpu.dma_semaphore, #tpu.memory_space<semaphore_mem>>) {add = true}
    %dma_start3A_97 = arith.constant 1 : i32
    %dma_start3A_98 = arith.constant 0 : i32
    %dma_start3A_99 = tpu.memref_slice %arg8[%dma_start3A_97, %dma_start3A_98] : memref<125x80xi32, #tpu.memory_space<vmem>> -> memref<1x80xi32, #tpu.memory_space<vmem>>
    %dma_start3A_100 = tpu.memref_squeeze %dma_start3A_99 : memref<1x80xi32, #tpu.memory_space<vmem>> -> memref<80xi32, #tpu.memory_space<vmem>>
    %dma_start3A_101 = arith.constant 0 : i32
    %dma_start3A_102 = tpu.memref_slice %arg6[%dma_start3A_101] : memref<10240xf32, #tpu.memory_space<vmem_shared>> -> memref<10240xf32, #tpu.memory_space<vmem_shared>>
    tpu.enqueue_indirect_dma source(%arg9 : memref<80xf32, #tpu.memory_space<vmem>>) target(%dma_start3A_102 : memref<10240xf32, #tpu.memory_space<vmem_shared>>) offsets(%dma_start3A_100 : memref<80xi32, #tpu.memory_space<vmem>>) semaphore(%arg13 : memref<!tpu.dma_semaphore, #tpu.memory_space<semaphore_mem>>) {add = true}
    %scan3A = arith.constant 1 : i32
    %scan3A_103 = arith.constant 61 : i32
    %scan3A_104 = arith.addi %scan3A, %scan3A_103 : i32
    %scan3A_105 = arith.constant 1 : i32
    scf.for %scan3A_165 = %scan3A to %scan3A_104 step %scan3A_105  : i32 {
      %mul3A_166 = arith.constant 2 : i32
      %mul3A_167 = arith.muli %mul3A_166, %scan3A_165 : i32
      %dma_wait3A_168 = arith.constant 0 : i32
      %dma_wait3A_169 = arith.constant 0 : i32
      %dma_wait3A_170 = tpu.memref_slice %arg7[%dma_wait3A_168, %dma_wait3A_169] : memref<125x80xi32, #tpu.memory_space<vmem>> -> memref<1x80xi32, #tpu.memory_space<vmem>>
      %dma_wait3A_171 = tpu.memref_squeeze %dma_wait3A_170 : memref<1x80xi32, #tpu.memory_space<vmem>> -> memref<80xi32, #tpu.memory_space<vmem>>
      %dma_wait3A_172 = arith.constant 0 : i32
      %dma_wait3A_173 = tpu.memref_slice %arg5[%dma_wait3A_172] : memref<10240xf32, #tpu.memory_space<vmem_shared>> -> memref<10240xf32, #tpu.memory_space<vmem_shared>>
      tpu.wait_indirect_dma semaphore(%arg10 : memref<!tpu.dma_semaphore, #tpu.memory_space<semaphore_mem>>) src(%arg9 : memref<80xf32, #tpu.memory_space<vmem>>) dst(%dma_wait3A_173 : memref<10240xf32, #tpu.memory_space<vmem_shared>>)
      %dma_start3A_174 = arith.constant 0 : i32
      %dma_start3A_175 = tpu.memref_slice %arg7[%mul3A_167, %dma_start3A_174] : memref<125x80xi32, #tpu.memory_space<vmem>> -> memref<1x80xi32, #tpu.memory_space<vmem>>
      %dma_start3A_176 = tpu.memref_squeeze %dma_start3A_175 : memref<1x80xi32, #tpu.memory_space<vmem>> -> memref<80xi32, #tpu.memory_space<vmem>>
      %dma_start3A_177 = arith.constant 0 : i32
      %dma_start3A_178 = tpu.memref_slice %arg5[%dma_start3A_177] : memref<10240xf32, #tpu.memory_space<vmem_shared>> -> memref<10240xf32, #tpu.memory_space<vmem_shared>>
      tpu.enqueue_indirect_dma source(%arg9 : memref<80xf32, #tpu.memory_space<vmem>>) target(%dma_start3A_178 : memref<10240xf32, #tpu.memory_space<vmem_shared>>) offsets(%dma_start3A_176 : memref<80xi32, #tpu.memory_space<vmem>>) semaphore(%arg10 : memref<!tpu.dma_semaphore, #tpu.memory_space<semaphore_mem>>) {add = true}
      %dma_wait3A_179 = arith.constant 0 : i32
      %dma_wait3A_180 = arith.constant 0 : i32
      %dma_wait3A_181 = tpu.memref_slice %arg8[%dma_wait3A_179, %dma_wait3A_180] : memref<125x80xi32, #tpu.memory_space<vmem>> -> memref<1x80xi32, #tpu.memory_space<vmem>>
      %dma_wait3A_182 = tpu.memref_squeeze %dma_wait3A_181 : memref<1x80xi32, #tpu.memory_space<vmem>> -> memref<80xi32, #tpu.memory_space<vmem>>
      %dma_wait3A_183 = arith.constant 0 : i32
      %dma_wait3A_184 = tpu.memref_slice %arg6[%dma_wait3A_183] : memref<10240xf32, #tpu.memory_space<vmem_shared>> -> memref<10240xf32, #tpu.memory_space<vmem_shared>>
      tpu.wait_indirect_dma semaphore(%arg11 : memref<!tpu.dma_semaphore, #tpu.memory_space<semaphore_mem>>) src(%arg9 : memref<80xf32, #tpu.memory_space<vmem>>) dst(%dma_wait3A_184 : memref<10240xf32, #tpu.memory_space<vmem_shared>>)
      %dma_start3A_185 = arith.constant 0 : i32
      %dma_start3A_186 = tpu.memref_slice %arg8[%mul3A_167, %dma_start3A_185] : memref<125x80xi32, #tpu.memory_space<vmem>> -> memref<1x80xi32, #tpu.memory_space<vmem>>
      %dma_start3A_187 = tpu.memref_squeeze %dma_start3A_186 : memref<1x80xi32, #tpu.memory_space<vmem>> -> memref<80xi32, #tpu.memory_space<vmem>>
      %dma_start3A_188 = arith.constant 0 : i32
      %dma_start3A_189 = tpu.memref_slice %arg6[%dma_start3A_188] : memref<10240xf32, #tpu.memory_space<vmem_shared>> -> memref<10240xf32, #tpu.memory_space<vmem_shared>>
      tpu.enqueue_indirect_dma source(%arg9 : memref<80xf32, #tpu.memory_space<vmem>>) target(%dma_start3A_189 : memref<10240xf32, #tpu.memory_space<vmem_shared>>) offsets(%dma_start3A_187 : memref<80xi32, #tpu.memory_space<vmem>>) semaphore(%arg11 : memref<!tpu.dma_semaphore, #tpu.memory_space<semaphore_mem>>) {add = true}
      %dma_wait3A_190 = arith.constant 0 : i32
      %dma_wait3A_191 = arith.constant 0 : i32
      %dma_wait3A_192 = tpu.memref_slice %arg7[%dma_wait3A_190, %dma_wait3A_191] : memref<125x80xi32, #tpu.memory_space<vmem>> -> memref<1x80xi32, #tpu.memory_space<vmem>>
      %dma_wait3A_193 = tpu.memref_squeeze %dma_wait3A_192 : memref<1x80xi32, #tpu.memory_space<vmem>> -> memref<80xi32, #tpu.memory_space<vmem>>
      %dma_wait3A_194 = arith.constant 0 : i32
      %dma_wait3A_195 = tpu.memref_slice %arg5[%dma_wait3A_194] : memref<10240xf32, #tpu.memory_space<vmem_shared>> -> memref<10240xf32, #tpu.memory_space<vmem_shared>>
      tpu.wait_indirect_dma semaphore(%arg12 : memref<!tpu.dma_semaphore, #tpu.memory_space<semaphore_mem>>) src(%arg9 : memref<80xf32, #tpu.memory_space<vmem>>) dst(%dma_wait3A_195 : memref<10240xf32, #tpu.memory_space<vmem_shared>>)
      %add3A_196 = arith.constant 1 : i32
      %add3A_197 = arith.addi %mul3A_167, %add3A_196 : i32
      %dma_start3A_198 = arith.constant 0 : i32
      %dma_start3A_199 = tpu.memref_slice %arg7[%add3A_197, %dma_start3A_198] : memref<125x80xi32, #tpu.memory_space<vmem>> -> memref<1x80xi32, #tpu.memory_space<vmem>>
      %dma_start3A_200 = tpu.memref_squeeze %dma_start3A_199 : memref<1x80xi32, #tpu.memory_space<vmem>> -> memref<80xi32, #tpu.memory_space<vmem>>
      %dma_start3A_201 = arith.constant 0 : i32
      %dma_start3A_202 = tpu.memref_slice %arg5[%dma_start3A_201] : memref<10240xf32, #tpu.memory_space<vmem_shared>> -> memref<10240xf32, #tpu.memory_space<vmem_shared>>
      tpu.enqueue_indirect_dma source(%arg9 : memref<80xf32, #tpu.memory_space<vmem>>) target(%dma_start3A_202 : memref<10240xf32, #tpu.memory_space<vmem_shared>>) offsets(%dma_start3A_200 : memref<80xi32, #tpu.memory_space<vmem>>) semaphore(%arg12 : memref<!tpu.dma_semaphore, #tpu.memory_space<semaphore_mem>>) {add = true}
      %dma_wait3A_203 = arith.constant 0 : i32
      %dma_wait3A_204 = arith.constant 0 : i32
      %dma_wait3A_205 = tpu.memref_slice %arg8[%dma_wait3A_203, %dma_wait3A_204] : memref<125x80xi32, #tpu.memory_space<vmem>> -> memref<1x80xi32, #tpu.memory_space<vmem>>
      %dma_wait3A_206 = tpu.memref_squeeze %dma_wait3A_205 : memref<1x80xi32, #tpu.memory_space<vmem>> -> memref<80xi32, #tpu.memory_space<vmem>>
      %dma_wait3A_207 = arith.constant 0 : i32
      %dma_wait3A_208 = tpu.memref_slice %arg6[%dma_wait3A_207] : memref<10240xf32, #tpu.memory_space<vmem_shared>> -> memref<10240xf32, #tpu.memory_space<vmem_shared>>
      tpu.wait_indirect_dma semaphore(%arg13 : memref<!tpu.dma_semaphore, #tpu.memory_space<semaphore_mem>>) src(%arg9 : memref<80xf32, #tpu.memory_space<vmem>>) dst(%dma_wait3A_208 : memref<10240xf32, #tpu.memory_space<vmem_shared>>)
      %add3A_209 = arith.constant 1 : i32
      %add3A_210 = arith.addi %mul3A_167, %add3A_209 : i32
      %dma_start3A_211 = arith.constant 0 : i32
      %dma_start3A_212 = tpu.memref_slice %arg8[%add3A_210, %dma_start3A_211] : memref<125x80xi32, #tpu.memory_space<vmem>> -> memref<1x80xi32, #tpu.memory_space<vmem>>
      %dma_start3A_213 = tpu.memref_squeeze %dma_start3A_212 : memref<1x80xi32, #tpu.memory_space<vmem>> -> memref<80xi32, #tpu.memory_space<vmem>>
      %dma_start3A_214 = arith.constant 0 : i32
      %dma_start3A_215 = tpu.memref_slice %arg6[%dma_start3A_214] : memref<10240xf32, #tpu.memory_space<vmem_shared>> -> memref<10240xf32, #tpu.memory_space<vmem_shared>>
      tpu.enqueue_indirect_dma source(%arg9 : memref<80xf32, #tpu.memory_space<vmem>>) target(%dma_start3A_215 : memref<10240xf32, #tpu.memory_space<vmem_shared>>) offsets(%dma_start3A_213 : memref<80xi32, #tpu.memory_space<vmem>>) semaphore(%arg13 : memref<!tpu.dma_semaphore, #tpu.memory_space<semaphore_mem>>) {add = true}
    }
    %scan3A_106 = arith.constant 61 : i32
    %dma_start3A_107 = arith.constant 124 : i32
    %dma_start3A_108 = arith.constant 0 : i32
    %dma_start3A_109 = tpu.memref_slice %arg7[%dma_start3A_107, %dma_start3A_108] : memref<125x80xi32, #tpu.memory_space<vmem>> -> memref<1x80xi32, #tpu.memory_space<vmem>>
    %dma_start3A_110 = tpu.memref_squeeze %dma_start3A_109 : memref<1x80xi32, #tpu.memory_space<vmem>> -> memref<80xi32, #tpu.memory_space<vmem>>
    %dma_start3A_111 = arith.constant 0 : i32
    %dma_start3A_112 = tpu.memref_slice %arg5[%dma_start3A_111] : memref<10240xf32, #tpu.memory_space<vmem_shared>> -> memref<10240xf32, #tpu.memory_space<vmem_shared>>
    tpu.enqueue_indirect_dma source(%arg9 : memref<80xf32, #tpu.memory_space<vmem>>) target(%dma_start3A_112 : memref<10240xf32, #tpu.memory_space<vmem_shared>>) offsets(%dma_start3A_110 : memref<80xi32, #tpu.memory_space<vmem>>) semaphore(%arg10 : memref<!tpu.dma_semaphore, #tpu.memory_space<semaphore_mem>>) {add = true}
    %dma_start3A_113 = arith.constant 124 : i32
    %dma_start3A_114 = arith.constant 0 : i32
    %dma_start3A_115 = tpu.memref_slice %arg8[%dma_start3A_113, %dma_start3A_114] : memref<125x80xi32, #tpu.memory_space<vmem>> -> memref<1x80xi32, #tpu.memory_space<vmem>>
    %dma_start3A_116 = tpu.memref_squeeze %dma_start3A_115 : memref<1x80xi32, #tpu.memory_space<vmem>> -> memref<80xi32, #tpu.memory_space<vmem>>
    %dma_start3A_117 = arith.constant 0 : i32
    %dma_start3A_118 = tpu.memref_slice %arg6[%dma_start3A_117] : memref<10240xf32, #tpu.memory_space<vmem_shared>> -> memref<10240xf32, #tpu.memory_space<vmem_shared>>
    tpu.enqueue_indirect_dma source(%arg9 : memref<80xf32, #tpu.memory_space<vmem>>) target(%dma_start3A_118 : memref<10240xf32, #tpu.memory_space<vmem_shared>>) offsets(%dma_start3A_116 : memref<80xi32, #tpu.memory_space<vmem>>) semaphore(%arg11 : memref<!tpu.dma_semaphore, #tpu.memory_space<semaphore_mem>>) {add = true}
    %dma_wait3A_119 = arith.constant 0 : i32
    %dma_wait3A_120 = arith.constant 0 : i32
    %dma_wait3A_121 = tpu.memref_slice %arg7[%dma_wait3A_119, %dma_wait3A_120] : memref<125x80xi32, #tpu.memory_space<vmem>> -> memref<1x80xi32, #tpu.memory_space<vmem>>
    %dma_wait3A_122 = tpu.memref_squeeze %dma_wait3A_121 : memref<1x80xi32, #tpu.memory_space<vmem>> -> memref<80xi32, #tpu.memory_space<vmem>>
    %dma_wait3A_123 = arith.constant 0 : i32
    %dma_wait3A_124 = tpu.memref_slice %arg5[%dma_wait3A_123] : memref<10240xf32, #tpu.memory_space<vmem_shared>> -> memref<10240xf32, #tpu.memory_space<vmem_shared>>
    tpu.wait_indirect_dma semaphore(%arg10 : memref<!tpu.dma_semaphore, #tpu.memory_space<semaphore_mem>>) src(%arg9 : memref<80xf32, #tpu.memory_space<vmem>>) dst(%dma_wait3A_124 : memref<10240xf32, #tpu.memory_space<vmem_shared>>)
    %dma_wait3A_125 = arith.constant 0 : i32
    %dma_wait3A_126 = arith.constant 0 : i32
    %dma_wait3A_127 = tpu.memref_slice %arg8[%dma_wait3A_125, %dma_wait3A_126] : memref<125x80xi32, #tpu.memory_space<vmem>> -> memref<1x80xi32, #tpu.memory_space<vmem>>
    %dma_wait3A_128 = tpu.memref_squeeze %dma_wait3A_127 : memref<1x80xi32, #tpu.memory_space<vmem>> -> memref<80xi32, #tpu.memory_space<vmem>>
    %dma_wait3A_129 = arith.constant 0 : i32
    %dma_wait3A_130 = tpu.memref_slice %arg6[%dma_wait3A_129] : memref<10240xf32, #tpu.memory_space<vmem_shared>> -> memref<10240xf32, #tpu.memory_space<vmem_shared>>
    tpu.wait_indirect_dma semaphore(%arg11 : memref<!tpu.dma_semaphore, #tpu.memory_space<semaphore_mem>>) src(%arg9 : memref<80xf32, #tpu.memory_space<vmem>>) dst(%dma_wait3A_130 : memref<10240xf32, #tpu.memory_space<vmem_shared>>)
    %dma_wait3A_131 = arith.constant 0 : i32
    %dma_wait3A_132 = arith.constant 0 : i32
    %dma_wait3A_133 = tpu.memref_slice %arg7[%dma_wait3A_131, %dma_wait3A_132] : memref<125x80xi32, #tpu.memory_space<vmem>> -> memref<1x80xi32, #tpu.memory_space<vmem>>
    %dma_wait3A_134 = tpu.memref_squeeze %dma_wait3A_133 : memref<1x80xi32, #tpu.memory_space<vmem>> -> memref<80xi32, #tpu.memory_space<vmem>>
    %dma_wait3A_135 = arith.constant 0 : i32
    %dma_wait3A_136 = tpu.memref_slice %arg5[%dma_wait3A_135] : memref<10240xf32, #tpu.memory_space<vmem_shared>> -> memref<10240xf32, #tpu.memory_space<vmem_shared>>
    tpu.wait_indirect_dma semaphore(%arg10 : memref<!tpu.dma_semaphore, #tpu.memory_space<semaphore_mem>>) src(%arg9 : memref<80xf32, #tpu.memory_space<vmem>>) dst(%dma_wait3A_136 : memref<10240xf32, #tpu.memory_space<vmem_shared>>)
    %dma_wait3A_137 = arith.constant 0 : i32
    %dma_wait3A_138 = arith.constant 0 : i32
    %dma_wait3A_139 = tpu.memref_slice %arg8[%dma_wait3A_137, %dma_wait3A_138] : memref<125x80xi32, #tpu.memory_space<vmem>> -> memref<1x80xi32, #tpu.memory_space<vmem>>
    %dma_wait3A_140 = tpu.memref_squeeze %dma_wait3A_139 : memref<1x80xi32, #tpu.memory_space<vmem>> -> memref<80xi32, #tpu.memory_space<vmem>>
    %dma_wait3A_141 = arith.constant 0 : i32
    %dma_wait3A_142 = tpu.memref_slice %arg6[%dma_wait3A_141] : memref<10240xf32, #tpu.memory_space<vmem_shared>> -> memref<10240xf32, #tpu.memory_space<vmem_shared>>
    tpu.wait_indirect_dma semaphore(%arg11 : memref<!tpu.dma_semaphore, #tpu.memory_space<semaphore_mem>>) src(%arg9 : memref<80xf32, #tpu.memory_space<vmem>>) dst(%dma_wait3A_142 : memref<10240xf32, #tpu.memory_space<vmem_shared>>)
    %dma_wait3A_143 = arith.constant 0 : i32
    %dma_wait3A_144 = arith.constant 0 : i32
    %dma_wait3A_145 = tpu.memref_slice %arg7[%dma_wait3A_143, %dma_wait3A_144] : memref<125x80xi32, #tpu.memory_space<vmem>> -> memref<1x80xi32, #tpu.memory_space<vmem>>
    %dma_wait3A_146 = tpu.memref_squeeze %dma_wait3A_145 : memref<1x80xi32, #tpu.memory_space<vmem>> -> memref<80xi32, #tpu.memory_space<vmem>>
    %dma_wait3A_147 = arith.constant 0 : i32
    %dma_wait3A_148 = tpu.memref_slice %arg5[%dma_wait3A_147] : memref<10240xf32, #tpu.memory_space<vmem_shared>> -> memref<10240xf32, #tpu.memory_space<vmem_shared>>
    tpu.wait_indirect_dma semaphore(%arg12 : memref<!tpu.dma_semaphore, #tpu.memory_space<semaphore_mem>>) src(%arg9 : memref<80xf32, #tpu.memory_space<vmem>>) dst(%dma_wait3A_148 : memref<10240xf32, #tpu.memory_space<vmem_shared>>)
    %dma_wait3A_149 = arith.constant 0 : i32
    %dma_wait3A_150 = arith.constant 0 : i32
    %dma_wait3A_151 = tpu.memref_slice %arg8[%dma_wait3A_149, %dma_wait3A_150] : memref<125x80xi32, #tpu.memory_space<vmem>> -> memref<1x80xi32, #tpu.memory_space<vmem>>
    %dma_wait3A_152 = tpu.memref_squeeze %dma_wait3A_151 : memref<1x80xi32, #tpu.memory_space<vmem>> -> memref<80xi32, #tpu.memory_space<vmem>>
    %dma_wait3A_153 = arith.constant 0 : i32
    %dma_wait3A_154 = tpu.memref_slice %arg6[%dma_wait3A_153] : memref<10240xf32, #tpu.memory_space<vmem_shared>> -> memref<10240xf32, #tpu.memory_space<vmem_shared>>
    tpu.wait_indirect_dma semaphore(%arg13 : memref<!tpu.dma_semaphore, #tpu.memory_space<semaphore_mem>>) src(%arg9 : memref<80xf32, #tpu.memory_space<vmem>>) dst(%dma_wait3A_154 : memref<10240xf32, #tpu.memory_space<vmem_shared>>)
    %barrier3A_155 = arith.constant 0 : index
    tpu.barrier barrier_id(%barrier3A_155)
    %mul3A_156 = arith.constant 640 : i32
    %mul3A_157 = arith.muli %arg1, %mul3A_156 : i32
    %mul3A_158 = arith.constant 640 : i32
    %mul3A_159 = arith.muli %arg1, %mul3A_158 : i32
    %run_scoped3A = arith.constant 0 : i32
    "tpu.region"() ({
      %run_scoped3A_165 = tpu.sem_alloc : memref<!tpu.dma_semaphore, #tpu.memory_space<semaphore_mem>>
      %dma_start3A_166 = tpu.memref_slice %arg4[%arg0, %run_scoped3A, %mul3A_159] : memref<2x2x10240xf32, #tpu.memory_space<hbm>> -> memref<1x1x640xf32, #tpu.memory_space<hbm>>
      %dma_start3A_167 = tpu.memref_squeeze %dma_start3A_166 : memref<1x1x640xf32, #tpu.memory_space<hbm>> -> memref<640xf32, #tpu.memory_space<hbm>>
      %dma_start3A_168 = tpu.memref_slice %arg5[%mul3A_157] : memref<10240xf32, #tpu.memory_space<vmem_shared>> -> memref<640xf32, #tpu.memory_space<vmem_shared>>
      tpu.enqueue_dma source(%dma_start3A_168 : memref<640xf32, #tpu.memory_space<vmem_shared>>) target(%dma_start3A_167 : memref<640xf32, #tpu.memory_space<hbm>>) target_semaphore(%run_scoped3A_165 : memref<!tpu.dma_semaphore, #tpu.memory_space<semaphore_mem>>)
      %dma_wait3A_169 = tpu.memref_slice %arg4[%arg0, %run_scoped3A, %mul3A_159] : memref<2x2x10240xf32, #tpu.memory_space<hbm>> -> memref<1x1x640xf32, #tpu.memory_space<hbm>>
      %dma_wait3A_170 = tpu.memref_squeeze %dma_wait3A_169 : memref<1x1x640xf32, #tpu.memory_space<hbm>> -> memref<640xf32, #tpu.memory_space<hbm>>
      %dma_wait3A_171 = tpu.memref_slice %arg5[%mul3A_157] : memref<10240xf32, #tpu.memory_space<vmem_shared>> -> memref<640xf32, #tpu.memory_space<vmem_shared>>
      tpu.wait_dma2 semaphore(%run_scoped3A_165 : memref<!tpu.dma_semaphore, #tpu.memory_space<semaphore_mem>>) src(%dma_wait3A_171 : memref<640xf32, #tpu.memory_space<vmem_shared>>) dst(%dma_wait3A_170 : memref<640xf32, #tpu.memory_space<hbm>>)
      tpu.yield
    }) : () -> ()
    %mul3A_160 = arith.constant 640 : i32
    %mul3A_161 = arith.muli %arg1, %mul3A_160 : i32
    %mul3A_162 = arith.constant 640 : i32
    %mul3A_163 = arith.muli %arg1, %mul3A_162 : i32
    %run_scoped3A_164 = arith.constant 1 : i32
    "tpu.region"() ({
      %run_scoped3A_165 = tpu.sem_alloc : memref<!tpu.dma_semaphore, #tpu.memory_space<semaphore_mem>>
      %dma_start3A_166 = tpu.memref_slice %arg4[%arg0, %run_scoped3A_164, %mul3A_163] : memref<2x2x10240xf32, #tpu.memory_space<hbm>> -> memref<1x1x640xf32, #tpu.memory_space<hbm>>
      %dma_start3A_167 = tpu.memref_squeeze %dma_start3A_166 : memref<1x1x640xf32, #tpu.memory_space<hbm>> -> memref<640xf32, #tpu.memory_space<hbm>>
      %dma_start3A_168 = tpu.memref_slice %arg6[%mul3A_161] : memref<10240xf32, #tpu.memory_space<vmem_shared>> -> memref<640xf32, #tpu.memory_space<vmem_shared>>
      tpu.enqueue_dma source(%dma_start3A_168 : memref<640xf32, #tpu.memory_space<vmem_shared>>) target(%dma_start3A_167 : memref<640xf32, #tpu.memory_space<hbm>>) target_semaphore(%run_scoped3A_165 : memref<!tpu.dma_semaphore, #tpu.memory_space<semaphore_mem>>)
      %dma_wait3A_169 = tpu.memref_slice %arg4[%arg0, %run_scoped3A_164, %mul3A_163] : memref<2x2x10240xf32, #tpu.memory_space<hbm>> -> memref<1x1x640xf32, #tpu.memory_space<hbm>>
      %dma_wait3A_170 = tpu.memref_squeeze %dma_wait3A_169 : memref<1x1x640xf32, #tpu.memory_space<hbm>> -> memref<640xf32, #tpu.memory_space<hbm>>
      %dma_wait3A_171 = tpu.memref_slice %arg6[%mul3A_161] : memref<10240xf32, #tpu.memory_space<vmem_shared>> -> memref<640xf32, #tpu.memory_space<vmem_shared>>
      tpu.wait_dma2 semaphore(%run_scoped3A_165 : memref<!tpu.dma_semaphore, #tpu.memory_space<semaphore_mem>>) src(%dma_wait3A_171 : memref<640xf32, #tpu.memory_space<vmem_shared>>) dst(%dma_wait3A_170 : memref<640xf32, #tpu.memory_space<hbm>>)
      tpu.yield
    }) : () -> ()
    return
  }
}

#map = affine_map<(d0, d1) -> (0, 0)>
#map1 = affine_map<(d0, d1) -> (0, 0, 0)>
#map2 = affine_map<(d0, d1) -> (0, 0, 0, 0)>
module attributes {stable_mosaic.version = 14 : i64} {
  func.func @_seg_kernel(%arg0: i32, %arg1: i32, %arg2: memref<10000x128xf32, #tpu.memory_space<hbm>>, %arg3: memref<2x32x10000xi32, #tpu.memory_space<hbm>>, %arg4: memref<2x32x125x80xi32, #tpu.memory_space<hbm>>, %arg5: memref<80x128xf32, #tpu.memory_space<hbm>>, %arg6: memref<2x10000x128xf32, #tpu.memory_space<hbm>>, %arg7: memref<10000x128xf32, #tpu.memory_space<vmem_shared>>, %arg8: memref<10000xi32, #tpu.memory_space<vmem>>, %arg9: memref<125x80xi32, #tpu.memory_space<vmem>>, %arg10: memref<80x128xf32, #tpu.memory_space<vmem>>, %arg11: memref<80x128xf32, #tpu.memory_space<vmem>>, %arg12: memref<!tpu.dma_semaphore, #tpu.memory_space<semaphore_mem>>, %arg13: memref<!tpu.dma_semaphore, #tpu.memory_space<semaphore_mem>>) attributes {dimension_semantics = [#tpu.dimension_semantics<core_parallel>, #tpu.dimension_semantics<subcore_parallel>], iteration_bounds = array<i64: 2, 16>, scalar_prefetch = 0 : i64, scratch_operands = 7 : i64, tpu.core_type = #tpu.core_type<sc_vector_subcore>, window_params = [{transform_indices = #map}, {transform_indices = #map1}, {transform_indices = #map2}, {transform_indices = #map}, {transform_indices = #map1}]} {
    %mul3A = arith.constant 16 : i32
    %mul3A_0 = arith.muli %arg0, %mul3A : i32
    %add3A = arith.addi %mul3A_0, %arg1 : i32
    tpu.enqueue_dma source(%arg5 : memref<80x128xf32, #tpu.memory_space<hbm>>) target(%arg10 : memref<80x128xf32, #tpu.memory_space<vmem>>) target_semaphore(%arg12 : memref<!tpu.dma_semaphore, #tpu.memory_space<semaphore_mem>>)
    %dma_start3A = arith.constant 0 : i32
    %dma_start3A_1 = arith.constant 0 : i32
    %dma_start3A_2 = tpu.memref_slice %arg3[%dma_start3A, %add3A, %dma_start3A_1] : memref<2x32x10000xi32, #tpu.memory_space<hbm>> -> memref<1x1x10000xi32, #tpu.memory_space<hbm>>
    %dma_start3A_3 = tpu.memref_squeeze %dma_start3A_2 : memref<1x1x10000xi32, #tpu.memory_space<hbm>> -> memref<10000xi32, #tpu.memory_space<hbm>>
    %dma_start3A_4 = arith.constant 0 : i32
    %dma_start3A_5 = tpu.memref_slice %arg3[%dma_start3A, %add3A, %dma_start3A_4] : memref<2x32x10000xi32, #tpu.memory_space<hbm>> -> memref<1x1x10000xi32, #tpu.memory_space<hbm>>
    %dma_start3A_6 = tpu.memref_squeeze %dma_start3A_5 : memref<1x1x10000xi32, #tpu.memory_space<hbm>> -> memref<10000xi32, #tpu.memory_space<hbm>>
    tpu.enqueue_dma source(%dma_start3A_6 : memref<10000xi32, #tpu.memory_space<hbm>>) target(%arg8 : memref<10000xi32, #tpu.memory_space<vmem>>) target_semaphore(%arg13 : memref<!tpu.dma_semaphore, #tpu.memory_space<semaphore_mem>>)
    %dma_start3A_7 = arith.constant 1 : i32
    %dma_start3A_8 = arith.constant 0 : i32
    %dma_start3A_9 = arith.constant 0 : i32
    %dma_start3A_10 = tpu.memref_slice %arg4[%dma_start3A_7, %add3A, %dma_start3A_8, %dma_start3A_9] : memref<2x32x125x80xi32, #tpu.memory_space<hbm>> -> memref<1x1x125x80xi32, #tpu.memory_space<hbm>>
    %dma_start3A_11 = tpu.memref_squeeze %dma_start3A_10 : memref<1x1x125x80xi32, #tpu.memory_space<hbm>> -> memref<125x80xi32, #tpu.memory_space<hbm>>
    %dma_start3A_12 = arith.constant 0 : i32
    %dma_start3A_13 = arith.constant 0 : i32
    %dma_start3A_14 = tpu.memref_slice %arg4[%dma_start3A_7, %add3A, %dma_start3A_12, %dma_start3A_13] : memref<2x32x125x80xi32, #tpu.memory_space<hbm>> -> memref<1x1x125x80xi32, #tpu.memory_space<hbm>>
    %dma_start3A_15 = tpu.memref_squeeze %dma_start3A_14 : memref<1x1x125x80xi32, #tpu.memory_space<hbm>> -> memref<125x80xi32, #tpu.memory_space<hbm>>
    tpu.enqueue_dma source(%dma_start3A_15 : memref<125x80xi32, #tpu.memory_space<hbm>>) target(%arg9 : memref<125x80xi32, #tpu.memory_space<vmem>>) target_semaphore(%arg13 : memref<!tpu.dma_semaphore, #tpu.memory_space<semaphore_mem>>)
    tpu.wait_dma2 semaphore(%arg12 : memref<!tpu.dma_semaphore, #tpu.memory_space<semaphore_mem>>) src(%arg5 : memref<80x128xf32, #tpu.memory_space<hbm>>) dst(%arg10 : memref<80x128xf32, #tpu.memory_space<vmem>>)
    %mul3A_16 = arith.constant 624 : i32
    %mul3A_17 = arith.muli %arg1, %mul3A_16 : i32
    %add3A_18 = arith.constant 0 : i32
    %add3A_19 = arith.addi %mul3A_17, %add3A_18 : i32
    %dma_start3A_20 = arith.constant 0 : i32
    %dma_start3A_21 = tpu.memref_slice %arg7[%add3A_19, %dma_start3A_20] : memref<10000x128xf32, #tpu.memory_space<vmem_shared>> -> memref<80x128xf32, #tpu.memory_space<vmem_shared>>
    %dma_start3A_22 = arith.constant 0 : i32
    %dma_start3A_23 = tpu.memref_slice %arg7[%add3A_19, %dma_start3A_22] : memref<10000x128xf32, #tpu.memory_space<vmem_shared>> -> memref<80x128xf32, #tpu.memory_space<vmem_shared>>
    tpu.enqueue_dma source(%arg10 : memref<80x128xf32, #tpu.memory_space<vmem>>) target(%dma_start3A_23 : memref<80x128xf32, #tpu.memory_space<vmem_shared>>) target_semaphore(%arg12 : memref<!tpu.dma_semaphore, #tpu.memory_space<semaphore_mem>>)
    %mul3A_24 = arith.constant 624 : i32
    %mul3A_25 = arith.muli %arg1, %mul3A_24 : i32
    %add3A_26 = arith.constant 80 : i32
    %add3A_27 = arith.addi %mul3A_25, %add3A_26 : i32
    %dma_start3A_28 = arith.constant 0 : i32
    %dma_start3A_29 = tpu.memref_slice %arg7[%add3A_27, %dma_start3A_28] : memref<10000x128xf32, #tpu.memory_space<vmem_shared>> -> memref<80x128xf32, #tpu.memory_space<vmem_shared>>
    %dma_start3A_30 = arith.constant 0 : i32
    %dma_start3A_31 = tpu.memref_slice %arg7[%add3A_27, %dma_start3A_30] : memref<10000x128xf32, #tpu.memory_space<vmem_shared>> -> memref<80x128xf32, #tpu.memory_space<vmem_shared>>
    tpu.enqueue_dma source(%arg10 : memref<80x128xf32, #tpu.memory_space<vmem>>) target(%dma_start3A_31 : memref<80x128xf32, #tpu.memory_space<vmem_shared>>) target_semaphore(%arg12 : memref<!tpu.dma_semaphore, #tpu.memory_space<semaphore_mem>>)
    %mul3A_32 = arith.constant 624 : i32
    %mul3A_33 = arith.muli %arg1, %mul3A_32 : i32
    %add3A_34 = arith.constant 160 : i32
    %add3A_35 = arith.addi %mul3A_33, %add3A_34 : i32
    %dma_start3A_36 = arith.constant 0 : i32
    %dma_start3A_37 = tpu.memref_slice %arg7[%add3A_35, %dma_start3A_36] : memref<10000x128xf32, #tpu.memory_space<vmem_shared>> -> memref<80x128xf32, #tpu.memory_space<vmem_shared>>
    %dma_start3A_38 = arith.constant 0 : i32
    %dma_start3A_39 = tpu.memref_slice %arg7[%add3A_35, %dma_start3A_38] : memref<10000x128xf32, #tpu.memory_space<vmem_shared>> -> memref<80x128xf32, #tpu.memory_space<vmem_shared>>
    tpu.enqueue_dma source(%arg10 : memref<80x128xf32, #tpu.memory_space<vmem>>) target(%dma_start3A_39 : memref<80x128xf32, #tpu.memory_space<vmem_shared>>) target_semaphore(%arg12 : memref<!tpu.dma_semaphore, #tpu.memory_space<semaphore_mem>>)
    %mul3A_40 = arith.constant 624 : i32
    %mul3A_41 = arith.muli %arg1, %mul3A_40 : i32
    %add3A_42 = arith.constant 240 : i32
    %add3A_43 = arith.addi %mul3A_41, %add3A_42 : i32
    %dma_start3A_44 = arith.constant 0 : i32
    %dma_start3A_45 = tpu.memref_slice %arg7[%add3A_43, %dma_start3A_44] : memref<10000x128xf32, #tpu.memory_space<vmem_shared>> -> memref<80x128xf32, #tpu.memory_space<vmem_shared>>
    %dma_start3A_46 = arith.constant 0 : i32
    %dma_start3A_47 = tpu.memref_slice %arg7[%add3A_43, %dma_start3A_46] : memref<10000x128xf32, #tpu.memory_space<vmem_shared>> -> memref<80x128xf32, #tpu.memory_space<vmem_shared>>
    tpu.enqueue_dma source(%arg10 : memref<80x128xf32, #tpu.memory_space<vmem>>) target(%dma_start3A_47 : memref<80x128xf32, #tpu.memory_space<vmem_shared>>) target_semaphore(%arg12 : memref<!tpu.dma_semaphore, #tpu.memory_space<semaphore_mem>>)
    %mul3A_48 = arith.constant 624 : i32
    %mul3A_49 = arith.muli %arg1, %mul3A_48 : i32
    %add3A_50 = arith.constant 320 : i32
    %add3A_51 = arith.addi %mul3A_49, %add3A_50 : i32
    %dma_start3A_52 = arith.constant 0 : i32
    %dma_start3A_53 = tpu.memref_slice %arg7[%add3A_51, %dma_start3A_52] : memref<10000x128xf32, #tpu.memory_space<vmem_shared>> -> memref<80x128xf32, #tpu.memory_space<vmem_shared>>
    %dma_start3A_54 = arith.constant 0 : i32
    %dma_start3A_55 = tpu.memref_slice %arg7[%add3A_51, %dma_start3A_54] : memref<10000x128xf32, #tpu.memory_space<vmem_shared>> -> memref<80x128xf32, #tpu.memory_space<vmem_shared>>
    tpu.enqueue_dma source(%arg10 : memref<80x128xf32, #tpu.memory_space<vmem>>) target(%dma_start3A_55 : memref<80x128xf32, #tpu.memory_space<vmem_shared>>) target_semaphore(%arg12 : memref<!tpu.dma_semaphore, #tpu.memory_space<semaphore_mem>>)
    %mul3A_56 = arith.constant 624 : i32
    %mul3A_57 = arith.muli %arg1, %mul3A_56 : i32
    %add3A_58 = arith.constant 400 : i32
    %add3A_59 = arith.addi %mul3A_57, %add3A_58 : i32
    %dma_start3A_60 = arith.constant 0 : i32
    %dma_start3A_61 = tpu.memref_slice %arg7[%add3A_59, %dma_start3A_60] : memref<10000x128xf32, #tpu.memory_space<vmem_shared>> -> memref<80x128xf32, #tpu.memory_space<vmem_shared>>
    %dma_start3A_62 = arith.constant 0 : i32
    %dma_start3A_63 = tpu.memref_slice %arg7[%add3A_59, %dma_start3A_62] : memref<10000x128xf32, #tpu.memory_space<vmem_shared>> -> memref<80x128xf32, #tpu.memory_space<vmem_shared>>
    tpu.enqueue_dma source(%arg10 : memref<80x128xf32, #tpu.memory_space<vmem>>) target(%dma_start3A_63 : memref<80x128xf32, #tpu.memory_space<vmem_shared>>) target_semaphore(%arg12 : memref<!tpu.dma_semaphore, #tpu.memory_space<semaphore_mem>>)
    %mul3A_64 = arith.constant 624 : i32
    %mul3A_65 = arith.muli %arg1, %mul3A_64 : i32
    %add3A_66 = arith.constant 480 : i32
    %add3A_67 = arith.addi %mul3A_65, %add3A_66 : i32
    %dma_start3A_68 = arith.constant 0 : i32
    %dma_start3A_69 = tpu.memref_slice %arg7[%add3A_67, %dma_start3A_68] : memref<10000x128xf32, #tpu.memory_space<vmem_shared>> -> memref<80x128xf32, #tpu.memory_space<vmem_shared>>
    %dma_start3A_70 = arith.constant 0 : i32
    %dma_start3A_71 = tpu.memref_slice %arg7[%add3A_67, %dma_start3A_70] : memref<10000x128xf32, #tpu.memory_space<vmem_shared>> -> memref<80x128xf32, #tpu.memory_space<vmem_shared>>
    tpu.enqueue_dma source(%arg10 : memref<80x128xf32, #tpu.memory_space<vmem>>) target(%dma_start3A_71 : memref<80x128xf32, #tpu.memory_space<vmem_shared>>) target_semaphore(%arg12 : memref<!tpu.dma_semaphore, #tpu.memory_space<semaphore_mem>>)
    %mul3A_72 = arith.constant 624 : i32
    %mul3A_73 = arith.muli %arg1, %mul3A_72 : i32
    %add3A_74 = arith.constant 560 : i32
    %add3A_75 = arith.addi %mul3A_73, %add3A_74 : i32
    %dma_start3A_76 = arith.constant 0 : i32
    %dma_start3A_77 = arith.constant 0 : i32
    %dma_start3A_78 = tpu.memref_slice %arg10[%dma_start3A_76, %dma_start3A_77] : memref<80x128xf32, #tpu.memory_space<vmem>> -> memref<64x128xf32, #tpu.memory_space<vmem>>
    %dma_start3A_79 = arith.constant 0 : i32
    %dma_start3A_80 = tpu.memref_slice %arg7[%add3A_75, %dma_start3A_79] : memref<10000x128xf32, #tpu.memory_space<vmem_shared>> -> memref<64x128xf32, #tpu.memory_space<vmem_shared>>
    %dma_start3A_81 = arith.constant 0 : i32
    %dma_start3A_82 = tpu.memref_slice %arg7[%add3A_75, %dma_start3A_81] : memref<10000x128xf32, #tpu.memory_space<vmem_shared>> -> memref<64x128xf32, #tpu.memory_space<vmem_shared>>
    %dma_start3A_83 = arith.constant 0 : i32
    %dma_start3A_84 = arith.constant 0 : i32
    %dma_start3A_85 = tpu.memref_slice %arg10[%dma_start3A_83, %dma_start3A_84] : memref<80x128xf32, #tpu.memory_space<vmem>> -> memref<64x128xf32, #tpu.memory_space<vmem>>
    tpu.enqueue_dma source(%dma_start3A_85 : memref<64x128xf32, #tpu.memory_space<vmem>>) target(%dma_start3A_82 : memref<64x128xf32, #tpu.memory_space<vmem_shared>>) target_semaphore(%arg12 : memref<!tpu.dma_semaphore, #tpu.memory_space<semaphore_mem>>)
    %eq3A = arith.constant 0 : i32
    %eq3A_86 = arith.cmpi eq, %arg1, %eq3A : i32
    %convert_element_type3A = arith.extui %eq3A_86 : i1 to i32
    %cond3A = arith.constant 0 : i32
    %cond3A_87 = arith.cmpi ne, %convert_element_type3A, %cond3A : i32
    scf.if %cond3A_87 {
      %dma_start3A_166 = arith.constant 0 : i32
      %dma_start3A_167 = arith.constant 0 : i32
      %dma_start3A_168 = tpu.memref_slice %arg10[%dma_start3A_166, %dma_start3A_167] : memref<80x128xf32, #tpu.memory_space<vmem>> -> memref<16x128xf32, #tpu.memory_space<vmem>>
      %dma_start3A_169 = arith.constant 9984 : i32
      %dma_start3A_170 = arith.constant 0 : i32
      %dma_start3A_171 = tpu.memref_slice %arg7[%dma_start3A_169, %dma_start3A_170] : memref<10000x128xf32, #tpu.memory_space<vmem_shared>> -> memref<16x128xf32, #tpu.memory_space<vmem_shared>>
      %dma_start3A_172 = arith.constant 9984 : i32
      %dma_start3A_173 = arith.constant 0 : i32
      %dma_start3A_174 = tpu.memref_slice %arg7[%dma_start3A_172, %dma_start3A_173] : memref<10000x128xf32, #tpu.memory_space<vmem_shared>> -> memref<16x128xf32, #tpu.memory_space<vmem_shared>>
      %dma_start3A_175 = arith.constant 0 : i32
      %dma_start3A_176 = arith.constant 0 : i32
      %dma_start3A_177 = tpu.memref_slice %arg10[%dma_start3A_175, %dma_start3A_176] : memref<80x128xf32, #tpu.memory_space<vmem>> -> memref<16x128xf32, #tpu.memory_space<vmem>>
      tpu.enqueue_dma source(%dma_start3A_177 : memref<16x128xf32, #tpu.memory_space<vmem>>) target(%dma_start3A_174 : memref<16x128xf32, #tpu.memory_space<vmem_shared>>) target_semaphore(%arg12 : memref<!tpu.dma_semaphore, #tpu.memory_space<semaphore_mem>>)
      %dma_wait3A_178 = arith.constant 0 : i32
      %dma_wait3A_179 = arith.constant 0 : i32
      %dma_wait3A_180 = tpu.memref_slice %arg10[%dma_wait3A_178, %dma_wait3A_179] : memref<80x128xf32, #tpu.memory_space<vmem>> -> memref<16x128xf32, #tpu.memory_space<vmem>>
      %dma_wait3A_181 = arith.constant 9984 : i32
      %dma_wait3A_182 = arith.constant 0 : i32
      %dma_wait3A_183 = tpu.memref_slice %arg7[%dma_wait3A_181, %dma_wait3A_182] : memref<10000x128xf32, #tpu.memory_space<vmem_shared>> -> memref<16x128xf32, #tpu.memory_space<vmem_shared>>
      %dma_wait3A_184 = arith.constant 9984 : i32
      %dma_wait3A_185 = arith.constant 0 : i32
      %dma_wait3A_186 = tpu.memref_slice %arg7[%dma_wait3A_184, %dma_wait3A_185] : memref<10000x128xf32, #tpu.memory_space<vmem_shared>> -> memref<16x128xf32, #tpu.memory_space<vmem_shared>>
      %dma_wait3A_187 = arith.constant 0 : i32
      %dma_wait3A_188 = arith.constant 0 : i32
      %dma_wait3A_189 = tpu.memref_slice %arg10[%dma_wait3A_187, %dma_wait3A_188] : memref<80x128xf32, #tpu.memory_space<vmem>> -> memref<16x128xf32, #tpu.memory_space<vmem>>
      tpu.wait_dma2 semaphore(%arg12 : memref<!tpu.dma_semaphore, #tpu.memory_space<semaphore_mem>>) src(%dma_wait3A_189 : memref<16x128xf32, #tpu.memory_space<vmem>>) dst(%dma_wait3A_186 : memref<16x128xf32, #tpu.memory_space<vmem_shared>>)
    } else {
    }
    %dma_wait3A = arith.constant 0 : i32
    %dma_wait3A_88 = tpu.memref_slice %arg7[%add3A_19, %dma_wait3A] : memref<10000x128xf32, #tpu.memory_space<vmem_shared>> -> memref<80x128xf32, #tpu.memory_space<vmem_shared>>
    %dma_wait3A_89 = arith.constant 0 : i32
    %dma_wait3A_90 = tpu.memref_slice %arg7[%add3A_19, %dma_wait3A_89] : memref<10000x128xf32, #tpu.memory_space<vmem_shared>> -> memref<80x128xf32, #tpu.memory_space<vmem_shared>>
    tpu.wait_dma2 semaphore(%arg12 : memref<!tpu.dma_semaphore, #tpu.memory_space<semaphore_mem>>) src(%arg10 : memref<80x128xf32, #tpu.memory_space<vmem>>) dst(%dma_wait3A_90 : memref<80x128xf32, #tpu.memory_space<vmem_shared>>)
    %dma_wait3A_91 = arith.constant 0 : i32
    %dma_wait3A_92 = tpu.memref_slice %arg7[%add3A_27, %dma_wait3A_91] : memref<10000x128xf32, #tpu.memory_space<vmem_shared>> -> memref<80x128xf32, #tpu.memory_space<vmem_shared>>
    %dma_wait3A_93 = arith.constant 0 : i32
    %dma_wait3A_94 = tpu.memref_slice %arg7[%add3A_27, %dma_wait3A_93] : memref<10000x128xf32, #tpu.memory_space<vmem_shared>> -> memref<80x128xf32, #tpu.memory_space<vmem_shared>>
    tpu.wait_dma2 semaphore(%arg12 : memref<!tpu.dma_semaphore, #tpu.memory_space<semaphore_mem>>) src(%arg10 : memref<80x128xf32, #tpu.memory_space<vmem>>) dst(%dma_wait3A_94 : memref<80x128xf32, #tpu.memory_space<vmem_shared>>)
    %dma_wait3A_95 = arith.constant 0 : i32
    %dma_wait3A_96 = tpu.memref_slice %arg7[%add3A_35, %dma_wait3A_95] : memref<10000x128xf32, #tpu.memory_space<vmem_shared>> -> memref<80x128xf32, #tpu.memory_space<vmem_shared>>
    %dma_wait3A_97 = arith.constant 0 : i32
    %dma_wait3A_98 = tpu.memref_slice %arg7[%add3A_35, %dma_wait3A_97] : memref<10000x128xf32, #tpu.memory_space<vmem_shared>> -> memref<80x128xf32, #tpu.memory_space<vmem_shared>>
    tpu.wait_dma2 semaphore(%arg12 : memref<!tpu.dma_semaphore, #tpu.memory_space<semaphore_mem>>) src(%arg10 : memref<80x128xf32, #tpu.memory_space<vmem>>) dst(%dma_wait3A_98 : memref<80x128xf32, #tpu.memory_space<vmem_shared>>)
    %dma_wait3A_99 = arith.constant 0 : i32
    %dma_wait3A_100 = tpu.memref_slice %arg7[%add3A_43, %dma_wait3A_99] : memref<10000x128xf32, #tpu.memory_space<vmem_shared>> -> memref<80x128xf32, #tpu.memory_space<vmem_shared>>
    %dma_wait3A_101 = arith.constant 0 : i32
    %dma_wait3A_102 = tpu.memref_slice %arg7[%add3A_43, %dma_wait3A_101] : memref<10000x128xf32, #tpu.memory_space<vmem_shared>> -> memref<80x128xf32, #tpu.memory_space<vmem_shared>>
    tpu.wait_dma2 semaphore(%arg12 : memref<!tpu.dma_semaphore, #tpu.memory_space<semaphore_mem>>) src(%arg10 : memref<80x128xf32, #tpu.memory_space<vmem>>) dst(%dma_wait3A_102 : memref<80x128xf32, #tpu.memory_space<vmem_shared>>)
    %dma_wait3A_103 = arith.constant 0 : i32
    %dma_wait3A_104 = tpu.memref_slice %arg7[%add3A_51, %dma_wait3A_103] : memref<10000x128xf32, #tpu.memory_space<vmem_shared>> -> memref<80x128xf32, #tpu.memory_space<vmem_shared>>
    %dma_wait3A_105 = arith.constant 0 : i32
    %dma_wait3A_106 = tpu.memref_slice %arg7[%add3A_51, %dma_wait3A_105] : memref<10000x128xf32, #tpu.memory_space<vmem_shared>> -> memref<80x128xf32, #tpu.memory_space<vmem_shared>>
    tpu.wait_dma2 semaphore(%arg12 : memref<!tpu.dma_semaphore, #tpu.memory_space<semaphore_mem>>) src(%arg10 : memref<80x128xf32, #tpu.memory_space<vmem>>) dst(%dma_wait3A_106 : memref<80x128xf32, #tpu.memory_space<vmem_shared>>)
    %dma_wait3A_107 = arith.constant 0 : i32
    %dma_wait3A_108 = tpu.memref_slice %arg7[%add3A_59, %dma_wait3A_107] : memref<10000x128xf32, #tpu.memory_space<vmem_shared>> -> memref<80x128xf32, #tpu.memory_space<vmem_shared>>
    %dma_wait3A_109 = arith.constant 0 : i32
    %dma_wait3A_110 = tpu.memref_slice %arg7[%add3A_59, %dma_wait3A_109] : memref<10000x128xf32, #tpu.memory_space<vmem_shared>> -> memref<80x128xf32, #tpu.memory_space<vmem_shared>>
    tpu.wait_dma2 semaphore(%arg12 : memref<!tpu.dma_semaphore, #tpu.memory_space<semaphore_mem>>) src(%arg10 : memref<80x128xf32, #tpu.memory_space<vmem>>) dst(%dma_wait3A_110 : memref<80x128xf32, #tpu.memory_space<vmem_shared>>)
    %dma_wait3A_111 = arith.constant 0 : i32
    %dma_wait3A_112 = tpu.memref_slice %arg7[%add3A_67, %dma_wait3A_111] : memref<10000x128xf32, #tpu.memory_space<vmem_shared>> -> memref<80x128xf32, #tpu.memory_space<vmem_shared>>
    %dma_wait3A_113 = arith.constant 0 : i32
    %dma_wait3A_114 = tpu.memref_slice %arg7[%add3A_67, %dma_wait3A_113] : memref<10000x128xf32, #tpu.memory_space<vmem_shared>> -> memref<80x128xf32, #tpu.memory_space<vmem_shared>>
    tpu.wait_dma2 semaphore(%arg12 : memref<!tpu.dma_semaphore, #tpu.memory_space<semaphore_mem>>) src(%arg10 : memref<80x128xf32, #tpu.memory_space<vmem>>) dst(%dma_wait3A_114 : memref<80x128xf32, #tpu.memory_space<vmem_shared>>)
    %dma_wait3A_115 = arith.constant 0 : i32
    %dma_wait3A_116 = arith.constant 0 : i32
    %dma_wait3A_117 = tpu.memref_slice %arg10[%dma_wait3A_115, %dma_wait3A_116] : memref<80x128xf32, #tpu.memory_space<vmem>> -> memref<64x128xf32, #tpu.memory_space<vmem>>
    %dma_wait3A_118 = arith.constant 0 : i32
    %dma_wait3A_119 = tpu.memref_slice %arg7[%add3A_75, %dma_wait3A_118] : memref<10000x128xf32, #tpu.memory_space<vmem_shared>> -> memref<64x128xf32, #tpu.memory_space<vmem_shared>>
    %dma_wait3A_120 = arith.constant 0 : i32
    %dma_wait3A_121 = tpu.memref_slice %arg7[%add3A_75, %dma_wait3A_120] : memref<10000x128xf32, #tpu.memory_space<vmem_shared>> -> memref<64x128xf32, #tpu.memory_space<vmem_shared>>
    %dma_wait3A_122 = arith.constant 0 : i32
    %dma_wait3A_123 = arith.constant 0 : i32
    %dma_wait3A_124 = tpu.memref_slice %arg10[%dma_wait3A_122, %dma_wait3A_123] : memref<80x128xf32, #tpu.memory_space<vmem>> -> memref<64x128xf32, #tpu.memory_space<vmem>>
    tpu.wait_dma2 semaphore(%arg12 : memref<!tpu.dma_semaphore, #tpu.memory_space<semaphore_mem>>) src(%dma_wait3A_124 : memref<64x128xf32, #tpu.memory_space<vmem>>) dst(%dma_wait3A_121 : memref<64x128xf32, #tpu.memory_space<vmem_shared>>)
    %dma_wait3A_125 = arith.constant 0 : i32
    %dma_wait3A_126 = arith.constant 0 : i32
    %dma_wait3A_127 = tpu.memref_slice %arg3[%dma_wait3A_125, %add3A, %dma_wait3A_126] : memref<2x32x10000xi32, #tpu.memory_space<hbm>> -> memref<1x1x10000xi32, #tpu.memory_space<hbm>>
    %dma_wait3A_128 = tpu.memref_squeeze %dma_wait3A_127 : memref<1x1x10000xi32, #tpu.memory_space<hbm>> -> memref<10000xi32, #tpu.memory_space<hbm>>
    %dma_wait3A_129 = arith.constant 0 : i32
    %dma_wait3A_130 = tpu.memref_slice %arg3[%dma_wait3A_125, %add3A, %dma_wait3A_129] : memref<2x32x10000xi32, #tpu.memory_space<hbm>> -> memref<1x1x10000xi32, #tpu.memory_space<hbm>>
    %dma_wait3A_131 = tpu.memref_squeeze %dma_wait3A_130 : memref<1x1x10000xi32, #tpu.memory_space<hbm>> -> memref<10000xi32, #tpu.memory_space<hbm>>
    tpu.wait_dma2 semaphore(%arg13 : memref<!tpu.dma_semaphore, #tpu.memory_space<semaphore_mem>>) src(%dma_wait3A_131 : memref<10000xi32, #tpu.memory_space<hbm>>) dst(%arg8 : memref<10000xi32, #tpu.memory_space<vmem>>)
    %dma_wait3A_132 = arith.constant 1 : i32
    %dma_wait3A_133 = arith.constant 0 : i32
    %dma_wait3A_134 = arith.constant 0 : i32
    %dma_wait3A_135 = tpu.memref_slice %arg4[%dma_wait3A_132, %add3A, %dma_wait3A_133, %dma_wait3A_134] : memref<2x32x125x80xi32, #tpu.memory_space<hbm>> -> memref<1x1x125x80xi32, #tpu.memory_space<hbm>>
    %dma_wait3A_136 = tpu.memref_squeeze %dma_wait3A_135 : memref<1x1x125x80xi32, #tpu.memory_space<hbm>> -> memref<125x80xi32, #tpu.memory_space<hbm>>
    %dma_wait3A_137 = arith.constant 0 : i32
    %dma_wait3A_138 = arith.constant 0 : i32
    %dma_wait3A_139 = tpu.memref_slice %arg4[%dma_wait3A_132, %add3A, %dma_wait3A_137, %dma_wait3A_138] : memref<2x32x125x80xi32, #tpu.memory_space<hbm>> -> memref<1x1x125x80xi32, #tpu.memory_space<hbm>>
    %dma_wait3A_140 = tpu.memref_squeeze %dma_wait3A_139 : memref<1x1x125x80xi32, #tpu.memory_space<hbm>> -> memref<125x80xi32, #tpu.memory_space<hbm>>
    tpu.wait_dma2 semaphore(%arg13 : memref<!tpu.dma_semaphore, #tpu.memory_space<semaphore_mem>>) src(%dma_wait3A_140 : memref<125x80xi32, #tpu.memory_space<hbm>>) dst(%arg9 : memref<125x80xi32, #tpu.memory_space<vmem>>)
    %barrier3A = arith.constant 0 : index
    tpu.barrier barrier_id(%barrier3A)
    %dma_start3A_141 = arith.constant 0 : i32
    %dma_start3A_142 = tpu.memref_slice %arg8[%dma_start3A_141] : memref<10000xi32, #tpu.memory_space<vmem>> -> memref<80xi32, #tpu.memory_space<vmem>>
    %dma_start3A_143 = arith.constant 0 : i32
    %dma_start3A_144 = arith.constant 0 : i32
    %dma_start3A_145 = tpu.memref_slice %arg2[%dma_start3A_143, %dma_start3A_144] : memref<10000x128xf32, #tpu.memory_space<hbm>> -> memref<10000x128xf32, #tpu.memory_space<hbm>>
    tpu.enqueue_indirect_dma source(%dma_start3A_145 : memref<10000x128xf32, #tpu.memory_space<hbm>>) target(%arg10 : memref<80x128xf32, #tpu.memory_space<vmem>>) offsets(%dma_start3A_142 : memref<80xi32, #tpu.memory_space<vmem>>) semaphore(%arg12 : memref<!tpu.dma_semaphore, #tpu.memory_space<semaphore_mem>>)
    %scan3A = arith.constant 0 : i32
    %scan3A_146 = arith.constant 62 : i32
    %scan3A_147 = arith.addi %scan3A, %scan3A_146 : i32
    %scan3A_148 = arith.constant 1 : i32
    scf.for %scan3A_166 = %scan3A to %scan3A_147 step %scan3A_148  : i32 {
      %mul3A_167 = arith.constant 2 : i32
      %mul3A_168 = arith.muli %mul3A_167, %scan3A_166 : i32
      %add3A_169 = arith.constant 1 : i32
      %add3A_170 = arith.addi %mul3A_168, %add3A_169 : i32
      %mul3A_171 = arith.constant 80 : i32
      %mul3A_172 = arith.muli %add3A_170, %mul3A_171 : i32
      %multiple_of3A = tpu.assume_multiple %mul3A_172, 8 : i32
      %dma_start3A_173 = tpu.memref_slice %arg8[%multiple_of3A] : memref<10000xi32, #tpu.memory_space<vmem>> -> memref<80xi32, #tpu.memory_space<vmem>>
      %dma_start3A_174 = arith.constant 0 : i32
      %dma_start3A_175 = arith.constant 0 : i32
      %dma_start3A_176 = tpu.memref_slice %arg2[%dma_start3A_174, %dma_start3A_175] : memref<10000x128xf32, #tpu.memory_space<hbm>> -> memref<10000x128xf32, #tpu.memory_space<hbm>>
      tpu.enqueue_indirect_dma source(%dma_start3A_176 : memref<10000x128xf32, #tpu.memory_space<hbm>>) target(%arg11 : memref<80x128xf32, #tpu.memory_space<vmem>>) offsets(%dma_start3A_173 : memref<80xi32, #tpu.memory_space<vmem>>) semaphore(%arg13 : memref<!tpu.dma_semaphore, #tpu.memory_space<semaphore_mem>>)
      %dma_wait3A_177 = arith.constant 0 : i32
      %dma_wait3A_178 = arith.constant 0 : i32
      %dma_wait3A_179 = tpu.memref_slice %arg2[%dma_wait3A_177, %dma_wait3A_178] : memref<10000x128xf32, #tpu.memory_space<hbm>> -> memref<80x128xf32, #tpu.memory_space<hbm>>
      %dma_wait3A_180 = arith.constant 0 : i32
      %dma_wait3A_181 = arith.constant 0 : i32
      %dma_wait3A_182 = tpu.memref_slice %arg2[%dma_wait3A_180, %dma_wait3A_181] : memref<10000x128xf32, #tpu.memory_space<hbm>> -> memref<80x128xf32, #tpu.memory_space<hbm>>
      tpu.wait_dma2 semaphore(%arg12 : memref<!tpu.dma_semaphore, #tpu.memory_space<semaphore_mem>>) src(%dma_wait3A_182 : memref<80x128xf32, #tpu.memory_space<hbm>>) dst(%arg10 : memref<80x128xf32, #tpu.memory_space<vmem>>)
      "tpu.region"() ({
        %run_scoped3A_200 = tpu.sem_alloc : memref<!tpu.dma_semaphore, #tpu.memory_space<semaphore_mem>>
        %dma_start3A_201 = arith.constant 0 : i32
        %dma_start3A_202 = tpu.memref_slice %arg9[%mul3A_168, %dma_start3A_201] : memref<125x80xi32, #tpu.memory_space<vmem>> -> memref<1x80xi32, #tpu.memory_space<vmem>>
        %dma_start3A_203 = tpu.memref_squeeze %dma_start3A_202 : memref<1x80xi32, #tpu.memory_space<vmem>> -> memref<80xi32, #tpu.memory_space<vmem>>
        %dma_start3A_204 = arith.constant 0 : i32
        %dma_start3A_205 = arith.constant 0 : i32
        %dma_start3A_206 = tpu.memref_slice %arg7[%dma_start3A_204, %dma_start3A_205] : memref<10000x128xf32, #tpu.memory_space<vmem_shared>> -> memref<10000x128xf32, #tpu.memory_space<vmem_shared>>
        tpu.enqueue_indirect_dma source(%arg10 : memref<80x128xf32, #tpu.memory_space<vmem>>) target(%dma_start3A_206 : memref<10000x128xf32, #tpu.memory_space<vmem_shared>>) offsets(%dma_start3A_203 : memref<80xi32, #tpu.memory_space<vmem>>) semaphore(%run_scoped3A_200 : memref<!tpu.dma_semaphore, #tpu.memory_space<semaphore_mem>>) {add = true}
        %dma_wait3A_207 = arith.constant 0 : i32
        %dma_wait3A_208 = tpu.memref_slice %arg9[%mul3A_168, %dma_wait3A_207] : memref<125x80xi32, #tpu.memory_space<vmem>> -> memref<1x80xi32, #tpu.memory_space<vmem>>
        %dma_wait3A_209 = tpu.memref_squeeze %dma_wait3A_208 : memref<1x80xi32, #tpu.memory_space<vmem>> -> memref<80xi32, #tpu.memory_space<vmem>>
        %dma_wait3A_210 = arith.constant 0 : i32
        %dma_wait3A_211 = arith.constant 0 : i32
        %dma_wait3A_212 = tpu.memref_slice %arg7[%dma_wait3A_210, %dma_wait3A_211] : memref<10000x128xf32, #tpu.memory_space<vmem_shared>> -> memref<10000x128xf32, #tpu.memory_space<vmem_shared>>
        tpu.wait_indirect_dma semaphore(%run_scoped3A_200 : memref<!tpu.dma_semaphore, #tpu.memory_space<semaphore_mem>>) src(%arg10 : memref<80x128xf32, #tpu.memory_space<vmem>>) dst(%dma_wait3A_212 : memref<10000x128xf32, #tpu.memory_space<vmem_shared>>)
        tpu.yield
      }) : () -> ()
      %add3A_183 = arith.constant 2 : i32
      %add3A_184 = arith.addi %mul3A_168, %add3A_183 : i32
      %mul3A_185 = arith.constant 80 : i32
      %mul3A_186 = arith.muli %add3A_184, %mul3A_185 : i32
      %multiple_of3A_187 = tpu.assume_multiple %mul3A_186, 8 : i32
      %dma_start3A_188 = tpu.memref_slice %arg8[%multiple_of3A_187] : memref<10000xi32, #tpu.memory_space<vmem>> -> memref<80xi32, #tpu.memory_space<vmem>>
      %dma_start3A_189 = arith.constant 0 : i32
      %dma_start3A_190 = arith.constant 0 : i32
      %dma_start3A_191 = tpu.memref_slice %arg2[%dma_start3A_189, %dma_start3A_190] : memref<10000x128xf32, #tpu.memory_space<hbm>> -> memref<10000x128xf32, #tpu.memory_space<hbm>>
      tpu.enqueue_indirect_dma source(%dma_start3A_191 : memref<10000x128xf32, #tpu.memory_space<hbm>>) target(%arg10 : memref<80x128xf32, #tpu.memory_space<vmem>>) offsets(%dma_start3A_188 : memref<80xi32, #tpu.memory_space<vmem>>) semaphore(%arg12 : memref<!tpu.dma_semaphore, #tpu.memory_space<semaphore_mem>>)
      %dma_wait3A_192 = arith.constant 0 : i32
      %dma_wait3A_193 = arith.constant 0 : i32
      %dma_wait3A_194 = tpu.memref_slice %arg2[%dma_wait3A_192, %dma_wait3A_193] : memref<10000x128xf32, #tpu.memory_space<hbm>> -> memref<80x128xf32, #tpu.memory_space<hbm>>
      %dma_wait3A_195 = arith.constant 0 : i32
      %dma_wait3A_196 = arith.constant 0 : i32
      %dma_wait3A_197 = tpu.memref_slice %arg2[%dma_wait3A_195, %dma_wait3A_196] : memref<10000x128xf32, #tpu.memory_space<hbm>> -> memref<80x128xf32, #tpu.memory_space<hbm>>
      tpu.wait_dma2 semaphore(%arg13 : memref<!tpu.dma_semaphore, #tpu.memory_space<semaphore_mem>>) src(%dma_wait3A_197 : memref<80x128xf32, #tpu.memory_space<hbm>>) dst(%arg11 : memref<80x128xf32, #tpu.memory_space<vmem>>)
      %add3A_198 = arith.constant 1 : i32
      %add3A_199 = arith.addi %mul3A_168, %add3A_198 : i32
      "tpu.region"() ({
        %run_scoped3A_200 = tpu.sem_alloc : memref<!tpu.dma_semaphore, #tpu.memory_space<semaphore_mem>>
        %dma_start3A_201 = arith.constant 0 : i32
        %dma_start3A_202 = tpu.memref_slice %arg9[%add3A_199, %dma_start3A_201] : memref<125x80xi32, #tpu.memory_space<vmem>> -> memref<1x80xi32, #tpu.memory_space<vmem>>
        %dma_start3A_203 = tpu.memref_squeeze %dma_start3A_202 : memref<1x80xi32, #tpu.memory_space<vmem>> -> memref<80xi32, #tpu.memory_space<vmem>>
        %dma_start3A_204 = arith.constant 0 : i32
        %dma_start3A_205 = arith.constant 0 : i32
        %dma_start3A_206 = tpu.memref_slice %arg7[%dma_start3A_204, %dma_start3A_205] : memref<10000x128xf32, #tpu.memory_space<vmem_shared>> -> memref<10000x128xf32, #tpu.memory_space<vmem_shared>>
        tpu.enqueue_indirect_dma source(%arg11 : memref<80x128xf32, #tpu.memory_space<vmem>>) target(%dma_start3A_206 : memref<10000x128xf32, #tpu.memory_space<vmem_shared>>) offsets(%dma_start3A_203 : memref<80xi32, #tpu.memory_space<vmem>>) semaphore(%run_scoped3A_200 : memref<!tpu.dma_semaphore, #tpu.memory_space<semaphore_mem>>) {add = true}
        %dma_wait3A_207 = arith.constant 0 : i32
        %dma_wait3A_208 = tpu.memref_slice %arg9[%add3A_199, %dma_wait3A_207] : memref<125x80xi32, #tpu.memory_space<vmem>> -> memref<1x80xi32, #tpu.memory_space<vmem>>
        %dma_wait3A_209 = tpu.memref_squeeze %dma_wait3A_208 : memref<1x80xi32, #tpu.memory_space<vmem>> -> memref<80xi32, #tpu.memory_space<vmem>>
        %dma_wait3A_210 = arith.constant 0 : i32
        %dma_wait3A_211 = arith.constant 0 : i32
        %dma_wait3A_212 = tpu.memref_slice %arg7[%dma_wait3A_210, %dma_wait3A_211] : memref<10000x128xf32, #tpu.memory_space<vmem_shared>> -> memref<10000x128xf32, #tpu.memory_space<vmem_shared>>
        tpu.wait_indirect_dma semaphore(%run_scoped3A_200 : memref<!tpu.dma_semaphore, #tpu.memory_space<semaphore_mem>>) src(%arg11 : memref<80x128xf32, #tpu.memory_space<vmem>>) dst(%dma_wait3A_212 : memref<10000x128xf32, #tpu.memory_space<vmem_shared>>)
        tpu.yield
      }) : () -> ()
    }
    %scan3A_149 = arith.constant 62 : i32
    %dma_wait3A_150 = arith.constant 0 : i32
    %dma_wait3A_151 = arith.constant 0 : i32
    %dma_wait3A_152 = tpu.memref_slice %arg2[%dma_wait3A_150, %dma_wait3A_151] : memref<10000x128xf32, #tpu.memory_space<hbm>> -> memref<80x128xf32, #tpu.memory_space<hbm>>
    %dma_wait3A_153 = arith.constant 0 : i32
    %dma_wait3A_154 = arith.constant 0 : i32
    %dma_wait3A_155 = tpu.memref_slice %arg2[%dma_wait3A_153, %dma_wait3A_154] : memref<10000x128xf32, #tpu.memory_space<hbm>> -> memref<80x128xf32, #tpu.memory_space<hbm>>
    tpu.wait_dma2 semaphore(%arg12 : memref<!tpu.dma_semaphore, #tpu.memory_space<semaphore_mem>>) src(%dma_wait3A_155 : memref<80x128xf32, #tpu.memory_space<hbm>>) dst(%arg10 : memref<80x128xf32, #tpu.memory_space<vmem>>)
    %run_scoped3A = arith.constant 124 : i32
    "tpu.region"() ({
      %run_scoped3A_166 = tpu.sem_alloc : memref<!tpu.dma_semaphore, #tpu.memory_space<semaphore_mem>>
      %dma_start3A_167 = arith.constant 0 : i32
      %dma_start3A_168 = tpu.memref_slice %arg9[%run_scoped3A, %dma_start3A_167] : memref<125x80xi32, #tpu.memory_space<vmem>> -> memref<1x80xi32, #tpu.memory_space<vmem>>
      %dma_start3A_169 = tpu.memref_squeeze %dma_start3A_168 : memref<1x80xi32, #tpu.memory_space<vmem>> -> memref<80xi32, #tpu.memory_space<vmem>>
      %dma_start3A_170 = arith.constant 0 : i32
      %dma_start3A_171 = arith.constant 0 : i32
      %dma_start3A_172 = tpu.memref_slice %arg7[%dma_start3A_170, %dma_start3A_171] : memref<10000x128xf32, #tpu.memory_space<vmem_shared>> -> memref<10000x128xf32, #tpu.memory_space<vmem_shared>>
      tpu.enqueue_indirect_dma source(%arg10 : memref<80x128xf32, #tpu.memory_space<vmem>>) target(%dma_start3A_172 : memref<10000x128xf32, #tpu.memory_space<vmem_shared>>) offsets(%dma_start3A_169 : memref<80xi32, #tpu.memory_space<vmem>>) semaphore(%run_scoped3A_166 : memref<!tpu.dma_semaphore, #tpu.memory_space<semaphore_mem>>) {add = true}
      %dma_wait3A_173 = arith.constant 0 : i32
      %dma_wait3A_174 = tpu.memref_slice %arg9[%run_scoped3A, %dma_wait3A_173] : memref<125x80xi32, #tpu.memory_space<vmem>> -> memref<1x80xi32, #tpu.memory_space<vmem>>
      %dma_wait3A_175 = tpu.memref_squeeze %dma_wait3A_174 : memref<1x80xi32, #tpu.memory_space<vmem>> -> memref<80xi32, #tpu.memory_space<vmem>>
      %dma_wait3A_176 = arith.constant 0 : i32
      %dma_wait3A_177 = arith.constant 0 : i32
      %dma_wait3A_178 = tpu.memref_slice %arg7[%dma_wait3A_176, %dma_wait3A_177] : memref<10000x128xf32, #tpu.memory_space<vmem_shared>> -> memref<10000x128xf32, #tpu.memory_space<vmem_shared>>
      tpu.wait_indirect_dma semaphore(%run_scoped3A_166 : memref<!tpu.dma_semaphore, #tpu.memory_space<semaphore_mem>>) src(%arg10 : memref<80x128xf32, #tpu.memory_space<vmem>>) dst(%dma_wait3A_178 : memref<10000x128xf32, #tpu.memory_space<vmem_shared>>)
      tpu.yield
    }) : () -> ()
    %barrier3A_156 = arith.constant 0 : index
    tpu.barrier barrier_id(%barrier3A_156)
    %mul3A_157 = arith.constant 624 : i32
    %mul3A_158 = arith.muli %arg1, %mul3A_157 : i32
    %mul3A_159 = arith.constant 624 : i32
    %mul3A_160 = arith.muli %arg1, %mul3A_159 : i32
    "tpu.region"() ({
      %run_scoped3A_166 = tpu.sem_alloc : memref<!tpu.dma_semaphore, #tpu.memory_space<semaphore_mem>>
      %dma_start3A_167 = arith.constant 0 : i32
      %dma_start3A_168 = tpu.memref_slice %arg6[%arg0, %mul3A_160, %dma_start3A_167] : memref<2x10000x128xf32, #tpu.memory_space<hbm>> -> memref<1x624x128xf32, #tpu.memory_space<hbm>>
      %dma_start3A_169 = tpu.memref_squeeze %dma_start3A_168 : memref<1x624x128xf32, #tpu.memory_space<hbm>> -> memref<624x128xf32, #tpu.memory_space<hbm>>
      %dma_start3A_170 = arith.constant 0 : i32
      %dma_start3A_171 = tpu.memref_slice %arg7[%mul3A_158, %dma_start3A_170] : memref<10000x128xf32, #tpu.memory_space<vmem_shared>> -> memref<624x128xf32, #tpu.memory_space<vmem_shared>>
      tpu.enqueue_dma source(%dma_start3A_171 : memref<624x128xf32, #tpu.memory_space<vmem_shared>>) target(%dma_start3A_169 : memref<624x128xf32, #tpu.memory_space<hbm>>) target_semaphore(%run_scoped3A_166 : memref<!tpu.dma_semaphore, #tpu.memory_space<semaphore_mem>>)
      %dma_wait3A_172 = arith.constant 0 : i32
      %dma_wait3A_173 = tpu.memref_slice %arg6[%arg0, %mul3A_160, %dma_wait3A_172] : memref<2x10000x128xf32, #tpu.memory_space<hbm>> -> memref<1x624x128xf32, #tpu.memory_space<hbm>>
      %dma_wait3A_174 = tpu.memref_squeeze %dma_wait3A_173 : memref<1x624x128xf32, #tpu.memory_space<hbm>> -> memref<624x128xf32, #tpu.memory_space<hbm>>
      %dma_wait3A_175 = arith.constant 0 : i32
      %dma_wait3A_176 = tpu.memref_slice %arg7[%mul3A_158, %dma_wait3A_175] : memref<10000x128xf32, #tpu.memory_space<vmem_shared>> -> memref<624x128xf32, #tpu.memory_space<vmem_shared>>
      tpu.wait_dma2 semaphore(%run_scoped3A_166 : memref<!tpu.dma_semaphore, #tpu.memory_space<semaphore_mem>>) src(%dma_wait3A_176 : memref<624x128xf32, #tpu.memory_space<vmem_shared>>) dst(%dma_wait3A_174 : memref<624x128xf32, #tpu.memory_space<hbm>>)
      tpu.yield
    }) : () -> ()
    %eq3A_161 = arith.constant 0 : i32
    %eq3A_162 = arith.cmpi eq, %arg1, %eq3A_161 : i32
    %convert_element_type3A_163 = arith.extui %eq3A_162 : i1 to i32
    %cond3A_164 = arith.constant 0 : i32
    %cond3A_165 = arith.cmpi ne, %convert_element_type3A_163, %cond3A_164 : i32
    scf.if %cond3A_165 {
      "tpu.region"() ({
        %run_scoped3A_166 = tpu.sem_alloc : memref<!tpu.dma_semaphore, #tpu.memory_space<semaphore_mem>>
        %dma_start3A_167 = arith.constant 9984 : i32
        %dma_start3A_168 = arith.constant 0 : i32
        %dma_start3A_169 = tpu.memref_slice %arg6[%arg0, %dma_start3A_167, %dma_start3A_168] : memref<2x10000x128xf32, #tpu.memory_space<hbm>> -> memref<1x16x128xf32, #tpu.memory_space<hbm>>
        %dma_start3A_170 = tpu.memref_squeeze %dma_start3A_169 : memref<1x16x128xf32, #tpu.memory_space<hbm>> -> memref<16x128xf32, #tpu.memory_space<hbm>>
        %dma_start3A_171 = arith.constant 9984 : i32
        %dma_start3A_172 = arith.constant 0 : i32
        %dma_start3A_173 = tpu.memref_slice %arg7[%dma_start3A_171, %dma_start3A_172] : memref<10000x128xf32, #tpu.memory_space<vmem_shared>> -> memref<16x128xf32, #tpu.memory_space<vmem_shared>>
        tpu.enqueue_dma source(%dma_start3A_173 : memref<16x128xf32, #tpu.memory_space<vmem_shared>>) target(%dma_start3A_170 : memref<16x128xf32, #tpu.memory_space<hbm>>) target_semaphore(%run_scoped3A_166 : memref<!tpu.dma_semaphore, #tpu.memory_space<semaphore_mem>>)
        %dma_wait3A_174 = arith.constant 9984 : i32
        %dma_wait3A_175 = arith.constant 0 : i32
        %dma_wait3A_176 = tpu.memref_slice %arg6[%arg0, %dma_wait3A_174, %dma_wait3A_175] : memref<2x10000x128xf32, #tpu.memory_space<hbm>> -> memref<1x16x128xf32, #tpu.memory_space<hbm>>
        %dma_wait3A_177 = tpu.memref_squeeze %dma_wait3A_176 : memref<1x16x128xf32, #tpu.memory_space<hbm>> -> memref<16x128xf32, #tpu.memory_space<hbm>>
        %dma_wait3A_178 = arith.constant 9984 : i32
        %dma_wait3A_179 = arith.constant 0 : i32
        %dma_wait3A_180 = tpu.memref_slice %arg7[%dma_wait3A_178, %dma_wait3A_179] : memref<10000x128xf32, #tpu.memory_space<vmem_shared>> -> memref<16x128xf32, #tpu.memory_space<vmem_shared>>
        tpu.wait_dma2 semaphore(%run_scoped3A_166 : memref<!tpu.dma_semaphore, #tpu.memory_space<semaphore_mem>>) src(%dma_wait3A_180 : memref<16x128xf32, #tpu.memory_space<vmem_shared>>) dst(%dma_wait3A_177 : memref<16x128xf32, #tpu.memory_space<hbm>>)
        tpu.yield
      }) : () -> ()
    } else {
    }
    return
  }
}

#map = affine_map<(d0, d1) -> (0, 0)>
#map1 = affine_map<(d0, d1) -> (0, 0, 0)>
#map2 = affine_map<(d0, d1) -> (0, 0, 0, 0)>
module attributes {stable_mosaic.version = 14 : i64} {
  func.func @_seg_kernel(%arg0: i32, %arg1: i32, %arg2: memref<10000x128xf32, #tpu.memory_space<hbm>>, %arg3: memref<2x32x10000xi32, #tpu.memory_space<hbm>>, %arg4: memref<2x32x125x80xi32, #tpu.memory_space<hbm>>, %arg5: memref<80x128xf32, #tpu.memory_space<hbm>>, %arg6: memref<2x10000x128xf32, #tpu.memory_space<hbm>>, %arg7: memref<10000x128xf32, #tpu.memory_space<vmem_shared>>, %arg8: memref<10000xi32, #tpu.memory_space<vmem>>, %arg9: memref<125x80xi32, #tpu.memory_space<vmem>>, %arg10: memref<80x128xf32, #tpu.memory_space<vmem>>, %arg11: memref<80x128xf32, #tpu.memory_space<vmem>>, %arg12: memref<!tpu.dma_semaphore, #tpu.memory_space<semaphore_mem>>, %arg13: memref<!tpu.dma_semaphore, #tpu.memory_space<semaphore_mem>>) attributes {dimension_semantics = [#tpu.dimension_semantics<core_parallel>, #tpu.dimension_semantics<subcore_parallel>], iteration_bounds = array<i64: 2, 16>, scalar_prefetch = 0 : i64, scratch_operands = 7 : i64, tpu.core_type = #tpu.core_type<sc_vector_subcore>, window_params = [{transform_indices = #map}, {transform_indices = #map1}, {transform_indices = #map2}, {transform_indices = #map}, {transform_indices = #map1}]} {
    %mul3A = arith.constant 16 : i32
    %mul3A_0 = arith.muli %arg0, %mul3A : i32
    %add3A = arith.addi %mul3A_0, %arg1 : i32
    tpu.enqueue_dma source(%arg5 : memref<80x128xf32, #tpu.memory_space<hbm>>) target(%arg10 : memref<80x128xf32, #tpu.memory_space<vmem>>) target_semaphore(%arg12 : memref<!tpu.dma_semaphore, #tpu.memory_space<semaphore_mem>>)
    %dma_start3A = arith.constant 0 : i32
    %dma_start3A_1 = arith.constant 0 : i32
    %dma_start3A_2 = tpu.memref_slice %arg3[%dma_start3A, %add3A, %dma_start3A_1] : memref<2x32x10000xi32, #tpu.memory_space<hbm>> -> memref<1x1x10000xi32, #tpu.memory_space<hbm>>
    %dma_start3A_3 = tpu.memref_squeeze %dma_start3A_2 : memref<1x1x10000xi32, #tpu.memory_space<hbm>> -> memref<10000xi32, #tpu.memory_space<hbm>>
    %dma_start3A_4 = arith.constant 0 : i32
    %dma_start3A_5 = tpu.memref_slice %arg3[%dma_start3A, %add3A, %dma_start3A_4] : memref<2x32x10000xi32, #tpu.memory_space<hbm>> -> memref<1x1x10000xi32, #tpu.memory_space<hbm>>
    %dma_start3A_6 = tpu.memref_squeeze %dma_start3A_5 : memref<1x1x10000xi32, #tpu.memory_space<hbm>> -> memref<10000xi32, #tpu.memory_space<hbm>>
    tpu.enqueue_dma source(%dma_start3A_6 : memref<10000xi32, #tpu.memory_space<hbm>>) target(%arg8 : memref<10000xi32, #tpu.memory_space<vmem>>) target_semaphore(%arg13 : memref<!tpu.dma_semaphore, #tpu.memory_space<semaphore_mem>>)
    %dma_start3A_7 = arith.constant 1 : i32
    %dma_start3A_8 = arith.constant 0 : i32
    %dma_start3A_9 = arith.constant 0 : i32
    %dma_start3A_10 = tpu.memref_slice %arg4[%dma_start3A_7, %add3A, %dma_start3A_8, %dma_start3A_9] : memref<2x32x125x80xi32, #tpu.memory_space<hbm>> -> memref<1x1x125x80xi32, #tpu.memory_space<hbm>>
    %dma_start3A_11 = tpu.memref_squeeze %dma_start3A_10 : memref<1x1x125x80xi32, #tpu.memory_space<hbm>> -> memref<125x80xi32, #tpu.memory_space<hbm>>
    %dma_start3A_12 = arith.constant 0 : i32
    %dma_start3A_13 = arith.constant 0 : i32
    %dma_start3A_14 = tpu.memref_slice %arg4[%dma_start3A_7, %add3A, %dma_start3A_12, %dma_start3A_13] : memref<2x32x125x80xi32, #tpu.memory_space<hbm>> -> memref<1x1x125x80xi32, #tpu.memory_space<hbm>>
    %dma_start3A_15 = tpu.memref_squeeze %dma_start3A_14 : memref<1x1x125x80xi32, #tpu.memory_space<hbm>> -> memref<125x80xi32, #tpu.memory_space<hbm>>
    tpu.enqueue_dma source(%dma_start3A_15 : memref<125x80xi32, #tpu.memory_space<hbm>>) target(%arg9 : memref<125x80xi32, #tpu.memory_space<vmem>>) target_semaphore(%arg13 : memref<!tpu.dma_semaphore, #tpu.memory_space<semaphore_mem>>)
    tpu.wait_dma2 semaphore(%arg12 : memref<!tpu.dma_semaphore, #tpu.memory_space<semaphore_mem>>) src(%arg5 : memref<80x128xf32, #tpu.memory_space<hbm>>) dst(%arg10 : memref<80x128xf32, #tpu.memory_space<vmem>>)
    %mul3A_16 = arith.constant 624 : i32
    %mul3A_17 = arith.muli %arg1, %mul3A_16 : i32
    %add3A_18 = arith.constant 0 : i32
    %add3A_19 = arith.addi %mul3A_17, %add3A_18 : i32
    %dma_start3A_20 = arith.constant 0 : i32
    %dma_start3A_21 = tpu.memref_slice %arg7[%add3A_19, %dma_start3A_20] : memref<10000x128xf32, #tpu.memory_space<vmem_shared>> -> memref<80x128xf32, #tpu.memory_space<vmem_shared>>
    %dma_start3A_22 = arith.constant 0 : i32
    %dma_start3A_23 = tpu.memref_slice %arg7[%add3A_19, %dma_start3A_22] : memref<10000x128xf32, #tpu.memory_space<vmem_shared>> -> memref<80x128xf32, #tpu.memory_space<vmem_shared>>
    tpu.enqueue_dma source(%arg10 : memref<80x128xf32, #tpu.memory_space<vmem>>) target(%dma_start3A_23 : memref<80x128xf32, #tpu.memory_space<vmem_shared>>) target_semaphore(%arg12 : memref<!tpu.dma_semaphore, #tpu.memory_space<semaphore_mem>>)
    %mul3A_24 = arith.constant 624 : i32
    %mul3A_25 = arith.muli %arg1, %mul3A_24 : i32
    %add3A_26 = arith.constant 80 : i32
    %add3A_27 = arith.addi %mul3A_25, %add3A_26 : i32
    %dma_start3A_28 = arith.constant 0 : i32
    %dma_start3A_29 = tpu.memref_slice %arg7[%add3A_27, %dma_start3A_28] : memref<10000x128xf32, #tpu.memory_space<vmem_shared>> -> memref<80x128xf32, #tpu.memory_space<vmem_shared>>
    %dma_start3A_30 = arith.constant 0 : i32
    %dma_start3A_31 = tpu.memref_slice %arg7[%add3A_27, %dma_start3A_30] : memref<10000x128xf32, #tpu.memory_space<vmem_shared>> -> memref<80x128xf32, #tpu.memory_space<vmem_shared>>
    tpu.enqueue_dma source(%arg10 : memref<80x128xf32, #tpu.memory_space<vmem>>) target(%dma_start3A_31 : memref<80x128xf32, #tpu.memory_space<vmem_shared>>) target_semaphore(%arg12 : memref<!tpu.dma_semaphore, #tpu.memory_space<semaphore_mem>>)
    %mul3A_32 = arith.constant 624 : i32
    %mul3A_33 = arith.muli %arg1, %mul3A_32 : i32
    %add3A_34 = arith.constant 160 : i32
    %add3A_35 = arith.addi %mul3A_33, %add3A_34 : i32
    %dma_start3A_36 = arith.constant 0 : i32
    %dma_start3A_37 = tpu.memref_slice %arg7[%add3A_35, %dma_start3A_36] : memref<10000x128xf32, #tpu.memory_space<vmem_shared>> -> memref<80x128xf32, #tpu.memory_space<vmem_shared>>
    %dma_start3A_38 = arith.constant 0 : i32
    %dma_start3A_39 = tpu.memref_slice %arg7[%add3A_35, %dma_start3A_38] : memref<10000x128xf32, #tpu.memory_space<vmem_shared>> -> memref<80x128xf32, #tpu.memory_space<vmem_shared>>
    tpu.enqueue_dma source(%arg10 : memref<80x128xf32, #tpu.memory_space<vmem>>) target(%dma_start3A_39 : memref<80x128xf32, #tpu.memory_space<vmem_shared>>) target_semaphore(%arg12 : memref<!tpu.dma_semaphore, #tpu.memory_space<semaphore_mem>>)
    %mul3A_40 = arith.constant 624 : i32
    %mul3A_41 = arith.muli %arg1, %mul3A_40 : i32
    %add3A_42 = arith.constant 240 : i32
    %add3A_43 = arith.addi %mul3A_41, %add3A_42 : i32
    %dma_start3A_44 = arith.constant 0 : i32
    %dma_start3A_45 = tpu.memref_slice %arg7[%add3A_43, %dma_start3A_44] : memref<10000x128xf32, #tpu.memory_space<vmem_shared>> -> memref<80x128xf32, #tpu.memory_space<vmem_shared>>
    %dma_start3A_46 = arith.constant 0 : i32
    %dma_start3A_47 = tpu.memref_slice %arg7[%add3A_43, %dma_start3A_46] : memref<10000x128xf32, #tpu.memory_space<vmem_shared>> -> memref<80x128xf32, #tpu.memory_space<vmem_shared>>
    tpu.enqueue_dma source(%arg10 : memref<80x128xf32, #tpu.memory_space<vmem>>) target(%dma_start3A_47 : memref<80x128xf32, #tpu.memory_space<vmem_shared>>) target_semaphore(%arg12 : memref<!tpu.dma_semaphore, #tpu.memory_space<semaphore_mem>>)
    %mul3A_48 = arith.constant 624 : i32
    %mul3A_49 = arith.muli %arg1, %mul3A_48 : i32
    %add3A_50 = arith.constant 320 : i32
    %add3A_51 = arith.addi %mul3A_49, %add3A_50 : i32
    %dma_start3A_52 = arith.constant 0 : i32
    %dma_start3A_53 = tpu.memref_slice %arg7[%add3A_51, %dma_start3A_52] : memref<10000x128xf32, #tpu.memory_space<vmem_shared>> -> memref<80x128xf32, #tpu.memory_space<vmem_shared>>
    %dma_start3A_54 = arith.constant 0 : i32
    %dma_start3A_55 = tpu.memref_slice %arg7[%add3A_51, %dma_start3A_54] : memref<10000x128xf32, #tpu.memory_space<vmem_shared>> -> memref<80x128xf32, #tpu.memory_space<vmem_shared>>
    tpu.enqueue_dma source(%arg10 : memref<80x128xf32, #tpu.memory_space<vmem>>) target(%dma_start3A_55 : memref<80x128xf32, #tpu.memory_space<vmem_shared>>) target_semaphore(%arg12 : memref<!tpu.dma_semaphore, #tpu.memory_space<semaphore_mem>>)
    %mul3A_56 = arith.constant 624 : i32
    %mul3A_57 = arith.muli %arg1, %mul3A_56 : i32
    %add3A_58 = arith.constant 400 : i32
    %add3A_59 = arith.addi %mul3A_57, %add3A_58 : i32
    %dma_start3A_60 = arith.constant 0 : i32
    %dma_start3A_61 = tpu.memref_slice %arg7[%add3A_59, %dma_start3A_60] : memref<10000x128xf32, #tpu.memory_space<vmem_shared>> -> memref<80x128xf32, #tpu.memory_space<vmem_shared>>
    %dma_start3A_62 = arith.constant 0 : i32
    %dma_start3A_63 = tpu.memref_slice %arg7[%add3A_59, %dma_start3A_62] : memref<10000x128xf32, #tpu.memory_space<vmem_shared>> -> memref<80x128xf32, #tpu.memory_space<vmem_shared>>
    tpu.enqueue_dma source(%arg10 : memref<80x128xf32, #tpu.memory_space<vmem>>) target(%dma_start3A_63 : memref<80x128xf32, #tpu.memory_space<vmem_shared>>) target_semaphore(%arg12 : memref<!tpu.dma_semaphore, #tpu.memory_space<semaphore_mem>>)
    %mul3A_64 = arith.constant 624 : i32
    %mul3A_65 = arith.muli %arg1, %mul3A_64 : i32
    %add3A_66 = arith.constant 480 : i32
    %add3A_67 = arith.addi %mul3A_65, %add3A_66 : i32
    %dma_start3A_68 = arith.constant 0 : i32
    %dma_start3A_69 = tpu.memref_slice %arg7[%add3A_67, %dma_start3A_68] : memref<10000x128xf32, #tpu.memory_space<vmem_shared>> -> memref<80x128xf32, #tpu.memory_space<vmem_shared>>
    %dma_start3A_70 = arith.constant 0 : i32
    %dma_start3A_71 = tpu.memref_slice %arg7[%add3A_67, %dma_start3A_70] : memref<10000x128xf32, #tpu.memory_space<vmem_shared>> -> memref<80x128xf32, #tpu.memory_space<vmem_shared>>
    tpu.enqueue_dma source(%arg10 : memref<80x128xf32, #tpu.memory_space<vmem>>) target(%dma_start3A_71 : memref<80x128xf32, #tpu.memory_space<vmem_shared>>) target_semaphore(%arg12 : memref<!tpu.dma_semaphore, #tpu.memory_space<semaphore_mem>>)
    %mul3A_72 = arith.constant 624 : i32
    %mul3A_73 = arith.muli %arg1, %mul3A_72 : i32
    %add3A_74 = arith.constant 560 : i32
    %add3A_75 = arith.addi %mul3A_73, %add3A_74 : i32
    %dma_start3A_76 = arith.constant 0 : i32
    %dma_start3A_77 = arith.constant 0 : i32
    %dma_start3A_78 = tpu.memref_slice %arg10[%dma_start3A_76, %dma_start3A_77] : memref<80x128xf32, #tpu.memory_space<vmem>> -> memref<64x128xf32, #tpu.memory_space<vmem>>
    %dma_start3A_79 = arith.constant 0 : i32
    %dma_start3A_80 = tpu.memref_slice %arg7[%add3A_75, %dma_start3A_79] : memref<10000x128xf32, #tpu.memory_space<vmem_shared>> -> memref<64x128xf32, #tpu.memory_space<vmem_shared>>
    %dma_start3A_81 = arith.constant 0 : i32
    %dma_start3A_82 = tpu.memref_slice %arg7[%add3A_75, %dma_start3A_81] : memref<10000x128xf32, #tpu.memory_space<vmem_shared>> -> memref<64x128xf32, #tpu.memory_space<vmem_shared>>
    %dma_start3A_83 = arith.constant 0 : i32
    %dma_start3A_84 = arith.constant 0 : i32
    %dma_start3A_85 = tpu.memref_slice %arg10[%dma_start3A_83, %dma_start3A_84] : memref<80x128xf32, #tpu.memory_space<vmem>> -> memref<64x128xf32, #tpu.memory_space<vmem>>
    tpu.enqueue_dma source(%dma_start3A_85 : memref<64x128xf32, #tpu.memory_space<vmem>>) target(%dma_start3A_82 : memref<64x128xf32, #tpu.memory_space<vmem_shared>>) target_semaphore(%arg12 : memref<!tpu.dma_semaphore, #tpu.memory_space<semaphore_mem>>)
    %eq3A = arith.constant 0 : i32
    %eq3A_86 = arith.cmpi eq, %arg1, %eq3A : i32
    %convert_element_type3A = arith.extui %eq3A_86 : i1 to i32
    %cond3A = arith.constant 0 : i32
    %cond3A_87 = arith.cmpi ne, %convert_element_type3A, %cond3A : i32
    scf.if %cond3A_87 {
      %dma_start3A_166 = arith.constant 0 : i32
      %dma_start3A_167 = arith.constant 0 : i32
      %dma_start3A_168 = tpu.memref_slice %arg10[%dma_start3A_166, %dma_start3A_167] : memref<80x128xf32, #tpu.memory_space<vmem>> -> memref<16x128xf32, #tpu.memory_space<vmem>>
      %dma_start3A_169 = arith.constant 9984 : i32
      %dma_start3A_170 = arith.constant 0 : i32
      %dma_start3A_171 = tpu.memref_slice %arg7[%dma_start3A_169, %dma_start3A_170] : memref<10000x128xf32, #tpu.memory_space<vmem_shared>> -> memref<16x128xf32, #tpu.memory_space<vmem_shared>>
      %dma_start3A_172 = arith.constant 9984 : i32
      %dma_start3A_173 = arith.constant 0 : i32
      %dma_start3A_174 = tpu.memref_slice %arg7[%dma_start3A_172, %dma_start3A_173] : memref<10000x128xf32, #tpu.memory_space<vmem_shared>> -> memref<16x128xf32, #tpu.memory_space<vmem_shared>>
      %dma_start3A_175 = arith.constant 0 : i32
      %dma_start3A_176 = arith.constant 0 : i32
      %dma_start3A_177 = tpu.memref_slice %arg10[%dma_start3A_175, %dma_start3A_176] : memref<80x128xf32, #tpu.memory_space<vmem>> -> memref<16x128xf32, #tpu.memory_space<vmem>>
      tpu.enqueue_dma source(%dma_start3A_177 : memref<16x128xf32, #tpu.memory_space<vmem>>) target(%dma_start3A_174 : memref<16x128xf32, #tpu.memory_space<vmem_shared>>) target_semaphore(%arg12 : memref<!tpu.dma_semaphore, #tpu.memory_space<semaphore_mem>>)
      %dma_wait3A_178 = arith.constant 0 : i32
      %dma_wait3A_179 = arith.constant 0 : i32
      %dma_wait3A_180 = tpu.memref_slice %arg10[%dma_wait3A_178, %dma_wait3A_179] : memref<80x128xf32, #tpu.memory_space<vmem>> -> memref<16x128xf32, #tpu.memory_space<vmem>>
      %dma_wait3A_181 = arith.constant 9984 : i32
      %dma_wait3A_182 = arith.constant 0 : i32
      %dma_wait3A_183 = tpu.memref_slice %arg7[%dma_wait3A_181, %dma_wait3A_182] : memref<10000x128xf32, #tpu.memory_space<vmem_shared>> -> memref<16x128xf32, #tpu.memory_space<vmem_shared>>
      %dma_wait3A_184 = arith.constant 9984 : i32
      %dma_wait3A_185 = arith.constant 0 : i32
      %dma_wait3A_186 = tpu.memref_slice %arg7[%dma_wait3A_184, %dma_wait3A_185] : memref<10000x128xf32, #tpu.memory_space<vmem_shared>> -> memref<16x128xf32, #tpu.memory_space<vmem_shared>>
      %dma_wait3A_187 = arith.constant 0 : i32
      %dma_wait3A_188 = arith.constant 0 : i32
      %dma_wait3A_189 = tpu.memref_slice %arg10[%dma_wait3A_187, %dma_wait3A_188] : memref<80x128xf32, #tpu.memory_space<vmem>> -> memref<16x128xf32, #tpu.memory_space<vmem>>
      tpu.wait_dma2 semaphore(%arg12 : memref<!tpu.dma_semaphore, #tpu.memory_space<semaphore_mem>>) src(%dma_wait3A_189 : memref<16x128xf32, #tpu.memory_space<vmem>>) dst(%dma_wait3A_186 : memref<16x128xf32, #tpu.memory_space<vmem_shared>>)
    } else {
    }
    %dma_wait3A = arith.constant 0 : i32
    %dma_wait3A_88 = tpu.memref_slice %arg7[%add3A_19, %dma_wait3A] : memref<10000x128xf32, #tpu.memory_space<vmem_shared>> -> memref<80x128xf32, #tpu.memory_space<vmem_shared>>
    %dma_wait3A_89 = arith.constant 0 : i32
    %dma_wait3A_90 = tpu.memref_slice %arg7[%add3A_19, %dma_wait3A_89] : memref<10000x128xf32, #tpu.memory_space<vmem_shared>> -> memref<80x128xf32, #tpu.memory_space<vmem_shared>>
    tpu.wait_dma2 semaphore(%arg12 : memref<!tpu.dma_semaphore, #tpu.memory_space<semaphore_mem>>) src(%arg10 : memref<80x128xf32, #tpu.memory_space<vmem>>) dst(%dma_wait3A_90 : memref<80x128xf32, #tpu.memory_space<vmem_shared>>)
    %dma_wait3A_91 = arith.constant 0 : i32
    %dma_wait3A_92 = tpu.memref_slice %arg7[%add3A_27, %dma_wait3A_91] : memref<10000x128xf32, #tpu.memory_space<vmem_shared>> -> memref<80x128xf32, #tpu.memory_space<vmem_shared>>
    %dma_wait3A_93 = arith.constant 0 : i32
    %dma_wait3A_94 = tpu.memref_slice %arg7[%add3A_27, %dma_wait3A_93] : memref<10000x128xf32, #tpu.memory_space<vmem_shared>> -> memref<80x128xf32, #tpu.memory_space<vmem_shared>>
    tpu.wait_dma2 semaphore(%arg12 : memref<!tpu.dma_semaphore, #tpu.memory_space<semaphore_mem>>) src(%arg10 : memref<80x128xf32, #tpu.memory_space<vmem>>) dst(%dma_wait3A_94 : memref<80x128xf32, #tpu.memory_space<vmem_shared>>)
    %dma_wait3A_95 = arith.constant 0 : i32
    %dma_wait3A_96 = tpu.memref_slice %arg7[%add3A_35, %dma_wait3A_95] : memref<10000x128xf32, #tpu.memory_space<vmem_shared>> -> memref<80x128xf32, #tpu.memory_space<vmem_shared>>
    %dma_wait3A_97 = arith.constant 0 : i32
    %dma_wait3A_98 = tpu.memref_slice %arg7[%add3A_35, %dma_wait3A_97] : memref<10000x128xf32, #tpu.memory_space<vmem_shared>> -> memref<80x128xf32, #tpu.memory_space<vmem_shared>>
    tpu.wait_dma2 semaphore(%arg12 : memref<!tpu.dma_semaphore, #tpu.memory_space<semaphore_mem>>) src(%arg10 : memref<80x128xf32, #tpu.memory_space<vmem>>) dst(%dma_wait3A_98 : memref<80x128xf32, #tpu.memory_space<vmem_shared>>)
    %dma_wait3A_99 = arith.constant 0 : i32
    %dma_wait3A_100 = tpu.memref_slice %arg7[%add3A_43, %dma_wait3A_99] : memref<10000x128xf32, #tpu.memory_space<vmem_shared>> -> memref<80x128xf32, #tpu.memory_space<vmem_shared>>
    %dma_wait3A_101 = arith.constant 0 : i32
    %dma_wait3A_102 = tpu.memref_slice %arg7[%add3A_43, %dma_wait3A_101] : memref<10000x128xf32, #tpu.memory_space<vmem_shared>> -> memref<80x128xf32, #tpu.memory_space<vmem_shared>>
    tpu.wait_dma2 semaphore(%arg12 : memref<!tpu.dma_semaphore, #tpu.memory_space<semaphore_mem>>) src(%arg10 : memref<80x128xf32, #tpu.memory_space<vmem>>) dst(%dma_wait3A_102 : memref<80x128xf32, #tpu.memory_space<vmem_shared>>)
    %dma_wait3A_103 = arith.constant 0 : i32
    %dma_wait3A_104 = tpu.memref_slice %arg7[%add3A_51, %dma_wait3A_103] : memref<10000x128xf32, #tpu.memory_space<vmem_shared>> -> memref<80x128xf32, #tpu.memory_space<vmem_shared>>
    %dma_wait3A_105 = arith.constant 0 : i32
    %dma_wait3A_106 = tpu.memref_slice %arg7[%add3A_51, %dma_wait3A_105] : memref<10000x128xf32, #tpu.memory_space<vmem_shared>> -> memref<80x128xf32, #tpu.memory_space<vmem_shared>>
    tpu.wait_dma2 semaphore(%arg12 : memref<!tpu.dma_semaphore, #tpu.memory_space<semaphore_mem>>) src(%arg10 : memref<80x128xf32, #tpu.memory_space<vmem>>) dst(%dma_wait3A_106 : memref<80x128xf32, #tpu.memory_space<vmem_shared>>)
    %dma_wait3A_107 = arith.constant 0 : i32
    %dma_wait3A_108 = tpu.memref_slice %arg7[%add3A_59, %dma_wait3A_107] : memref<10000x128xf32, #tpu.memory_space<vmem_shared>> -> memref<80x128xf32, #tpu.memory_space<vmem_shared>>
    %dma_wait3A_109 = arith.constant 0 : i32
    %dma_wait3A_110 = tpu.memref_slice %arg7[%add3A_59, %dma_wait3A_109] : memref<10000x128xf32, #tpu.memory_space<vmem_shared>> -> memref<80x128xf32, #tpu.memory_space<vmem_shared>>
    tpu.wait_dma2 semaphore(%arg12 : memref<!tpu.dma_semaphore, #tpu.memory_space<semaphore_mem>>) src(%arg10 : memref<80x128xf32, #tpu.memory_space<vmem>>) dst(%dma_wait3A_110 : memref<80x128xf32, #tpu.memory_space<vmem_shared>>)
    %dma_wait3A_111 = arith.constant 0 : i32
    %dma_wait3A_112 = tpu.memref_slice %arg7[%add3A_67, %dma_wait3A_111] : memref<10000x128xf32, #tpu.memory_space<vmem_shared>> -> memref<80x128xf32, #tpu.memory_space<vmem_shared>>
    %dma_wait3A_113 = arith.constant 0 : i32
    %dma_wait3A_114 = tpu.memref_slice %arg7[%add3A_67, %dma_wait3A_113] : memref<10000x128xf32, #tpu.memory_space<vmem_shared>> -> memref<80x128xf32, #tpu.memory_space<vmem_shared>>
    tpu.wait_dma2 semaphore(%arg12 : memref<!tpu.dma_semaphore, #tpu.memory_space<semaphore_mem>>) src(%arg10 : memref<80x128xf32, #tpu.memory_space<vmem>>) dst(%dma_wait3A_114 : memref<80x128xf32, #tpu.memory_space<vmem_shared>>)
    %dma_wait3A_115 = arith.constant 0 : i32
    %dma_wait3A_116 = arith.constant 0 : i32
    %dma_wait3A_117 = tpu.memref_slice %arg10[%dma_wait3A_115, %dma_wait3A_116] : memref<80x128xf32, #tpu.memory_space<vmem>> -> memref<64x128xf32, #tpu.memory_space<vmem>>
    %dma_wait3A_118 = arith.constant 0 : i32
    %dma_wait3A_119 = tpu.memref_slice %arg7[%add3A_75, %dma_wait3A_118] : memref<10000x128xf32, #tpu.memory_space<vmem_shared>> -> memref<64x128xf32, #tpu.memory_space<vmem_shared>>
    %dma_wait3A_120 = arith.constant 0 : i32
    %dma_wait3A_121 = tpu.memref_slice %arg7[%add3A_75, %dma_wait3A_120] : memref<10000x128xf32, #tpu.memory_space<vmem_shared>> -> memref<64x128xf32, #tpu.memory_space<vmem_shared>>
    %dma_wait3A_122 = arith.constant 0 : i32
    %dma_wait3A_123 = arith.constant 0 : i32
    %dma_wait3A_124 = tpu.memref_slice %arg10[%dma_wait3A_122, %dma_wait3A_123] : memref<80x128xf32, #tpu.memory_space<vmem>> -> memref<64x128xf32, #tpu.memory_space<vmem>>
    tpu.wait_dma2 semaphore(%arg12 : memref<!tpu.dma_semaphore, #tpu.memory_space<semaphore_mem>>) src(%dma_wait3A_124 : memref<64x128xf32, #tpu.memory_space<vmem>>) dst(%dma_wait3A_121 : memref<64x128xf32, #tpu.memory_space<vmem_shared>>)
    %dma_wait3A_125 = arith.constant 0 : i32
    %dma_wait3A_126 = arith.constant 0 : i32
    %dma_wait3A_127 = tpu.memref_slice %arg3[%dma_wait3A_125, %add3A, %dma_wait3A_126] : memref<2x32x10000xi32, #tpu.memory_space<hbm>> -> memref<1x1x10000xi32, #tpu.memory_space<hbm>>
    %dma_wait3A_128 = tpu.memref_squeeze %dma_wait3A_127 : memref<1x1x10000xi32, #tpu.memory_space<hbm>> -> memref<10000xi32, #tpu.memory_space<hbm>>
    %dma_wait3A_129 = arith.constant 0 : i32
    %dma_wait3A_130 = tpu.memref_slice %arg3[%dma_wait3A_125, %add3A, %dma_wait3A_129] : memref<2x32x10000xi32, #tpu.memory_space<hbm>> -> memref<1x1x10000xi32, #tpu.memory_space<hbm>>
    %dma_wait3A_131 = tpu.memref_squeeze %dma_wait3A_130 : memref<1x1x10000xi32, #tpu.memory_space<hbm>> -> memref<10000xi32, #tpu.memory_space<hbm>>
    tpu.wait_dma2 semaphore(%arg13 : memref<!tpu.dma_semaphore, #tpu.memory_space<semaphore_mem>>) src(%dma_wait3A_131 : memref<10000xi32, #tpu.memory_space<hbm>>) dst(%arg8 : memref<10000xi32, #tpu.memory_space<vmem>>)
    %dma_wait3A_132 = arith.constant 1 : i32
    %dma_wait3A_133 = arith.constant 0 : i32
    %dma_wait3A_134 = arith.constant 0 : i32
    %dma_wait3A_135 = tpu.memref_slice %arg4[%dma_wait3A_132, %add3A, %dma_wait3A_133, %dma_wait3A_134] : memref<2x32x125x80xi32, #tpu.memory_space<hbm>> -> memref<1x1x125x80xi32, #tpu.memory_space<hbm>>
    %dma_wait3A_136 = tpu.memref_squeeze %dma_wait3A_135 : memref<1x1x125x80xi32, #tpu.memory_space<hbm>> -> memref<125x80xi32, #tpu.memory_space<hbm>>
    %dma_wait3A_137 = arith.constant 0 : i32
    %dma_wait3A_138 = arith.constant 0 : i32
    %dma_wait3A_139 = tpu.memref_slice %arg4[%dma_wait3A_132, %add3A, %dma_wait3A_137, %dma_wait3A_138] : memref<2x32x125x80xi32, #tpu.memory_space<hbm>> -> memref<1x1x125x80xi32, #tpu.memory_space<hbm>>
    %dma_wait3A_140 = tpu.memref_squeeze %dma_wait3A_139 : memref<1x1x125x80xi32, #tpu.memory_space<hbm>> -> memref<125x80xi32, #tpu.memory_space<hbm>>
    tpu.wait_dma2 semaphore(%arg13 : memref<!tpu.dma_semaphore, #tpu.memory_space<semaphore_mem>>) src(%dma_wait3A_140 : memref<125x80xi32, #tpu.memory_space<hbm>>) dst(%arg9 : memref<125x80xi32, #tpu.memory_space<vmem>>)
    %barrier3A = arith.constant 0 : index
    tpu.barrier barrier_id(%barrier3A)
    %dma_start3A_141 = arith.constant 0 : i32
    %dma_start3A_142 = tpu.memref_slice %arg8[%dma_start3A_141] : memref<10000xi32, #tpu.memory_space<vmem>> -> memref<80xi32, #tpu.memory_space<vmem>>
    %dma_start3A_143 = arith.constant 0 : i32
    %dma_start3A_144 = arith.constant 0 : i32
    %dma_start3A_145 = tpu.memref_slice %arg2[%dma_start3A_143, %dma_start3A_144] : memref<10000x128xf32, #tpu.memory_space<hbm>> -> memref<10000x128xf32, #tpu.memory_space<hbm>>
    tpu.enqueue_indirect_dma source(%dma_start3A_145 : memref<10000x128xf32, #tpu.memory_space<hbm>>) target(%arg10 : memref<80x128xf32, #tpu.memory_space<vmem>>) offsets(%dma_start3A_142 : memref<80xi32, #tpu.memory_space<vmem>>) semaphore(%arg12 : memref<!tpu.dma_semaphore, #tpu.memory_space<semaphore_mem>>)
    %scan3A = arith.constant 0 : i32
    %scan3A_146 = arith.constant 62 : i32
    %scan3A_147 = arith.addi %scan3A, %scan3A_146 : i32
    %scan3A_148 = arith.constant 1 : i32
    scf.for %scan3A_166 = %scan3A to %scan3A_147 step %scan3A_148  : i32 {
      %mul3A_167 = arith.constant 2 : i32
      %mul3A_168 = arith.muli %mul3A_167, %scan3A_166 : i32
      %add3A_169 = arith.constant 1 : i32
      %add3A_170 = arith.addi %mul3A_168, %add3A_169 : i32
      %mul3A_171 = arith.constant 80 : i32
      %mul3A_172 = arith.muli %add3A_170, %mul3A_171 : i32
      %multiple_of3A = tpu.assume_multiple %mul3A_172, 8 : i32
      %dma_start3A_173 = tpu.memref_slice %arg8[%multiple_of3A] : memref<10000xi32, #tpu.memory_space<vmem>> -> memref<80xi32, #tpu.memory_space<vmem>>
      %dma_start3A_174 = arith.constant 0 : i32
      %dma_start3A_175 = arith.constant 0 : i32
      %dma_start3A_176 = tpu.memref_slice %arg2[%dma_start3A_174, %dma_start3A_175] : memref<10000x128xf32, #tpu.memory_space<hbm>> -> memref<10000x128xf32, #tpu.memory_space<hbm>>
      tpu.enqueue_indirect_dma source(%dma_start3A_176 : memref<10000x128xf32, #tpu.memory_space<hbm>>) target(%arg11 : memref<80x128xf32, #tpu.memory_space<vmem>>) offsets(%dma_start3A_173 : memref<80xi32, #tpu.memory_space<vmem>>) semaphore(%arg13 : memref<!tpu.dma_semaphore, #tpu.memory_space<semaphore_mem>>)
      %dma_wait3A_177 = arith.constant 0 : i32
      %dma_wait3A_178 = arith.constant 0 : i32
      %dma_wait3A_179 = tpu.memref_slice %arg2[%dma_wait3A_177, %dma_wait3A_178] : memref<10000x128xf32, #tpu.memory_space<hbm>> -> memref<80x128xf32, #tpu.memory_space<hbm>>
      %dma_wait3A_180 = arith.constant 0 : i32
      %dma_wait3A_181 = arith.constant 0 : i32
      %dma_wait3A_182 = tpu.memref_slice %arg2[%dma_wait3A_180, %dma_wait3A_181] : memref<10000x128xf32, #tpu.memory_space<hbm>> -> memref<80x128xf32, #tpu.memory_space<hbm>>
      tpu.wait_dma2 semaphore(%arg12 : memref<!tpu.dma_semaphore, #tpu.memory_space<semaphore_mem>>) src(%dma_wait3A_182 : memref<80x128xf32, #tpu.memory_space<hbm>>) dst(%arg10 : memref<80x128xf32, #tpu.memory_space<vmem>>)
      "tpu.region"() ({
        %run_scoped3A_200 = tpu.sem_alloc : memref<!tpu.dma_semaphore, #tpu.memory_space<semaphore_mem>>
        %dma_start3A_201 = arith.constant 0 : i32
        %dma_start3A_202 = tpu.memref_slice %arg9[%mul3A_168, %dma_start3A_201] : memref<125x80xi32, #tpu.memory_space<vmem>> -> memref<1x80xi32, #tpu.memory_space<vmem>>
        %dma_start3A_203 = tpu.memref_squeeze %dma_start3A_202 : memref<1x80xi32, #tpu.memory_space<vmem>> -> memref<80xi32, #tpu.memory_space<vmem>>
        %dma_start3A_204 = arith.constant 0 : i32
        %dma_start3A_205 = arith.constant 0 : i32
        %dma_start3A_206 = tpu.memref_slice %arg7[%dma_start3A_204, %dma_start3A_205] : memref<10000x128xf32, #tpu.memory_space<vmem_shared>> -> memref<10000x128xf32, #tpu.memory_space<vmem_shared>>
        tpu.enqueue_indirect_dma source(%arg10 : memref<80x128xf32, #tpu.memory_space<vmem>>) target(%dma_start3A_206 : memref<10000x128xf32, #tpu.memory_space<vmem_shared>>) offsets(%dma_start3A_203 : memref<80xi32, #tpu.memory_space<vmem>>) semaphore(%run_scoped3A_200 : memref<!tpu.dma_semaphore, #tpu.memory_space<semaphore_mem>>) {add = true}
        %dma_wait3A_207 = arith.constant 0 : i32
        %dma_wait3A_208 = tpu.memref_slice %arg9[%mul3A_168, %dma_wait3A_207] : memref<125x80xi32, #tpu.memory_space<vmem>> -> memref<1x80xi32, #tpu.memory_space<vmem>>
        %dma_wait3A_209 = tpu.memref_squeeze %dma_wait3A_208 : memref<1x80xi32, #tpu.memory_space<vmem>> -> memref<80xi32, #tpu.memory_space<vmem>>
        %dma_wait3A_210 = arith.constant 0 : i32
        %dma_wait3A_211 = arith.constant 0 : i32
        %dma_wait3A_212 = tpu.memref_slice %arg7[%dma_wait3A_210, %dma_wait3A_211] : memref<10000x128xf32, #tpu.memory_space<vmem_shared>> -> memref<10000x128xf32, #tpu.memory_space<vmem_shared>>
        tpu.wait_indirect_dma semaphore(%run_scoped3A_200 : memref<!tpu.dma_semaphore, #tpu.memory_space<semaphore_mem>>) src(%arg10 : memref<80x128xf32, #tpu.memory_space<vmem>>) dst(%dma_wait3A_212 : memref<10000x128xf32, #tpu.memory_space<vmem_shared>>)
        tpu.yield
      }) : () -> ()
      %add3A_183 = arith.constant 2 : i32
      %add3A_184 = arith.addi %mul3A_168, %add3A_183 : i32
      %mul3A_185 = arith.constant 80 : i32
      %mul3A_186 = arith.muli %add3A_184, %mul3A_185 : i32
      %multiple_of3A_187 = tpu.assume_multiple %mul3A_186, 8 : i32
      %dma_start3A_188 = tpu.memref_slice %arg8[%multiple_of3A_187] : memref<10000xi32, #tpu.memory_space<vmem>> -> memref<80xi32, #tpu.memory_space<vmem>>
      %dma_start3A_189 = arith.constant 0 : i32
      %dma_start3A_190 = arith.constant 0 : i32
      %dma_start3A_191 = tpu.memref_slice %arg2[%dma_start3A_189, %dma_start3A_190] : memref<10000x128xf32, #tpu.memory_space<hbm>> -> memref<10000x128xf32, #tpu.memory_space<hbm>>
      tpu.enqueue_indirect_dma source(%dma_start3A_191 : memref<10000x128xf32, #tpu.memory_space<hbm>>) target(%arg10 : memref<80x128xf32, #tpu.memory_space<vmem>>) offsets(%dma_start3A_188 : memref<80xi32, #tpu.memory_space<vmem>>) semaphore(%arg12 : memref<!tpu.dma_semaphore, #tpu.memory_space<semaphore_mem>>)
      %dma_wait3A_192 = arith.constant 0 : i32
      %dma_wait3A_193 = arith.constant 0 : i32
      %dma_wait3A_194 = tpu.memref_slice %arg2[%dma_wait3A_192, %dma_wait3A_193] : memref<10000x128xf32, #tpu.memory_space<hbm>> -> memref<80x128xf32, #tpu.memory_space<hbm>>
      %dma_wait3A_195 = arith.constant 0 : i32
      %dma_wait3A_196 = arith.constant 0 : i32
      %dma_wait3A_197 = tpu.memref_slice %arg2[%dma_wait3A_195, %dma_wait3A_196] : memref<10000x128xf32, #tpu.memory_space<hbm>> -> memref<80x128xf32, #tpu.memory_space<hbm>>
      tpu.wait_dma2 semaphore(%arg13 : memref<!tpu.dma_semaphore, #tpu.memory_space<semaphore_mem>>) src(%dma_wait3A_197 : memref<80x128xf32, #tpu.memory_space<hbm>>) dst(%arg11 : memref<80x128xf32, #tpu.memory_space<vmem>>)
      %add3A_198 = arith.constant 1 : i32
      %add3A_199 = arith.addi %mul3A_168, %add3A_198 : i32
      "tpu.region"() ({
        %run_scoped3A_200 = tpu.sem_alloc : memref<!tpu.dma_semaphore, #tpu.memory_space<semaphore_mem>>
        %dma_start3A_201 = arith.constant 0 : i32
        %dma_start3A_202 = tpu.memref_slice %arg9[%add3A_199, %dma_start3A_201] : memref<125x80xi32, #tpu.memory_space<vmem>> -> memref<1x80xi32, #tpu.memory_space<vmem>>
        %dma_start3A_203 = tpu.memref_squeeze %dma_start3A_202 : memref<1x80xi32, #tpu.memory_space<vmem>> -> memref<80xi32, #tpu.memory_space<vmem>>
        %dma_start3A_204 = arith.constant 0 : i32
        %dma_start3A_205 = arith.constant 0 : i32
        %dma_start3A_206 = tpu.memref_slice %arg7[%dma_start3A_204, %dma_start3A_205] : memref<10000x128xf32, #tpu.memory_space<vmem_shared>> -> memref<10000x128xf32, #tpu.memory_space<vmem_shared>>
        tpu.enqueue_indirect_dma source(%arg11 : memref<80x128xf32, #tpu.memory_space<vmem>>) target(%dma_start3A_206 : memref<10000x128xf32, #tpu.memory_space<vmem_shared>>) offsets(%dma_start3A_203 : memref<80xi32, #tpu.memory_space<vmem>>) semaphore(%run_scoped3A_200 : memref<!tpu.dma_semaphore, #tpu.memory_space<semaphore_mem>>) {add = true}
        %dma_wait3A_207 = arith.constant 0 : i32
        %dma_wait3A_208 = tpu.memref_slice %arg9[%add3A_199, %dma_wait3A_207] : memref<125x80xi32, #tpu.memory_space<vmem>> -> memref<1x80xi32, #tpu.memory_space<vmem>>
        %dma_wait3A_209 = tpu.memref_squeeze %dma_wait3A_208 : memref<1x80xi32, #tpu.memory_space<vmem>> -> memref<80xi32, #tpu.memory_space<vmem>>
        %dma_wait3A_210 = arith.constant 0 : i32
        %dma_wait3A_211 = arith.constant 0 : i32
        %dma_wait3A_212 = tpu.memref_slice %arg7[%dma_wait3A_210, %dma_wait3A_211] : memref<10000x128xf32, #tpu.memory_space<vmem_shared>> -> memref<10000x128xf32, #tpu.memory_space<vmem_shared>>
        tpu.wait_indirect_dma semaphore(%run_scoped3A_200 : memref<!tpu.dma_semaphore, #tpu.memory_space<semaphore_mem>>) src(%arg11 : memref<80x128xf32, #tpu.memory_space<vmem>>) dst(%dma_wait3A_212 : memref<10000x128xf32, #tpu.memory_space<vmem_shared>>)
        tpu.yield
      }) : () -> ()
    }
    %scan3A_149 = arith.constant 62 : i32
    %dma_wait3A_150 = arith.constant 0 : i32
    %dma_wait3A_151 = arith.constant 0 : i32
    %dma_wait3A_152 = tpu.memref_slice %arg2[%dma_wait3A_150, %dma_wait3A_151] : memref<10000x128xf32, #tpu.memory_space<hbm>> -> memref<80x128xf32, #tpu.memory_space<hbm>>
    %dma_wait3A_153 = arith.constant 0 : i32
    %dma_wait3A_154 = arith.constant 0 : i32
    %dma_wait3A_155 = tpu.memref_slice %arg2[%dma_wait3A_153, %dma_wait3A_154] : memref<10000x128xf32, #tpu.memory_space<hbm>> -> memref<80x128xf32, #tpu.memory_space<hbm>>
    tpu.wait_dma2 semaphore(%arg12 : memref<!tpu.dma_semaphore, #tpu.memory_space<semaphore_mem>>) src(%dma_wait3A_155 : memref<80x128xf32, #tpu.memory_space<hbm>>) dst(%arg10 : memref<80x128xf32, #tpu.memory_space<vmem>>)
    %run_scoped3A = arith.constant 124 : i32
    "tpu.region"() ({
      %run_scoped3A_166 = tpu.sem_alloc : memref<!tpu.dma_semaphore, #tpu.memory_space<semaphore_mem>>
      %dma_start3A_167 = arith.constant 0 : i32
      %dma_start3A_168 = tpu.memref_slice %arg9[%run_scoped3A, %dma_start3A_167] : memref<125x80xi32, #tpu.memory_space<vmem>> -> memref<1x80xi32, #tpu.memory_space<vmem>>
      %dma_start3A_169 = tpu.memref_squeeze %dma_start3A_168 : memref<1x80xi32, #tpu.memory_space<vmem>> -> memref<80xi32, #tpu.memory_space<vmem>>
      %dma_start3A_170 = arith.constant 0 : i32
      %dma_start3A_171 = arith.constant 0 : i32
      %dma_start3A_172 = tpu.memref_slice %arg7[%dma_start3A_170, %dma_start3A_171] : memref<10000x128xf32, #tpu.memory_space<vmem_shared>> -> memref<10000x128xf32, #tpu.memory_space<vmem_shared>>
      tpu.enqueue_indirect_dma source(%arg10 : memref<80x128xf32, #tpu.memory_space<vmem>>) target(%dma_start3A_172 : memref<10000x128xf32, #tpu.memory_space<vmem_shared>>) offsets(%dma_start3A_169 : memref<80xi32, #tpu.memory_space<vmem>>) semaphore(%run_scoped3A_166 : memref<!tpu.dma_semaphore, #tpu.memory_space<semaphore_mem>>) {add = true}
      %dma_wait3A_173 = arith.constant 0 : i32
      %dma_wait3A_174 = tpu.memref_slice %arg9[%run_scoped3A, %dma_wait3A_173] : memref<125x80xi32, #tpu.memory_space<vmem>> -> memref<1x80xi32, #tpu.memory_space<vmem>>
      %dma_wait3A_175 = tpu.memref_squeeze %dma_wait3A_174 : memref<1x80xi32, #tpu.memory_space<vmem>> -> memref<80xi32, #tpu.memory_space<vmem>>
      %dma_wait3A_176 = arith.constant 0 : i32
      %dma_wait3A_177 = arith.constant 0 : i32
      %dma_wait3A_178 = tpu.memref_slice %arg7[%dma_wait3A_176, %dma_wait3A_177] : memref<10000x128xf32, #tpu.memory_space<vmem_shared>> -> memref<10000x128xf32, #tpu.memory_space<vmem_shared>>
      tpu.wait_indirect_dma semaphore(%run_scoped3A_166 : memref<!tpu.dma_semaphore, #tpu.memory_space<semaphore_mem>>) src(%arg10 : memref<80x128xf32, #tpu.memory_space<vmem>>) dst(%dma_wait3A_178 : memref<10000x128xf32, #tpu.memory_space<vmem_shared>>)
      tpu.yield
    }) : () -> ()
    %barrier3A_156 = arith.constant 0 : index
    tpu.barrier barrier_id(%barrier3A_156)
    %mul3A_157 = arith.constant 624 : i32
    %mul3A_158 = arith.muli %arg1, %mul3A_157 : i32
    %mul3A_159 = arith.constant 624 : i32
    %mul3A_160 = arith.muli %arg1, %mul3A_159 : i32
    "tpu.region"() ({
      %run_scoped3A_166 = tpu.sem_alloc : memref<!tpu.dma_semaphore, #tpu.memory_space<semaphore_mem>>
      %dma_start3A_167 = arith.constant 0 : i32
      %dma_start3A_168 = tpu.memref_slice %arg6[%arg0, %mul3A_160, %dma_start3A_167] : memref<2x10000x128xf32, #tpu.memory_space<hbm>> -> memref<1x624x128xf32, #tpu.memory_space<hbm>>
      %dma_start3A_169 = tpu.memref_squeeze %dma_start3A_168 : memref<1x624x128xf32, #tpu.memory_space<hbm>> -> memref<624x128xf32, #tpu.memory_space<hbm>>
      %dma_start3A_170 = arith.constant 0 : i32
      %dma_start3A_171 = tpu.memref_slice %arg7[%mul3A_158, %dma_start3A_170] : memref<10000x128xf32, #tpu.memory_space<vmem_shared>> -> memref<624x128xf32, #tpu.memory_space<vmem_shared>>
      tpu.enqueue_dma source(%dma_start3A_171 : memref<624x128xf32, #tpu.memory_space<vmem_shared>>) target(%dma_start3A_169 : memref<624x128xf32, #tpu.memory_space<hbm>>) target_semaphore(%run_scoped3A_166 : memref<!tpu.dma_semaphore, #tpu.memory_space<semaphore_mem>>)
      %dma_wait3A_172 = arith.constant 0 : i32
      %dma_wait3A_173 = tpu.memref_slice %arg6[%arg0, %mul3A_160, %dma_wait3A_172] : memref<2x10000x128xf32, #tpu.memory_space<hbm>> -> memref<1x624x128xf32, #tpu.memory_space<hbm>>
      %dma_wait3A_174 = tpu.memref_squeeze %dma_wait3A_173 : memref<1x624x128xf32, #tpu.memory_space<hbm>> -> memref<624x128xf32, #tpu.memory_space<hbm>>
      %dma_wait3A_175 = arith.constant 0 : i32
      %dma_wait3A_176 = tpu.memref_slice %arg7[%mul3A_158, %dma_wait3A_175] : memref<10000x128xf32, #tpu.memory_space<vmem_shared>> -> memref<624x128xf32, #tpu.memory_space<vmem_shared>>
      tpu.wait_dma2 semaphore(%run_scoped3A_166 : memref<!tpu.dma_semaphore, #tpu.memory_space<semaphore_mem>>) src(%dma_wait3A_176 : memref<624x128xf32, #tpu.memory_space<vmem_shared>>) dst(%dma_wait3A_174 : memref<624x128xf32, #tpu.memory_space<hbm>>)
      tpu.yield
    }) : () -> ()
    %eq3A_161 = arith.constant 0 : i32
    %eq3A_162 = arith.cmpi eq, %arg1, %eq3A_161 : i32
    %convert_element_type3A_163 = arith.extui %eq3A_162 : i1 to i32
    %cond3A_164 = arith.constant 0 : i32
    %cond3A_165 = arith.cmpi ne, %convert_element_type3A_163, %cond3A_164 : i32
    scf.if %cond3A_165 {
      "tpu.region"() ({
        %run_scoped3A_166 = tpu.sem_alloc : memref<!tpu.dma_semaphore, #tpu.memory_space<semaphore_mem>>
        %dma_start3A_167 = arith.constant 9984 : i32
        %dma_start3A_168 = arith.constant 0 : i32
        %dma_start3A_169 = tpu.memref_slice %arg6[%arg0, %dma_start3A_167, %dma_start3A_168] : memref<2x10000x128xf32, #tpu.memory_space<hbm>> -> memref<1x16x128xf32, #tpu.memory_space<hbm>>
        %dma_start3A_170 = tpu.memref_squeeze %dma_start3A_169 : memref<1x16x128xf32, #tpu.memory_space<hbm>> -> memref<16x128xf32, #tpu.memory_space<hbm>>
        %dma_start3A_171 = arith.constant 9984 : i32
        %dma_start3A_172 = arith.constant 0 : i32
        %dma_start3A_173 = tpu.memref_slice %arg7[%dma_start3A_171, %dma_start3A_172] : memref<10000x128xf32, #tpu.memory_space<vmem_shared>> -> memref<16x128xf32, #tpu.memory_space<vmem_shared>>
        tpu.enqueue_dma source(%dma_start3A_173 : memref<16x128xf32, #tpu.memory_space<vmem_shared>>) target(%dma_start3A_170 : memref<16x128xf32, #tpu.memory_space<hbm>>) target_semaphore(%run_scoped3A_166 : memref<!tpu.dma_semaphore, #tpu.memory_space<semaphore_mem>>)
        %dma_wait3A_174 = arith.constant 9984 : i32
        %dma_wait3A_175 = arith.constant 0 : i32
        %dma_wait3A_176 = tpu.memref_slice %arg6[%arg0, %dma_wait3A_174, %dma_wait3A_175] : memref<2x10000x128xf32, #tpu.memory_space<hbm>> -> memref<1x16x128xf32, #tpu.memory_space<hbm>>
        %dma_wait3A_177 = tpu.memref_squeeze %dma_wait3A_176 : memref<1x16x128xf32, #tpu.memory_space<hbm>> -> memref<16x128xf32, #tpu.memory_space<hbm>>
        %dma_wait3A_178 = arith.constant 9984 : i32
        %dma_wait3A_179 = arith.constant 0 : i32
        %dma_wait3A_180 = tpu.memref_slice %arg7[%dma_wait3A_178, %dma_wait3A_179] : memref<10000x128xf32, #tpu.memory_space<vmem_shared>> -> memref<16x128xf32, #tpu.memory_space<vmem_shared>>
        tpu.wait_dma2 semaphore(%run_scoped3A_166 : memref<!tpu.dma_semaphore, #tpu.memory_space<semaphore_mem>>) src(%dma_wait3A_180 : memref<16x128xf32, #tpu.memory_space<vmem_shared>>) dst(%dma_wait3A_177 : memref<16x128xf32, #tpu.memory_space<hbm>>)
        tpu.yield
      }) : () -> ()
    } else {
    }
    return
  }
}

module attributes {stable_mosaic.version = 14 : i64} {
  func.func @_mm0a_body(%arg0: i32, %arg1: memref<5000x128xf32, #tpu.memory_space<vmem>>, %arg2: memref<128x128xf32, #tpu.memory_space<vmem>>, %arg3: memref<5000x128xf32, #tpu.memory_space<vmem>>) attributes {dimension_semantics = [#tpu.dimension_semantics<arbitrary>], iteration_bounds = array<i64: 2>, scalar_prefetch = 0 : i64, scratch_operands = 0 : i64, tpu.core_type = #tpu.core_type<tc>, window_params = [{transform_indices = @transform_0, window_bounds = array<i64: 5000, 128>}, {pipeline_mode = #tpu.pipeline_mode<synchronous>, transform_indices = @transform_1, window_bounds = array<i64: 128, 128>}, {transform_indices = @transform_2, window_bounds = array<i64: 5000, 128>}]} {
    %get3A = arith.constant 0 : index
    %get3A_0 = arith.constant 0 : index
    %get3A_1 = vector.load %arg1[%get3A, %get3A_0] : memref<5000x128xf32, #tpu.memory_space<vmem>>, vector<5000x128xf32>
    %get3A_2 = arith.constant 0 : index
    %get3A_3 = arith.constant 0 : index
    %get3A_4 = vector.load %arg2[%get3A_2, %get3A_3] : memref<128x128xf32, #tpu.memory_space<vmem>>, vector<128x128xf32>
    %dot_general3A = arith.constant dense<0.000000e+00> : vector<5000x128xf32>
    %dot_general3A_5 = tpu.matmul %get3A_1, %get3A_4, %dot_general3A {dimension_numbers = #tpu.dot_dimension_numbers<[1], [0], [0], [1], [0, 0, 1, 1], [], []>, transpose_lhs_hint = false} : vector<5000x128xf32>, vector<128x128xf32>, vector<5000x128xf32> -> vector<5000x128xf32>
    %swap3A = arith.constant 0 : index
    %swap3A_6 = arith.constant 0 : index
    %swap3A_7 = vector.load %arg3[%swap3A, %swap3A_6] : memref<5000x128xf32, #tpu.memory_space<vmem>>, vector<5000x128xf32>
    tpu.vector_store %arg3[%swap3A, %swap3A_6], %dot_general3A_5 {strides = array<i32>} : memref<5000x128xf32, #tpu.memory_space<vmem>>, vector<5000x128xf32>,
    return
  }
  func.func @transform_0(%arg0: i32) -> (i32, i32) {
    %c0_i32 = arith.constant 0 : i32
    %c0_i32_0 = arith.constant 0 : i32
    return %arg0, %c0_i32 : i32, i32
  }
  func.func @transform_1(%arg0: i32) -> (i32, i32) {
    %c0_i32 = arith.constant 0 : i32
    %c0_i32_0 = arith.constant 0 : i32
    %c0_i32_1 = arith.constant 0 : i32
    return %c0_i32, %c0_i32_0 : i32, i32
  }
  func.func @transform_2(%arg0: i32) -> (i32, i32) {
    %c0_i32 = arith.constant 0 : i32
    %c0_i32_0 = arith.constant 0 : i32
    return %arg0, %c0_i32 : i32, i32
  }
}

module attributes {stable_mosaic.version = 14 : i64} {
  func.func @_mm0b_body(%arg0: i32, %arg1: memref<5000x128xf32, #tpu.memory_space<vmem>>, %arg2: memref<5000x4xf32, #tpu.memory_space<vmem>>, %arg3: memref<5000x128xf32, #tpu.memory_space<vmem>>, %arg4: memref<5000x2xf32, #tpu.memory_space<vmem>>) attributes {dimension_semantics = [#tpu.dimension_semantics<arbitrary>], iteration_bounds = array<i64: 2>, scalar_prefetch = 0 : i64, scratch_operands = 0 : i64, tpu.core_type = #tpu.core_type<tc>, window_params = [{transform_indices = @transform_0, window_bounds = array<i64: 5000, 128>}, {transform_indices = @transform_1, window_bounds = array<i64: 5000, 4>}, {transform_indices = @transform_2, window_bounds = array<i64: 5000, 128>}, {transform_indices = @transform_3, window_bounds = array<i64: 5000, 2>}]} {
    %get3A = arith.constant 0 : index
    %get3A_0 = arith.constant 0 : index
    %get3A_1 = vector.load %arg2[%get3A, %get3A_0] : memref<5000x4xf32, #tpu.memory_space<vmem>>, vector<5000x4xf32>
    %slice3A = vector.extract_strided_slice %get3A_1 {offsets = [0, 0], sizes = [5000, 1], strides = [1, 1]} : vector<5000x4xf32> to vector<5000x1xf32>
    %slice3A_2 = vector.extract_strided_slice %get3A_1 {offsets = [0, 2], sizes = [5000, 1], strides = [1, 1]} : vector<5000x4xf32> to vector<5000x1xf32>
    %add3A = arith.addf %slice3A, %slice3A_2 : vector<5000x1xf32>
    %slice3A_3 = vector.extract_strided_slice %get3A_1 {offsets = [0, 1], sizes = [5000, 1], strides = [1, 1]} : vector<5000x4xf32> to vector<5000x1xf32>
    %slice3A_4 = vector.extract_strided_slice %get3A_1 {offsets = [0, 3], sizes = [5000, 1], strides = [1, 1]} : vector<5000x4xf32> to vector<5000x1xf32>
    %add3A_5 = arith.addf %slice3A_3, %slice3A_4 : vector<5000x1xf32>
    %gt3A = arith.constant 0.000000e+00 : f32
    %gt3A_6 = vector.broadcast %gt3A : f32 to vector<5000x1xf32>
    %gt3A_7 = arith.cmpf ogt, %add3A, %gt3A_6 : vector<5000x1xf32>
    %max3A = arith.constant 1.000000e+00 : f32
    %max3A_8 = vector.broadcast %max3A : f32 to vector<5000x1xf32>
    %max3A_9 = arith.maximumf %add3A, %max3A_8 : vector<5000x1xf32>
    %rsqrt3A = math.rsqrt %max3A_9 : vector<5000x1xf32>
    %jit3A = arith.constant 0.000000e+00 : f32
    %broadcast_in_dim3A = vector.broadcast %jit3A : f32 to vector<5000x1xf32>
    %select_n3A = arith.select %gt3A_7, %rsqrt3A, %broadcast_in_dim3A : vector<5000x1xi1>, vector<5000x1xf32>
    %gt3A_10 = arith.constant 0.000000e+00 : f32
    %gt3A_11 = vector.broadcast %gt3A_10 : f32 to vector<5000x1xf32>
    %gt3A_12 = arith.cmpf ogt, %add3A_5, %gt3A_11 : vector<5000x1xf32>
    %max3A_13 = arith.constant 1.000000e+00 : f32
    %max3A_14 = vector.broadcast %max3A_13 : f32 to vector<5000x1xf32>
    %max3A_15 = arith.maximumf %add3A_5, %max3A_14 : vector<5000x1xf32>
    %rsqrt3A_16 = math.rsqrt %max3A_15 : vector<5000x1xf32>
    %jit3A_17 = arith.constant 0.000000e+00 : f32
    %broadcast_in_dim3A_18 = vector.broadcast %jit3A_17 : f32 to vector<5000x1xf32>
    %select_n3A_19 = arith.select %gt3A_12, %rsqrt3A_16, %broadcast_in_dim3A_18 : vector<5000x1xi1>, vector<5000x1xf32>
    %get3A_20 = arith.constant 0 : index
    %get3A_21 = arith.constant 0 : index
    %get3A_22 = vector.load %arg1[%get3A_20, %get3A_21] : memref<5000x128xf32, #tpu.memory_space<vmem>>, vector<5000x128xf32>
    %mul3A = vector.broadcast %select_n3A : vector<5000x1xf32> to vector<5000x128xf32>
    %mul3A_23 = arith.mulf %get3A_22, %mul3A : vector<5000x128xf32>
    %swap3A = arith.constant 0 : index
    %swap3A_24 = arith.constant 0 : index
    %swap3A_25 = vector.load %arg3[%swap3A, %swap3A_24] : memref<5000x128xf32, #tpu.memory_space<vmem>>, vector<5000x128xf32>
    tpu.vector_store %arg3[%swap3A, %swap3A_24], %mul3A_23 {strides = array<i32>} : memref<5000x128xf32, #tpu.memory_space<vmem>>, vector<5000x128xf32>,
    %concatenate3A = tpu.concatenate %select_n3A, %select_n3A_19 in 1 : vector<5000x1xf32>, vector<5000x1xf32> -> vector<5000x2xf32>
    %swap3A_26 = arith.constant 0 : index
    %swap3A_27 = arith.constant 0 : index
    %swap3A_28 = vector.load %arg4[%swap3A_26, %swap3A_27] : memref<5000x2xf32, #tpu.memory_space<vmem>>, vector<5000x2xf32>
    tpu.vector_store %arg4[%swap3A_26, %swap3A_27], %concatenate3A {strides = array<i32>} : memref<5000x2xf32, #tpu.memory_space<vmem>>, vector<5000x2xf32>,
    return
  }
  func.func @transform_0(%arg0: i32) -> (i32, i32) {
    %c0_i32 = arith.constant 0 : i32
    %c0_i32_0 = arith.constant 0 : i32
    return %arg0, %c0_i32 : i32, i32
  }
  func.func @transform_1(%arg0: i32) -> (i32, i32) {
    %c0_i32 = arith.constant 0 : i32
    %c0_i32_0 = arith.constant 0 : i32
    return %arg0, %c0_i32 : i32, i32
  }
  func.func @transform_2(%arg0: i32) -> (i32, i32) {
    %c0_i32 = arith.constant 0 : i32
    %c0_i32_0 = arith.constant 0 : i32
    return %arg0, %c0_i32 : i32, i32
  }
  func.func @transform_3(%arg0: i32) -> (i32, i32) {
    %c0_i32 = arith.constant 0 : i32
    %c0_i32_0 = arith.constant 0 : i32
    return %arg0, %c0_i32 : i32, i32
  }
}

module attributes {stable_mosaic.version = 14 : i64} {
  func.func @_mm_mid_body(%arg0: i32, %arg1: memref<2x5000x128xf32, #tpu.memory_space<vmem>>, %arg2: memref<5000x2xf32, #tpu.memory_space<vmem>>, %arg3: memref<128x128xf32, #tpu.memory_space<vmem>>, %arg4: memref<1x128xf32, #tpu.memory_space<vmem>>, %arg5: memref<5000x128xf32, #tpu.memory_space<vmem>>) attributes {dimension_semantics = [#tpu.dimension_semantics<arbitrary>], iteration_bounds = array<i64: 2>, scalar_prefetch = 0 : i64, scratch_operands = 0 : i64, tpu.core_type = #tpu.core_type<tc>, window_params = [{transform_indices = @transform_0, window_bounds = array<i64: 2, 5000, 128>}, {transform_indices = @transform_1, window_bounds = array<i64: 5000, 2>}, {pipeline_mode = #tpu.pipeline_mode<synchronous>, transform_indices = @transform_2, window_bounds = array<i64: 128, 128>}, {pipeline_mode = #tpu.pipeline_mode<synchronous>, transform_indices = @transform_3, window_bounds = array<i64: 1, 128>}, {transform_indices = @transform_4, window_bounds = array<i64: 5000, 128>}]} {
    %get3A = arith.constant 0 : index
    %get3A_0 = arith.constant 0 : index
    %get3A_1 = vector.load %arg2[%get3A, %get3A_0] : memref<5000x2xf32, #tpu.memory_space<vmem>>, vector<5000x2xf32>
    %get3A_2 = arith.constant 0 : index
    %get3A_3 = arith.constant 0 : index
    %get3A_4 = arith.constant 0 : index
    %get3A_5 = vector.load %arg1[%get3A_2, %get3A_3, %get3A_4] : memref<2x5000x128xf32, #tpu.memory_space<vmem>>, vector<1x5000x128xf32>
    %get3A_6 = vector.shape_cast %get3A_5 : vector<1x5000x128xf32> to vector<5000x128xf32>
    %get3A_7 = arith.constant 1 : index
    %get3A_8 = arith.constant 0 : index
    %get3A_9 = arith.constant 0 : index
    %get3A_10 = vector.load %arg1[%get3A_7, %get3A_8, %get3A_9] : memref<2x5000x128xf32, #tpu.memory_space<vmem>>, vector<1x5000x128xf32>
    %get3A_11 = vector.shape_cast %get3A_10 : vector<1x5000x128xf32> to vector<5000x128xf32>
    %add3A = arith.addf %get3A_6, %get3A_11 : vector<5000x128xf32>
    %slice3A = vector.extract_strided_slice %get3A_1 {offsets = [0, 1], sizes = [5000, 1], strides = [1, 1]} : vector<5000x2xf32> to vector<5000x1xf32>
    %mul3A = vector.broadcast %slice3A : vector<5000x1xf32> to vector<5000x128xf32>
    %mul3A_12 = arith.mulf %add3A, %mul3A : vector<5000x128xf32>
    %get3A_13 = arith.constant 0 : index
    %get3A_14 = arith.constant 0 : index
    %get3A_15 = vector.load %arg4[%get3A_13, %get3A_14] : memref<1x128xf32, #tpu.memory_space<vmem>>, vector<1x128xf32>
    %add3A_16 = vector.broadcast %get3A_15 : vector<1x128xf32> to vector<5000x128xf32>
    %add3A_17 = arith.addf %mul3A_12, %add3A_16 : vector<5000x128xf32>
    %max3A = arith.constant 0.000000e+00 : f32
    %max3A_18 = vector.broadcast %max3A : f32 to vector<5000x128xf32>
    %max3A_19 = arith.maximumf %add3A_17, %max3A_18 : vector<5000x128xf32>
    %get3A_20 = arith.constant 0 : index
    %get3A_21 = arith.constant 0 : index
    %get3A_22 = vector.load %arg3[%get3A_20, %get3A_21] : memref<128x128xf32, #tpu.memory_space<vmem>>, vector<128x128xf32>
    %dot_general3A = arith.constant dense<0.000000e+00> : vector<5000x128xf32>
    %dot_general3A_23 = tpu.matmul %max3A_19, %get3A_22, %dot_general3A {dimension_numbers = #tpu.dot_dimension_numbers<[1], [0], [0], [1], [0, 0, 1, 1], [], []>, transpose_lhs_hint = false} : vector<5000x128xf32>, vector<128x128xf32>, vector<5000x128xf32> -> vector<5000x128xf32>
    %slice3A_24 = vector.extract_strided_slice %get3A_1 {offsets = [0, 0], sizes = [5000, 1], strides = [1, 1]} : vector<5000x2xf32> to vector<5000x1xf32>
    %mul3A_25 = vector.broadcast %slice3A_24 : vector<5000x1xf32> to vector<5000x128xf32>
    %mul3A_26 = arith.mulf %dot_general3A_23, %mul3A_25 : vector<5000x128xf32>
    %swap3A = arith.constant 0 : index
    %swap3A_27 = arith.constant 0 : index
    %swap3A_28 = vector.load %arg5[%swap3A, %swap3A_27] : memref<5000x128xf32, #tpu.memory_space<vmem>>, vector<5000x128xf32>
    tpu.vector_store %arg5[%swap3A, %swap3A_27], %mul3A_26 {strides = array<i32>} : memref<5000x128xf32, #tpu.memory_space<vmem>>, vector<5000x128xf32>,
    return
  }
  func.func @transform_0(%arg0: i32) -> (i32, i32, i32) {
    %c0_i32 = arith.constant 0 : i32
    %c0_i32_0 = arith.constant 0 : i32
    %c0_i32_1 = arith.constant 0 : i32
    return %c0_i32, %arg0, %c0_i32_0 : i32, i32, i32
  }
  func.func @transform_1(%arg0: i32) -> (i32, i32) {
    %c0_i32 = arith.constant 0 : i32
    %c0_i32_0 = arith.constant 0 : i32
    return %arg0, %c0_i32 : i32, i32
  }
  func.func @transform_2(%arg0: i32) -> (i32, i32) {
    %c0_i32 = arith.constant 0 : i32
    %c0_i32_0 = arith.constant 0 : i32
    %c0_i32_1 = arith.constant 0 : i32
    return %c0_i32, %c0_i32_0 : i32, i32
  }
  func.func @transform_3(%arg0: i32) -> (i32, i32) {
    %c0_i32 = arith.constant 0 : i32
    %c0_i32_0 = arith.constant 0 : i32
    %c0_i32_1 = arith.constant 0 : i32
    return %c0_i32, %c0_i32_0 : i32, i32
  }
  func.func @transform_4(%arg0: i32) -> (i32, i32) {
    %c0_i32 = arith.constant 0 : i32
    %c0_i32_0 = arith.constant 0 : i32
    return %arg0, %c0_i32 : i32, i32
  }
}

module attributes {stable_mosaic.version = 14 : i64} {
  func.func @_mm_fin_body(%arg0: i32, %arg1: memref<2x5000x128xf32, #tpu.memory_space<vmem>>, %arg2: memref<5000x2xf32, #tpu.memory_space<vmem>>, %arg3: memref<128x128xf32, #tpu.memory_space<vmem>>, %arg4: memref<1x128xf32, #tpu.memory_space<vmem>>, %arg5: memref<1x128xf32, #tpu.memory_space<vmem>>, %arg6: memref<5000x128xf32, #tpu.memory_space<vmem>>) attributes {dimension_semantics = [#tpu.dimension_semantics<arbitrary>], iteration_bounds = array<i64: 2>, scalar_prefetch = 0 : i64, scratch_operands = 0 : i64, tpu.core_type = #tpu.core_type<tc>, window_params = [{transform_indices = @transform_0, window_bounds = array<i64: 2, 5000, 128>}, {transform_indices = @transform_1, window_bounds = array<i64: 5000, 2>}, {pipeline_mode = #tpu.pipeline_mode<synchronous>, transform_indices = @transform_2, window_bounds = array<i64: 128, 128>}, {pipeline_mode = #tpu.pipeline_mode<synchronous>, transform_indices = @transform_3, window_bounds = array<i64: 1, 128>}, {pipeline_mode = #tpu.pipeline_mode<synchronous>, transform_indices = @transform_4, window_bounds = array<i64: 1, 128>}, {transform_indices = @transform_5, window_bounds = array<i64: 5000, 128>}]} {
    %get3A = arith.constant 0 : index
    %get3A_0 = arith.constant 0 : index
    %get3A_1 = vector.load %arg2[%get3A, %get3A_0] : memref<5000x2xf32, #tpu.memory_space<vmem>>, vector<5000x2xf32>
    %get3A_2 = arith.constant 0 : index
    %get3A_3 = arith.constant 0 : index
    %get3A_4 = arith.constant 0 : index
    %get3A_5 = vector.load %arg1[%get3A_2, %get3A_3, %get3A_4] : memref<2x5000x128xf32, #tpu.memory_space<vmem>>, vector<1x5000x128xf32>
    %get3A_6 = vector.shape_cast %get3A_5 : vector<1x5000x128xf32> to vector<5000x128xf32>
    %get3A_7 = arith.constant 1 : index
    %get3A_8 = arith.constant 0 : index
    %get3A_9 = arith.constant 0 : index
    %get3A_10 = vector.load %arg1[%get3A_7, %get3A_8, %get3A_9] : memref<2x5000x128xf32, #tpu.memory_space<vmem>>, vector<1x5000x128xf32>
    %get3A_11 = vector.shape_cast %get3A_10 : vector<1x5000x128xf32> to vector<5000x128xf32>
    %add3A = arith.addf %get3A_6, %get3A_11 : vector<5000x128xf32>
    %slice3A = vector.extract_strided_slice %get3A_1 {offsets = [0, 1], sizes = [5000, 1], strides = [1, 1]} : vector<5000x2xf32> to vector<5000x1xf32>
    %mul3A = vector.broadcast %slice3A : vector<5000x1xf32> to vector<5000x128xf32>
    %mul3A_12 = arith.mulf %add3A, %mul3A : vector<5000x128xf32>
    %get3A_13 = arith.constant 0 : index
    %get3A_14 = arith.constant 0 : index
    %get3A_15 = vector.load %arg4[%get3A_13, %get3A_14] : memref<1x128xf32, #tpu.memory_space<vmem>>, vector<1x128xf32>
    %add3A_16 = vector.broadcast %get3A_15 : vector<1x128xf32> to vector<5000x128xf32>
    %add3A_17 = arith.addf %mul3A_12, %add3A_16 : vector<5000x128xf32>
    %max3A = arith.constant 0.000000e+00 : f32
    %max3A_18 = vector.broadcast %max3A : f32 to vector<5000x128xf32>
    %max3A_19 = arith.maximumf %add3A_17, %max3A_18 : vector<5000x128xf32>
    %get3A_20 = arith.constant 0 : index
    %get3A_21 = arith.constant 0 : index
    %get3A_22 = vector.load %arg3[%get3A_20, %get3A_21] : memref<128x128xf32, #tpu.memory_space<vmem>>, vector<128x128xf32>
    %dot_general3A = arith.constant dense<0.000000e+00> : vector<5000x128xf32>
    %dot_general3A_23 = tpu.matmul %max3A_19, %get3A_22, %dot_general3A {dimension_numbers = #tpu.dot_dimension_numbers<[1], [0], [0], [1], [0, 0, 1, 1], [], []>, transpose_lhs_hint = false} : vector<5000x128xf32>, vector<128x128xf32>, vector<5000x128xf32> -> vector<5000x128xf32>
    %get3A_24 = arith.constant 0 : index
    %get3A_25 = arith.constant 0 : index
    %get3A_26 = vector.load %arg5[%get3A_24, %get3A_25] : memref<1x128xf32, #tpu.memory_space<vmem>>, vector<1x128xf32>
    %add3A_27 = vector.broadcast %get3A_26 : vector<1x128xf32> to vector<5000x128xf32>
    %add3A_28 = arith.addf %dot_general3A_23, %add3A_27 : vector<5000x128xf32>
    %swap3A = arith.constant 0 : index
    %swap3A_29 = arith.constant 0 : index
    %swap3A_30 = vector.load %arg6[%swap3A, %swap3A_29] : memref<5000x128xf32, #tpu.memory_space<vmem>>, vector<5000x128xf32>
    tpu.vector_store %arg6[%swap3A, %swap3A_29], %add3A_28 {strides = array<i32>} : memref<5000x128xf32, #tpu.memory_space<vmem>>, vector<5000x128xf32>,
    return
  }
  func.func @transform_0(%arg0: i32) -> (i32, i32, i32) {
    %c0_i32 = arith.constant 0 : i32
    %c0_i32_0 = arith.constant 0 : i32
    %c0_i32_1 = arith.constant 0 : i32
    return %c0_i32, %arg0, %c0_i32_0 : i32, i32, i32
  }
  func.func @transform_1(%arg0: i32) -> (i32, i32) {
    %c0_i32 = arith.constant 0 : i32
    %c0_i32_0 = arith.constant 0 : i32
    return %arg0, %c0_i32 : i32, i32
  }
  func.func @transform_2(%arg0: i32) -> (i32, i32) {
    %c0_i32 = arith.constant 0 : i32
    %c0_i32_0 = arith.constant 0 : i32
    %c0_i32_1 = arith.constant 0 : i32
    return %c0_i32, %c0_i32_0 : i32, i32
  }
  func.func @transform_3(%arg0: i32) -> (i32, i32) {
    %c0_i32 = arith.constant 0 : i32
    %c0_i32_0 = arith.constant 0 : i32
    %c0_i32_1 = arith.constant 0 : i32
    return %c0_i32, %c0_i32_0 : i32, i32
  }
  func.func @transform_4(%arg0: i32) -> (i32, i32) {
    %c0_i32 = arith.constant 0 : i32
    %c0_i32_0 = arith.constant 0 : i32
    %c0_i32_1 = arith.constant 0 : i32
    return %c0_i32, %c0_i32_0 : i32, i32
  }
  func.func @transform_5(%arg0: i32) -> (i32, i32) {
    %c0_i32 = arith.constant 0 : i32
    %c0_i32_0 = arith.constant 0 : i32
    return %arg0, %c0_i32 : i32, i32
  }
}

</mosaic_0001>

<sc_bundles>
// kernel: kernel.11.cloned.1.call-start
scs
__scs_entry_jumppad:
0x0: {  	(pc) =	sbr.rel $0x88, $3  }
0x1: {  	(tag) =	ssettag $0x0;
	lr =	simm.s32 $0x1  }
0x2: {  	[smem:$0x3F97] =	sst lr;
	_ =	strace $0xD0000000  }
0x3: {  	_ = 	snop  }
0x4: {  	_ = 	snop  }
0x5: {  	_ = 	snop  }
0x6: {  	_ = 	snop  }
0x7: {  	_ = 	snop  }
__scs_overlays_trampoline_lowered:
0x8: {  	[smem:$0x3FA6] =	sst s0  }
0x9: {  	[smem:$0x3FA7] =	sst s1  }
0xa: {  	[smem:$0x3FA8] =	sst s2  }
0xb: {  	[smem:$0x3FA9] =	sst s3  }
0xc: {  	[smem:$0x3FAA] =	sst s4  }
0xd: {  	[smem:$0x3FAB] =	sst s5  }
0xe: {  	[smem:$0x3FAC] =	sst s6  }
0xf: {  	[smem:$0x3FAD] =	sst s7  }
0x10: {  	[smem:$0x3FAE] =	sst s8  }
0x11: {  	[smem:$0x3FAF] =	sst s9;
	s0 =	simm.s32 @!p0 $0x0  }
0x12: {  	s1 =	sld [smem:$0x3F95];
	s0 =	simm.s32 @p0 $0x1  }
0x13: {  	[smem:$0x3FB0] =	sst s0;
	s0 =	simm.s32 @!p1 $0x0  }
0x14: {  	s2 =	sld [smem:$0x3F94];
	s0 =	simm.s32 @p1 $0x1  }
0x15: {  	[smem:$0x3FB1] =	sst s0;
	s0 =	simm.s32 @!p2 $0x0  }
0x16: {  	s3 =	sld [smem:$0x3FDB];
	s0 =	simm.s32 @p2 $0x1  }
0x17: {  	s4 =	simm.s32 $0x1BF5;
	[smem:$0x3FB3] =	sst s0  }
0x18: {  	s0 =	sld [smem:$0x3F96];
	_ =	swait.ge [sflag:s4], $0x0  }
0x19: {  	s7 =	sld [smem:$0x3F97]  }
0x1a: {  	s8 =	sadd.s32 $0xFFFFE003, lr  }
0x1b: {  	s9 =	sadd.s32 $0xFFFFFEF7, lr;
	s5 =	simm.s32 $0xFFFFFFFF;
	p2 =	slt.u32 s8, $0xFFFFF086  }
0x1c: {  	p1 =	slt.u32 s9, $0xF7A;
	s5 =	simm.s32 @!p2 $0x0  }
0x1d: {  	s5 =	simm.s32 @p1 $0x1;
	p0 =	seq.s32 s7, s2  }
0x1e: {  	s7 =	smul.u32 @!p0 $0xF7A, s2;
	p2 =	seq.s32 @!p0 s5, $0x0  }
0x1f: {  	s9 =	smul.u32 $0xF7A, s1;
	s8 =	simm.s32 @!p0 $0x1BF5;
	p2 =	por !p2, p0  }
0x20: {  	[sflag:s8] =	ssyncset.s32 @!p0 $0xFFFFF086;
	s6 =	sadd.s32 @!p0 s3, s7;
	s7 =	simm.s32 @!p0 $0x108  }
0x21: {  	s3 =	sadd.s32 s3, s9;
	s6 =	sadd.s32 @!p0 $0x88, s6;
	s7 =	simm.s32 @p2 $0x1082  }
0x22: {  	[simem:s7], [sflag:s8] =	dma.local @!p0 [hbm:s6], $0xF7A  }
0x23: {  	s9 =	sor.u32 $0xD0000000, s2;
	s6 =	simm.s32 $0x108;
	_ =	swait.ge @!p0 [sflag:s8], $0x0  }
0x24: {  	s3 =	sadd.s32 $0x88, s3;
	s6 =	simm.s32 @!p1 $0x1082;
	[sflag:s4] =	ssyncset.s32 $0xFFFFF086  }
0x25: {  	[simem:s6], [sflag:s4] =	dma.local [hbm:s3], $0xF7A  }
0x26: {  	[smem:$0x3F97] =	sst s1;
	(tag) =	ssettag s2;
	_ =	strace s9  }
0x27: {  	s1 =	sld [smem:$0x3FA7]  }
0x28: {  	s2 =	sld [smem:$0x3FA8]  }
0x29: {  	s4 =	sld [smem:$0x3FAA]  }
0x2a: {  	p0 =	seq.s32 s5, $0x0;
	s5 =	sld [smem:$0x3FAB]  }
0x2b: {  	s6 =	sld [smem:$0x3FAC]  }
0x2c: {  	s7 =	sld [smem:$0x3FAD]  }
0x2d: {  	s3 =	simm.s32 $0x108;
	s8 =	sld [smem:$0x3FAE]  }
0x2e: {  	s3 =	simm.s32 @!p0 $0x1082;
	s9 =	sld [smem:$0x3FAF]  }
0x2f: {  	lr =	sadd.s32 s0, s3;
	s0 =	sld [smem:$0x3FA6]  }
0x30: {  	s3 =	sld [smem:$0x3FA9]  }
0x31: {  	[smem:$0x3FB2] =	sst s10  }
0x32: {  	s10 =	sld [smem:$0x3FB0];
	_ =	sdelay $0x3  }
0x33: {  	p0 =	seq.s32 s10, $0x1;
	s10 =	sld [smem:$0x3FB2];
	_ =	sdelay $0x3  }
0x34: {  	[smem:$0x3FB2] =	sst s10  }
0x35: {  	s10 =	sld [smem:$0x3FB1];
	_ =	sdelay $0x3  }
0x36: {  	p1 =	seq.s32 s10, $0x1;
	s10 =	sld [smem:$0x3FB2];
	_ =	sdelay $0x3  }
0x37: {  	[smem:$0x3FB2] =	sst s10  }
0x38: {  	s10 =	sld [smem:$0x3FB3]  }
0x39: {  	_ = 	snop;
	(pc) =	sbr.ind lr, $3  }
0x3a: {  	_ = 	snop  }
0x3b: {  	_ = 	snop  }
0x3c: {  	p2 =	seq.s32 s10, $0x1;
	s10 =	sld [smem:$0x3FB2]  }
0x3d: {  	_ =	shalt  }
0x3e: {  	_ =	shalt  }
0x3f: {  	_ =	shalt  }
0x40: {  	_ =	shalt  }
0x41: {  	_ =	shalt  }
0x42: {  	_ =	shalt  }
0x43: {  	_ =	shalt  }
0x44: {  	_ =	shalt  }
0x45: {  	_ =	shalt  }
0x46: {  	_ =	shalt  }
0x47: {  	_ =	shalt  }
0x48: {  	_ =	shalt  }
0x49: {  	_ =	shalt  }
0x4a: {  	_ =	shalt  }
0x4b: {  	_ =	shalt  }
0x4c: {  	_ =	shalt  }
0x4d: {  	_ =	shalt  }
0x4e: {  	_ =	shalt  }
0x4f: {  	_ =	shalt  }
0x50: {  	_ =	shalt  }
0x51: {  	_ =	shalt  }
0x52: {  	_ =	shalt  }
0x53: {  	_ =	shalt  }
0x54: {  	_ =	shalt  }
0x55: {  	_ =	shalt  }
0x56: {  	_ =	shalt  }
0x57: {  	_ =	shalt  }
0x58: {  	_ =	shalt  }
0x59: {  	_ =	shalt  }
0x5a: {  	_ =	shalt  }
0x5b: {  	_ =	shalt  }
0x5c: {  	_ =	shalt  }
0x5d: {  	_ =	shalt  }
0x5e: {  	_ =	shalt  }
0x5f: {  	_ =	shalt  }
0x60: {  	_ =	shalt  }
0x61: {  	_ =	shalt  }
0x62: {  	_ =	shalt  }
0x63: {  	_ =	shalt  }
0x64: {  	_ =	shalt  }
0x65: {  	_ =	shalt  }
0x66: {  	_ =	shalt  }
0x67: {  	_ =	shalt  }
0x68: {  	_ =	shalt  }
0x69: {  	_ =	shalt  }
0x6a: {  	_ =	shalt  }
0x6b: {  	_ =	shalt  }
0x6c: {  	_ =	shalt  }
0x6d: {  	_ =	shalt  }
0x6e: {  	_ =	shalt  }
0x6f: {  	_ =	shalt  }
0x70: {  	_ =	shalt  }
0x71: {  	_ =	shalt  }
0x72: {  	_ =	shalt  }
0x73: {  	_ =	shalt  }
0x74: {  	_ =	shalt  }
0x75: {  	_ =	shalt  }
0x76: {  	_ =	shalt  }
0x77: {  	_ =	shalt  }
0x78: {  	_ =	shalt  }
0x79: {  	_ =	shalt  }
0x7a: {  	_ =	shalt  }
0x7b: {  	_ =	shalt  }
0x7c: {  	_ =	shalt  }
0x7d: {  	_ =	shalt  }
0x7e: {  	_ =	shalt  }
0x7f: {  	_ =	shalt  }
0x80: {  	_ =	shalt  }
0x81: {  	_ =	shalt  }
0x82: {  	_ =	shalt  }
0x83: {  	_ =	shalt  }
0x84: {  	_ =	shalt  }
0x85: {  	_ =	shalt  }
0x86: {  	_ =	shalt  }
0x87: {  	_ =	shalt  }
.Lfunc_end0:
.L_simem_size_0:
called_computation_lowered:
.L_overlay_start_0:
0x88: {  	s2 =	sld [smem:$0x3FD9]  }
0x89: {  	s3 =	sld [smem:$0x3FFE];
	_ =	sdelay $0x1  }
0x8a: {  	s1 =	srdreg.scid  }
0x8b: {  	s0 =	sand.u32 $0x1, s1  }
0x8c: {  	s17 =	sshll.u32 s0, $0xA;
	s2 =	sadd.s32 s3, s2  }
0x8d: {  	s2 =	sadd.s32 s2, s17  }
0x8e: {  	[smem:$0x3FBE] =	sst s2  }
0x8f: {  	_ = 	snop  }
0x90: {  	s2 =	sld [smem:$0x3FD0];
	(tm) =	ssettm $0x1  }
0x91: {  	s18 =	sld [smem:$0x3FFB];
	_ =	sdelay $0x3  }
0x92: {  	_ =	strace s18  }
0x93: {  	s3 =	sld [smem:$0x3FFC];
	_ =	sdelay $0x3  }
0x94: {  	_ =	strace s3  }
0x95: {  	s3 =	sld [smem:$0x3FFD];
	_ =	sdelay $0x3  }
0x96: {  	_ =	strace s3  }
0x97: {  	_ =	strace $0x8FFFFFFF  }
0x98: {  	s19 =	sld [smem:$0x3FDB];
	_ =	sdelay $0x1  }
0x99: {  	s4 =	simm.s32 $_scs_section_size  }
0x9a: {  	s5 =	simm.s32 $_size__tile_overlayer_lowered;
	s6 =	simm.s32 $_tile_overlayer_lowered  }
0x9b: {  	s22 =	simm.s32 $0x1BFF;
	s21 =	sshll.u32 s6, $0x1;
	s3 =	sadd.s32 s4, s19  }
0x9c: {  	s7 =	simm.s32 $0x0;
	s20 =	sshll.u32 s5, $0x1;
	s5 =	sadd.s32 s21, s3  }
0x9d: {  	[timem:s7], [sflag:s22] =	dma.local [hbm:s5], s20  }
0x9e: {  	_ =	swait.ge [sflag:s22], s20  }
0x9f: {  	s4 =	ssub.s32 $0x0, s20;
	[sflag:s22] =	ssyncset.done $0x0  }
0xa0: {  	[sflag:s22] =	ssyncadd.s32 s4;
	_ =	sdelay $0x1  }
0xa1: {  	s23 =	simm.s32 $0x1B8B  }
0xa2: {  	_ =	swait.ge [sflag:s23], $0x1  }
0xa3: {  	[sflag:s23] =	ssyncset.done $0x0  }
0xa4: {  	s25 =	simm.s32 $0x1B8E;
	s24 =	sld [smem:$0x3FFE];
	[sflag:s23] =	ssyncadd.s32 $0xFFFFFFFF  }
0xa5: {  	s26 =	simm.s32 $execute0_lowered;
	[smem:$0x3FD2] =	sst s25  }
0xa6: {  	s5 =	sshll.u32 s26, $0x1;
	_ =	strace $0x80000046;
	[dreg:$0x1] =	wrdreg $0xFFFFFFFF  }
0xa7: {  	s28 =	simm.s32 $_size_execute0_lowered;
	s3 =	sadd.s32 s3, s5;
	[dreg:$0x0] =	wrdreg $0x0  }
0xa8: {  	s5 =	sshll.u32 s28, $0x1;
	[dreg:$0x2] =	wrdreg s3  }
0xa9: {  	[dreg:$0x3] =	wrdreg s5  }
0xaa: {  	[dreg:$0x4] =	wrdreg $0xC0  }
0xab: {  	_ =	task [dreg:s7], $0x5FFFF  }
0xac: {  	[dreg:$0x1] =	wrdreg $0xFFFFFFFF  }
0xad: {  	[dreg:$0x0] =	wrdreg $0x60  }
0xae: {  	[dreg:$0x2] =	wrdreg s24  }
0xaf: {  	[dreg:$0x3] =	wrdreg s2  }
0xb0: {  	[dreg:$0x4] =	wrdreg $0x0  }
0xb1: {  	[dreg:$0x5] =	wrdreg $0x2800  }
0xb2: {  	[dreg:$0x6] =	wrdreg $0x9  }
0xb3: {  	_ =	task.clear_ibuf [dreg:s7], $0x7FFFF;
	_ =	strace $0x90000046  }
0xb4: {  	s29 =	simm.s32 $0x9;
	_ =	strace $0x80000048  }
0xb5: {  	_ =	swait.ge [sflag:s29], $0x1  }
0xb6: {  	[sflag:s29] =	ssyncadd.s32 $0xFFFFFFFF  }
0xb7: {  	_ =	strace $0x90000048  }
0xb8: {  	_ =	sfence  }
0xb9: {  	s30 =	sld [smem:$0x0];
	_ =	sdelay $0x2  }
0xba: {  	s31 =	sshll.u32 s1, $0xD;
	s1 =	sshrl.u32 s1, $0x2  }
0xbb: {  	s3 =	sand.u32 $0x4000, s31;
	s1 =	sadd.s32 s1, s30  }
0xbc: {  	s0 =	sor.u32 s3, s0;
	s1 =	sshll.u32 s1, $0x11  }
0xbd: {  	s0 =	sor.u32 s1, s0  }
0xbe: {  	s0 =	sadd.s32 $0x8F2B, s0  }
0xbf: {  	[sflag:s0] =	ssyncadd.remote.s32 $0x1  }
0xc0: {  	_ =	sfence.sel $0xFFFF  }
0xc1: {  	[dreg:$0x0] =	wrdreg $0xFFFFFFFF;
	(pc) =	sbr.abs _section_cstart, $3  }
0xc2: {  	[dreg:$0x1] =	wrdreg $0xFFFFFFFF  }
0xc3: {  	_ =	task.clear_ibuf [dreg:s7], $0x2FFFF;
	_ =	strace $0x9FFFFFFF  }
0xc4: {  	(tm) =	ssettm $0x7FFFFFFF  }
0xc5: {  	_ =	shalt  }
tec
execute0_lowered:
.L_overlay_start_1:
0x0: {  	(tag) =	ssettag $0x1  }
0x1: {  	s0 =	rddreg [dreg:$0x0]  }
0x2: {  	s2 =	rddreg [dreg:$0x1]  }
0x3: {  	s1 =	rddreg [dreg:$0x2]  }
0x4: {  	s3 =	rddreg [dreg:$0x3];
	s5 =	srdreg.scid;
	s4 =	simm.s32 $0x0  }
0x5: {  	s14 =	stileid.u32;
	s16 =	simm.s32 $0x500;
	s17 =	simm.s32 $0x4500  }
0x6: {  	s18 =	simm.s32 $0x1;
	s19 =	simm.s32 $0x2;
	s20 =	simm.s32 $0x3  }
0x7: {  	s21 =	simm.s32 $0x4;
	s22 =	simm.s32 $0x50;
	s28 =	simm.s32 $0x8300  }
0x8: {  	s29 =	simm.s32 $0x20;
	s30 =	simm.s32 $0x10;
	s31 =	simm.s32 $0x5  }
0x9: {  	s5 =	sand.u32 $0x1, s5;
	[smem:$0x7FF] =	sst s4;
	s8 =	smul.u32 $0x280, s14  }
0xa: {  	s7 =	sshll.u32 s14, $0xB;
	s11 =	smul.u32 $0x500, s14;
	s6 =	sshll.u32 s5, $0xF  }
0xb: {  	_ =	strace $0x80000047;
	s23 =	ssub.s32 $0x2, s5;
	s24 =	smul.u32 $0x5000, s5  }
0xc: {  	s6 =	sor.u32 s7, s6;
	s25 =	sshrl.u32 s8, $0x3;
	s10 =	sshrl.u32 s23, $0x1  }
0xd: {  	s13 =	sadd.s32 s8, s1;
	s15 =	sadd.s32 s8, s3;
	s9 =	sadd.s32 s6, s0  }
0xe: {  	s0 =	sadd.s32 s25, s0;
	s12 =	ssub.s32 s23, s10;
	s6 =	sshll.u32 s14, $0x6  }
0xf: {  	s26 =	sadd.s32 s11, s24;
	s13 =	sshrl.u32 s13, $0x3;
	s15 =	sshrl.u32 s15, $0x3  }
0x10: {  	s23 =	simm.s32 $0x8500;
	s5 =	sadd.s32 $0x23800, s0;
	s7 =	sor.u32 $0x1C01, s6  }
0x11: {  	s0 =	sshrl.u32 s26, $0x3;
	s8 =	sadd.s32 $0x3800, s9;
	s9 =	sadd.s32 $0x13800, s9  }
0x12: {  	s12 =	smax.u32 s12, $0x1;
	s14 =	sor.u32 $0x1C02, s6;
	s10 =	sadd.s32 s2, s0  }
0x13: {  	v0 =	vimm.f32 $1.000000000e+00;
	s26 =	simm.s32 $0x4300;
	s0 =	simm.s32 $0x0;
	s11 =	sadd.s32 $0x10, s10  }
.LBB2_1:
0x14: {  	[spmem:s13], [sflag:s7] =	dma.local [hbm:s5], $0x50  }
0x15: {  	[spmem:s15], [sflag:s14] =	dma.local [hbm:s5], $0x50  }
0x16: {  	[tilespmem:s16], [sflag:$0x3] =	stream.linear.gather [hbm4b:s8+s4], $0x3E80, $0x38;
	[tilespmem:$0x8580] =	vst v63  }
0x17: {  	_ = 	snop  }
0x18: {  	[tilespmem:s17], [sflag:$0x4] =	stream.linear.gather [hbm4b:s9+s4], $0x3E80, $0x38;
	[tilespmem:$0x8580] =	vst v63  }
0x19: {  	[tilespmem:$0x8500] =	vst v0  }
0x1a: {  	[tilespmem:$0x8510] =	vst v0  }
0x1b: {  	[tilespmem:$0x8520] =	vst v0  }
0x1c: {  	[tilespmem:$0x8530] =	vst v0  }
0x1d: {  	[tilespmem:$0x8540] =	vst v0  }
0x1e: {  	_ =	swait.ge [sflag:s18], $0x50  }
0x1f: {  	[sflag:s18] =	ssyncset.done $0x0  }
0x20: {  	[sflag:s18] =	ssyncadd.s32 $0xFFFFFFB0  }
0x21: {  	_ =	swait.ge [sflag:s19], $0x50  }
0x22: {  	[sflag:s19] =	ssyncset.done $0x0  }
0x23: {  	[sflag:s19] =	ssyncadd.s32 $0xFFFFFFB0  }
0x24: {  	_ =	swait.ge [sflag:s20], $0x3E80  }
0x25: {  	[sflag:s20] =	ssyncset.done $0x0  }
0x26: {  	[sflag:s20] =	ssyncadd.s32 $0xFFFFC180  }
0x27: {  	_ =	swait.ge [sflag:s21], $0x3E80  }
0x28: {  	[sflag:s21] =	ssyncset.done $0x0  }
0x29: {  	[sflag:s21] =	ssyncadd.s32 $0xFFFFC180  }
0x2a: {  	[bflag:$0x0] =	sbarrier.arrive $0xFFFF  }
0x2b: {  	[spmem:s1] =	stream.indirect.scatter.add.f32 [tilespmem:s23], [sflag:$0x1], $0x1, s16, s22, $0xb8;
	[tilespmem:$0x8580] =	vst v63  }
0x2c: {  	_ = 	snop  }
0x2d: {  	[spmem:s3] =	stream.indirect.scatter.add.f32 [tilespmem:s23], [sflag:$0x2], $0x1, s17, s22, $0xb8;
	[tilespmem:$0x8580] =	vst v63  }
0x2e: {  	s2 =	simm.s32 $0x580  }
0x2f: {  	[spmem:s1] =	stream.indirect.scatter.add.f32 [tilespmem:s23], [sflag:$0x3], $0x1, s2, s22, $0xb8;
	[tilespmem:$0x8580] =	vst v63  }
0x30: {  	s24 =	simm.s32 $0x4580  }
0x31: {  	[spmem:s3] =	stream.indirect.scatter.add.f32 [tilespmem:s23], [sflag:$0x4], $0x1, s24, s22, $0xb8;
	[tilespmem:$0x8580] =	vst v63  }
0x32: {  	_ =	swait.ge [sflag:s18], $0x50  }
0x33: {  	[sflag:s18] =	ssyncset.done $0x0  }
0x34: {  	s25 =	simm.s32 $0x600;
	[sflag:s18] =	ssyncadd.s32 $0xFFFFFFB0  }
0x35: {  	[spmem:s1] =	stream.indirect.scatter.add.f32 [tilespmem:s23], [sflag:$0x1], $0x1, s25, s22, $0xb8;
	[tilespmem:$0x8580] =	vst v63  }
0x36: {  	_ =	swait.ge [sflag:s19], $0x50  }
0x37: {  	[sflag:s19] =	ssyncset.done $0x0  }
0x38: {  	s24 =	simm.s32 $0x4600;
	[sflag:s19] =	ssyncadd.s32 $0xFFFFFFB0  }
0x39: {  	[spmem:s3] =	stream.indirect.scatter.add.f32 [tilespmem:s23], [sflag:$0x2], $0x1, s24, s22, $0xb8;
	[tilespmem:$0x8580] =	vst v63  }
0x3a: {  	_ =	swait.ge [sflag:s20], $0x50  }
0x3b: {  	[sflag:s20] =	ssyncset.done $0x0  }
0x3c: {  	s25 =	simm.s32 $0x680;
	[sflag:s20] =	ssyncadd.s32 $0xFFFFFFB0  }
0x3d: {  	[spmem:s1] =	stream.indirect.scatter.add.f32 [tilespmem:s23], [sflag:$0x3], $0x1, s25, s22, $0xb8;
	[tilespmem:$0x8580] =	vst v63  }
0x3e: {  	_ =	swait.ge [sflag:s21], $0x50  }
0x3f: {  	[sflag:s21] =	ssyncset.done $0x0  }
0x40: {  	s2 =	simm.s32 $0xFFFF1000;
	s24 =	simm.s32 $0x4680;
	[sflag:s21] =	ssyncadd.s32 $0xFFFFFFB0  }
.LBB2_2:
0x41: {  	[spmem:s3] =	stream.indirect.scatter.add.f32 [tilespmem:s23], [sflag:$0x4], $0x1, s24, s22, $0xb8;
	[tilespmem:$0x8580] =	vst v63  }
0x42: {  	s24 =	smov.u32 s2  }
0x43: {  	p0 =	sne.s32 s2, $0xFFFFFC00;
	s2 =	sadd.s32 $0x400, s2;
	_ =	swait.ge [sflag:s18], $0x50  }
0x44: {  	s24 =	sshra.s32 s24, $0x2;
	[sflag:s18] =	ssyncset.done $0x0  }
0x45: {  	s25 =	sadd.s32 $0x4300, s24;
	[sflag:s18] =	ssyncadd.s32 $0xFFFFFFB0  }
0x46: {  	[spmem:s1] =	stream.indirect.scatter.add.f32 [tilespmem:s23], [sflag:$0x1], $0x1, s25, s22, $0xb8;
	[tilespmem:$0x8580] =	vst v63  }
0x47: {  	_ =	swait.ge [sflag:s19], $0x50  }
0x48: {  	[sflag:s19] =	ssyncset.done $0x0  }
0x49: {  	s25 =	sadd.s32 $0x8300, s24;
	[sflag:s19] =	ssyncadd.s32 $0xFFFFFFB0  }
0x4a: {  	[spmem:s3] =	stream.indirect.scatter.add.f32 [tilespmem:s23], [sflag:$0x2], $0x1, s25, s22, $0xb8;
	[tilespmem:$0x8580] =	vst v63  }
0x4b: {  	_ =	swait.ge [sflag:s20], $0x50  }
0x4c: {  	[sflag:s20] =	ssyncset.done $0x0  }
.Ltmp0:
0x4d: {  	s25 =	sadd.s32 $0x4380, s24;
	[sflag:s20] =	ssyncadd.s32 $0xFFFFFFB0;
	(pc) =	sbr.rel @p0 .LBB2_2-.Ltmp0, $4  }
0x4e: {  	[spmem:s1] =	stream.indirect.scatter.add.f32 [tilespmem:s23], [sflag:$0x3], $0x1, s25, s22, $0xb8;
	[tilespmem:$0x8580] =	vst v63  }
0x4f: {  	_ =	swait.ge [sflag:s21], $0x50  }
0x50: {  	[sflag:s21] =	ssyncset.done $0x0  }
0x51: {  	s24 =	sadd.s32 $0x8380, s24;
	[sflag:s21] =	ssyncadd.s32 $0xFFFFFFB0  }
0x52: {  	[spmem:s3] =	stream.indirect.scatter.add.f32 [tilespmem:s23], [sflag:$0x4], $0x1, s24, s22, $0xb8;
	[tilespmem:$0x8580] =	vst v63  }
0x53: {  	_ = 	snop  }
0x54: {  	[spmem:s1] =	stream.indirect.scatter.add.f32 [tilespmem:s23], [sflag:$0x1], $0x1, s26, s22, $0xb8;
	[tilespmem:$0x8580] =	vst v63  }
0x55: {  	_ = 	snop  }
0x56: {  	[spmem:s3] =	stream.indirect.scatter.add.f32 [tilespmem:s23], [sflag:$0x2], $0x1, s28, s22, $0xb8;
	[tilespmem:$0x8580] =	vst v63  }
0x57: {  	_ =	swait.ge [sflag:s18], $0x50  }
0x58: {  	[sflag:s18] =	ssyncset.done $0x0  }
0x59: {  	[sflag:s18] =	ssyncadd.s32 $0xFFFFFFB0  }
0x5a: {  	_ =	swait.ge [sflag:s19], $0x50  }
0x5b: {  	[sflag:s19] =	ssyncset.done $0x0  }
0x5c: {  	[sflag:s19] =	ssyncadd.s32 $0xFFFFFFB0  }
0x5d: {  	_ =	swait.ge [sflag:s18], $0x50  }
0x5e: {  	[sflag:s18] =	ssyncset.done $0x0  }
0x5f: {  	[sflag:s18] =	ssyncadd.s32 $0xFFFFFFB0  }
0x60: {  	_ =	swait.ge [sflag:s19], $0x50  }
0x61: {  	[sflag:s19] =	ssyncset.done $0x0  }
0x62: {  	[sflag:s19] =	ssyncadd.s32 $0xFFFFFFB0  }
0x63: {  	_ =	swait.ge [sflag:s20], $0x50  }
0x64: {  	[sflag:s20] =	ssyncset.done $0x0  }
0x65: {  	[sflag:s20] =	ssyncadd.s32 $0xFFFFFFB0  }
0x66: {  	_ =	swait.ge [sflag:s21], $0x50  }
0x67: {  	[sflag:s21] =	ssyncset.done $0x0  }
0x68: {  	[sflag:s21] =	ssyncadd.s32 $0xFFFFFFB0  }
0x69: {  	s2 =	sor.u32 $0x1C05, s6;
	[bflag:$0x0] =	sbarrier.arrive $0xFFFF  }
0x6a: {  	[hbm:s10@s29], [sflag:s2] =	dma.strided [spmem:s13@s30], $0x50, s18, $0x10   }
0x6b: {  	s0 =	sadd.s32 $0x1, s0;
	_ =	swait.ge [sflag:s31], $0x50  }
0x6c: {  	p0 =	sne.s32 s0, s12;
	[sflag:s31] =	ssyncset.done $0x0  }
.Ltmp1:
0x6d: {  	[sflag:s31] =	ssyncadd.s32 $0xFFFFFFB0;
	(pc) =	sbr.rel @p0 .LBB2_1-.Ltmp1, $4  }
0x6e: {  	[hbm:s11@s29], [sflag:s2] =	dma.strided [spmem:s15@s30], $0x50, s18, $0x10   }
0x6f: {  	_ =	swait.ge [sflag:s31], $0x50  }
0x70: {  	[sflag:s31] =	ssyncset.done $0x0  }
0x71: {  	[sflag:s31] =	ssyncadd.s32 $0xFFFFFFB0  }
0x72: {  	_ =	sfence.sel $0x180000  }
0x73: {  	[bflag:$0x0] =	sbarrier.arrive $0xFFFF  }
0x74: {  	_ =	strace $0x90000047  }
0x75: {  	s0 =	stileid.u32;
	[bflag:$0x2] =	sbarrier.arrive $0xFFFF  }
0x76: {  	p0 =	sne.s32 s0, $0x0;
	s0 =	rddreg [dreg:$0x4]  }
0x77: {  	s0 =	sadd.s32 @!p0 $0x100000, s0  }
0x78: {  	[sflag:s0] =	ssyncadd.tile.s32 @!p0 $0x1;
	_ =	shalt  }
.Lfunc_end2:
_tile_overlayer_lowered:
.L_overlay_start_2:
0x79: {  	(tag) =	ssettag $0x2  }
0x7a: {  	s0 =	rddreg [dreg:$0x0];
	s2 =	stileid.u32  }
0x7b: {  	s1 =	rddreg [dreg:$0x1];
	p0 =	sne.s32 s2, $0x0  }
0x7c: {  	s3 =	rddreg [dreg:$0x2];
	[bflag:$0x3] =	sbarrier.arrive $0xFFFF;
	s2 =	simm.s32 @!p0 $0x1C05  }
0x7d: {  	[timem:s3], [sflag:s2] =	dma.local @!p0 [hbm:s0], s1  }
0x7e: {  	s0 =	simm.s32 @!p0 $0x5  }
0x7f: {  	_ =	swait.ge @!p0 [sflag:s0], s1  }
0x80: {  	s1 =	ssub.s32 @!p0 $0x0, s1;
	[sflag:s0] =	ssyncset.done @!p0 $0x0  }
0x81: {  	[sflag:s0] =	ssyncadd.s32 @!p0 s1  }
0x82: {  	[bflag:$0x3] =	sbarrier.arrive $0xFFFF  }
0x83: {  	_ =	shalt  }

// kernel: kernel.14.cloned.1.call-start
scs
__scs_entry_jumppad:
0x0: {  	(pc) =	sbr.rel $0x88, $3  }
0x1: {  	(tag) =	ssettag $0x0;
	lr =	simm.s32 $0x1  }
0x2: {  	[smem:$0x3F97] =	sst lr;
	_ =	strace $0xD0000000  }
0x3: {  	_ = 	snop  }
0x4: {  	_ = 	snop  }
0x5: {  	_ = 	snop  }
0x6: {  	_ = 	snop  }
0x7: {  	_ = 	snop  }
__scs_overlays_trampoline_lowered:
0x8: {  	[smem:$0x3FA6] =	sst s0  }
0x9: {  	[smem:$0x3FA7] =	sst s1  }
0xa: {  	[smem:$0x3FA8] =	sst s2  }
0xb: {  	[smem:$0x3FA9] =	sst s3  }
0xc: {  	[smem:$0x3FAA] =	sst s4  }
0xd: {  	[smem:$0x3FAB] =	sst s5  }
0xe: {  	[smem:$0x3FAC] =	sst s6  }
0xf: {  	[smem:$0x3FAD] =	sst s7  }
0x10: {  	[smem:$0x3FAE] =	sst s8  }
0x11: {  	[smem:$0x3FAF] =	sst s9;
	s0 =	simm.s32 @!p0 $0x0  }
0x12: {  	s1 =	sld [smem:$0x3F95];
	s0 =	simm.s32 @p0 $0x1  }
0x13: {  	[smem:$0x3FB0] =	sst s0;
	s0 =	simm.s32 @!p1 $0x0  }
0x14: {  	s2 =	sld [smem:$0x3F94];
	s0 =	simm.s32 @p1 $0x1  }
0x15: {  	[smem:$0x3FB1] =	sst s0;
	s0 =	simm.s32 @!p2 $0x0  }
0x16: {  	s3 =	sld [smem:$0x3FDB];
	s0 =	simm.s32 @p2 $0x1  }
0x17: {  	s4 =	simm.s32 $0x1BF5;
	[smem:$0x3FB3] =	sst s0  }
0x18: {  	s0 =	sld [smem:$0x3F96];
	_ =	swait.ge [sflag:s4], $0x0  }
0x19: {  	s7 =	sld [smem:$0x3F97]  }
0x1a: {  	s8 =	sadd.s32 $0xFFFFE003, lr  }
0x1b: {  	s9 =	sadd.s32 $0xFFFFFEF7, lr;
	s5 =	simm.s32 $0xFFFFFFFF;
	p2 =	slt.u32 s8, $0xFFFFF086  }
0x1c: {  	p1 =	slt.u32 s9, $0xF7A;
	s5 =	simm.s32 @!p2 $0x0  }
0x1d: {  	s5 =	simm.s32 @p1 $0x1;
	p0 =	seq.s32 s7, s2  }
0x1e: {  	s7 =	smul.u32 @!p0 $0xF7A, s2;
	p2 =	seq.s32 @!p0 s5, $0x0  }
0x1f: {  	s9 =	smul.u32 $0xF7A, s1;
	s8 =	simm.s32 @!p0 $0x1BF5;
	p2 =	por !p2, p0  }
0x20: {  	[sflag:s8] =	ssyncset.s32 @!p0 $0xFFFFF086;
	s6 =	sadd.s32 @!p0 s3, s7;
	s7 =	simm.s32 @!p0 $0x108  }
0x21: {  	s3 =	sadd.s32 s3, s9;
	s6 =	sadd.s32 @!p0 $0x88, s6;
	s7 =	simm.s32 @p2 $0x1082  }
0x22: {  	[simem:s7], [sflag:s8] =	dma.local @!p0 [hbm:s6], $0xF7A  }
0x23: {  	s9 =	sor.u32 $0xD0000000, s2;
	s6 =	simm.s32 $0x108;
	_ =	swait.ge @!p0 [sflag:s8], $0x0  }
0x24: {  	s3 =	sadd.s32 $0x88, s3;
	s6 =	simm.s32 @!p1 $0x1082;
	[sflag:s4] =	ssyncset.s32 $0xFFFFF086  }
0x25: {  	[simem:s6], [sflag:s4] =	dma.local [hbm:s3], $0xF7A  }
0x26: {  	[smem:$0x3F97] =	sst s1;
	(tag) =	ssettag s2;
	_ =	strace s9  }
0x27: {  	s1 =	sld [smem:$0x3FA7]  }
0x28: {  	s2 =	sld [smem:$0x3FA8]  }
0x29: {  	s4 =	sld [smem:$0x3FAA]  }
0x2a: {  	p0 =	seq.s32 s5, $0x0;
	s5 =	sld [smem:$0x3FAB]  }
0x2b: {  	s6 =	sld [smem:$0x3FAC]  }
0x2c: {  	s7 =	sld [smem:$0x3FAD]  }
0x2d: {  	s3 =	simm.s32 $0x108;
	s8 =	sld [smem:$0x3FAE]  }
0x2e: {  	s3 =	simm.s32 @!p0 $0x1082;
	s9 =	sld [smem:$0x3FAF]  }
0x2f: {  	lr =	sadd.s32 s0, s3;
	s0 =	sld [smem:$0x3FA6]  }
0x30: {  	s3 =	sld [smem:$0x3FA9]  }
0x31: {  	[smem:$0x3FB2] =	sst s10  }
0x32: {  	s10 =	sld [smem:$0x3FB0];
	_ =	sdelay $0x3  }
0x33: {  	p0 =	seq.s32 s10, $0x1;
	s10 =	sld [smem:$0x3FB2];
	_ =	sdelay $0x3  }
0x34: {  	[smem:$0x3FB2] =	sst s10  }
0x35: {  	s10 =	sld [smem:$0x3FB1];
	_ =	sdelay $0x3  }
0x36: {  	p1 =	seq.s32 s10, $0x1;
	s10 =	sld [smem:$0x3FB2];
	_ =	sdelay $0x3  }
0x37: {  	[smem:$0x3FB2] =	sst s10  }
0x38: {  	s10 =	sld [smem:$0x3FB3]  }
0x39: {  	_ = 	snop;
	(pc) =	sbr.ind lr, $3  }
0x3a: {  	_ = 	snop  }
0x3b: {  	_ = 	snop  }
0x3c: {  	p2 =	seq.s32 s10, $0x1;
	s10 =	sld [smem:$0x3FB2]  }
0x3d: {  	_ =	shalt  }
0x3e: {  	_ =	shalt  }
0x3f: {  	_ =	shalt  }
0x40: {  	_ =	shalt  }
0x41: {  	_ =	shalt  }
0x42: {  	_ =	shalt  }
0x43: {  	_ =	shalt  }
0x44: {  	_ =	shalt  }
0x45: {  	_ =	shalt  }
0x46: {  	_ =	shalt  }
0x47: {  	_ =	shalt  }
0x48: {  	_ =	shalt  }
0x49: {  	_ =	shalt  }
0x4a: {  	_ =	shalt  }
0x4b: {  	_ =	shalt  }
0x4c: {  	_ =	shalt  }
0x4d: {  	_ =	shalt  }
0x4e: {  	_ =	shalt  }
0x4f: {  	_ =	shalt  }
0x50: {  	_ =	shalt  }
0x51: {  	_ =	shalt  }
0x52: {  	_ =	shalt  }
0x53: {  	_ =	shalt  }
0x54: {  	_ =	shalt  }
0x55: {  	_ =	shalt  }
0x56: {  	_ =	shalt  }
0x57: {  	_ =	shalt  }
0x58: {  	_ =	shalt  }
0x59: {  	_ =	shalt  }
0x5a: {  	_ =	shalt  }
0x5b: {  	_ =	shalt  }
0x5c: {  	_ =	shalt  }
0x5d: {  	_ =	shalt  }
0x5e: {  	_ =	shalt  }
0x5f: {  	_ =	shalt  }
0x60: {  	_ =	shalt  }
0x61: {  	_ =	shalt  }
0x62: {  	_ =	shalt  }
0x63: {  	_ =	shalt  }
0x64: {  	_ =	shalt  }
0x65: {  	_ =	shalt  }
0x66: {  	_ =	shalt  }
0x67: {  	_ =	shalt  }
0x68: {  	_ =	shalt  }
0x69: {  	_ =	shalt  }
0x6a: {  	_ =	shalt  }
0x6b: {  	_ =	shalt  }
0x6c: {  	_ =	shalt  }
0x6d: {  	_ =	shalt  }
0x6e: {  	_ =	shalt  }
0x6f: {  	_ =	shalt  }
0x70: {  	_ =	shalt  }
0x71: {  	_ =	shalt  }
0x72: {  	_ =	shalt  }
0x73: {  	_ =	shalt  }
0x74: {  	_ =	shalt  }
0x75: {  	_ =	shalt  }
0x76: {  	_ =	shalt  }
0x77: {  	_ =	shalt  }
0x78: {  	_ =	shalt  }
0x79: {  	_ =	shalt  }
0x7a: {  	_ =	shalt  }
0x7b: {  	_ =	shalt  }
0x7c: {  	_ =	shalt  }
0x7d: {  	_ =	shalt  }
0x7e: {  	_ =	shalt  }
0x7f: {  	_ =	shalt  }
0x80: {  	_ =	shalt  }
0x81: {  	_ =	shalt  }
0x82: {  	_ =	shalt  }
0x83: {  	_ =	shalt  }
0x84: {  	_ =	shalt  }
0x85: {  	_ =	shalt  }
0x86: {  	_ =	shalt  }
0x87: {  	_ =	shalt  }
.Lfunc_end0:
.L_simem_size_0:
called_computation.1_lowered:
.L_overlay_start_0:
0x88: {  	s2 =	sld [smem:$0x3FD9]  }
0x89: {  	s3 =	sld [smem:$0x3FFE];
	_ =	sdelay $0x1  }
0x8a: {  	s1 =	srdreg.scid  }
0x8b: {  	s0 =	sand.u32 $0x1, s1  }
0x8c: {  	s17 =	sshll.u32 s0, $0xA;
	s2 =	sadd.s32 s3, s2  }
0x8d: {  	s2 =	sadd.s32 s2, s17  }
0x8e: {  	[smem:$0x3FBE] =	sst s2  }
0x8f: {  	_ = 	snop  }
0x90: {  	s2 =	sld [smem:$0x3FD0];
	(tm) =	ssettm $0x1  }
0x91: {  	s18 =	sld [smem:$0x3FFB];
	_ =	sdelay $0x3  }
0x92: {  	_ =	strace s18  }
0x93: {  	s3 =	sld [smem:$0x3FFC];
	_ =	sdelay $0x3  }
0x94: {  	_ =	strace s3  }
0x95: {  	s3 =	sld [smem:$0x3FFD];
	_ =	sdelay $0x3  }
0x96: {  	_ =	strace s3  }
0x97: {  	_ =	strace $0x8FFFFFFF  }
0x98: {  	s19 =	sld [smem:$0x3FDB];
	_ =	sdelay $0x1  }
0x99: {  	s4 =	simm.s32 $_scs_section_size  }
0x9a: {  	s5 =	simm.s32 $_size__tile_overlayer_lowered;
	s6 =	simm.s32 $_tile_overlayer_lowered  }
0x9b: {  	s22 =	simm.s32 $0x1BFF;
	s21 =	sshll.u32 s6, $0x1;
	s3 =	sadd.s32 s4, s19  }
0x9c: {  	s7 =	simm.s32 $0x0;
	s20 =	sshll.u32 s5, $0x1;
	s5 =	sadd.s32 s21, s3  }
0x9d: {  	[timem:s7], [sflag:s22] =	dma.local [hbm:s5], s20  }
0x9e: {  	_ =	swait.ge [sflag:s22], s20  }
0x9f: {  	s4 =	ssub.s32 $0x0, s20;
	[sflag:s22] =	ssyncset.done $0x0  }
0xa0: {  	[sflag:s22] =	ssyncadd.s32 s4;
	_ =	sdelay $0x1  }
0xa1: {  	s23 =	simm.s32 $0x1B8B  }
0xa2: {  	_ =	swait.ge [sflag:s23], $0x1  }
0xa3: {  	[sflag:s23] =	ssyncset.done $0x0  }
0xa4: {  	s25 =	simm.s32 $0x1B8E;
	s24 =	sld [smem:$0x3FFE];
	[sflag:s23] =	ssyncadd.s32 $0xFFFFFFFF  }
0xa5: {  	s26 =	simm.s32 $execute0_lowered;
	[smem:$0x3FD2] =	sst s25  }
0xa6: {  	s5 =	sshll.u32 s26, $0x1;
	_ =	strace $0x80000049;
	[dreg:$0x1] =	wrdreg $0xFFFFFFFF  }
0xa7: {  	s28 =	simm.s32 $_size_execute0_lowered;
	s3 =	sadd.s32 s3, s5;
	[dreg:$0x0] =	wrdreg $0x0  }
0xa8: {  	s5 =	sshll.u32 s28, $0x1;
	[dreg:$0x2] =	wrdreg s3  }
0xa9: {  	[dreg:$0x3] =	wrdreg s5  }
0xaa: {  	[dreg:$0x4] =	wrdreg $0xC0  }
0xab: {  	_ =	task [dreg:s7], $0x5FFFF  }
0xac: {  	[dreg:$0x1] =	wrdreg $0xFFFFFFFF  }
0xad: {  	[dreg:$0x0] =	wrdreg $0x60  }
0xae: {  	[dreg:$0x2] =	wrdreg s2  }
0xaf: {  	[dreg:$0x3] =	wrdreg s24  }
0xb0: {  	[dreg:$0x4] =	wrdreg $0x0  }
0xb1: {  	[dreg:$0x5] =	wrdreg $0x9  }
0xb2: {  	_ =	task.clear_ibuf [dreg:s7], $0x6FFFF;
	_ =	strace $0x90000049  }
0xb3: {  	s29 =	simm.s32 $0x9;
	_ =	strace $0x8000004B  }
0xb4: {  	_ =	swait.ge [sflag:s29], $0x1  }
0xb5: {  	[sflag:s29] =	ssyncadd.s32 $0xFFFFFFFF  }
0xb6: {  	_ =	strace $0x9000004B  }
0xb7: {  	_ =	sfence  }
0xb8: {  	s30 =	sld [smem:$0x0];
	_ =	sdelay $0x2  }
0xb9: {  	s31 =	sshll.u32 s1, $0xD;
	s1 =	sshrl.u32 s1, $0x2  }
0xba: {  	s3 =	sand.u32 $0x4000, s31;
	s1 =	sadd.s32 s1, s30  }
0xbb: {  	s0 =	sor.u32 s3, s0;
	s1 =	sshll.u32 s1, $0x11  }
0xbc: {  	s0 =	sor.u32 s1, s0  }
0xbd: {  	s0 =	sadd.s32 $0x8F2B, s0  }
0xbe: {  	[sflag:s0] =	ssyncadd.remote.s32 $0x1  }
0xbf: {  	_ =	sfence.sel $0xFFFF  }
0xc0: {  	[dreg:$0x0] =	wrdreg $0xFFFFFFFF;
	(pc) =	sbr.abs _section_cstart, $3  }
0xc1: {  	[dreg:$0x1] =	wrdreg $0xFFFFFFFF  }
0xc2: {  	_ =	task.clear_ibuf [dreg:s7], $0x2FFFF;
	_ =	strace $0x9FFFFFFF  }
0xc3: {  	(tm) =	ssettm $0x7FFFFFFF  }
tec
execute0_lowered:
.L_overlay_start_1:
0x0: {  	(tag) =	ssettag $0x1  }
0x1: {  	s0 =	srdreg.scid;
	s20 =	stileid.u32  }
0x2: {  	s6 =	rddreg [dreg:$0x1];
	s23 =	simm.s32 $0x13880;
	s28 =	simm.s32 $0x50  }
0x3: {  	s29 =	simm.s32 $0x1C800;
	s30 =	simm.s32 $0x3;
	s0 =	sand.u32 $0x1, s0  }
0x4: {  	s4 =	sshll.u32 s20, $0x7;
	s9 =	smul.u32 $0x4E000, s20;
	s18 =	sadd.s32 $0x37A00, s6  }
0x5: {  	s31 =	smul.u32 $0x13800, s20;
	p0 =	sne.s32 s20, $0x0;
	s1 =	sshll.u32 s0, $0x4  }
0x6: {  	s7 =	sand.u32 $0x380, s4;
	s4 =	simm.s32 $0x0;
	s8 =	ssub.s32 $0x2, s0  }
0x7: {  	s0 =	smul.u32 $0x138800, s0;
	s2 =	sor.u32 s20, s1;
	s1 =	rddreg [dreg:$0x0]  }
0x8: {  	[smem:$0x7FF] =	sst s4;
	s10 =	sshrl.u32 s8, $0x1;
	s26 =	sshrl.u32 s9, $0x2  }
0x9: {  	s20 =	simm.s32 $0x1A000;
	s3 =	sshrl.u32 s2, $0x3;
	s2 =	sshll.u32 s2, $0xB  }
0xa: {  	s19 =	ssub.s32 s8, s10;
	s5 =	smul.u32 $0x13C00, s3;
	s3 =	rddreg [dreg:$0x2]  }
0xb: {  	_ =	strace $0x8000004A;
	s2 =	sadd.s32 s2, s6;
	s19 =	smax.u32 s19, $0x1  }
0xc: {  	s8 =	sadd.s32 $0x13800, s2;
	s2 =	sadd.s32 s31, s0;
	s0 =	sshrl.u32 s0, $0x3  }
0xd: {  	s16 =	sadd.s32 $0x138000, s3;
	s5 =	sor.u32 s7, s5;
	s7 =	sadd.s32 s26, s3  }
0xe: {  	s2 =	sshrl.u32 s2, $0x3;
	s0 =	sadd.s32 s18, s0;
	s26 =	simm.s32 $0x2  }
0xf: {  	s5 =	sshrl.u32 s5, $0x3;
	s9 =	sadd.s32 $0x2800, s7;
	s10 =	sadd.s32 $0x5000, s7  }
0x10: {  	s11 =	sadd.s32 $0x7800, s7;
	s12 =	sadd.s32 $0xA000, s7;
	s13 =	sadd.s32 $0xC800, s7  }
0x11: {  	s14 =	sadd.s32 $0xF000, s7;
	s15 =	sadd.s32 $0x11800, s7;
	s17 =	sadd.s32 s18, s2  }
0x12: {  	s18 =	sadd.s32 $0x27000, s0;
	s2 =	simm.s32 $0x0;
	s25 =	sadd.s32 s5, s6  }
0x13: {  	s5 =	sadd.s32 $0x23800, s6;
	s6 =	sadd.s32 $0x23E00, s25;
	s25 =	simm.s32 $0x1  }
.LBB2_1:
0x14: {  	[tilespmem:s20], [sflag:$0x1] =	stream.linear.gather [hbm4b:s5+s4], $0x2800, $0x38;
	[tilespmem:$0x1F000] =	vst v63  }
0x15: {  	s0 =	simm.s32 $0x80;
	s21 =	simm.s32 $0x400  }
0x16: {  	[tilespmem:s23], [sflag:$0x2] =	stream.strided.gather [hbm4b:s6+s0], $0x2780, s21, s0, $0x38;
	[tilespmem:$0x1F000] =	vst v63  }
0x17: {  	s31 =	simm.s32 $0x16000  }
0x18: {  	[tilespmem:s31], [sflag:$0x2] =	stream.linear.gather [hbm4b:s8+s4], $0x3E80, $0x38;
	[tilespmem:$0x1F000] =	vst v63  }
0x19: {  	_ =	swait.ge [sflag:s25], $0x2800  }
0x1a: {  	[sflag:s25] =	ssyncset.done $0x0  }
0x1b: {  	[sflag:s25] =	ssyncadd.s32 $0xFFFFD800  }
0x1c: {  	[spmem:s7] =	stream.linear.scatter [tilespmem:s20], [sflag:$0x1], $0x2800, $0x38;
	[tilespmem:$0x1F000] =	vst v63  }
0x1d: {  	_ = 	snop  }
0x1e: {  	[spmem:s9] =	stream.linear.scatter [tilespmem:s20], [sflag:$0x1], $0x2800, $0x38;
	[tilespmem:$0x1F000] =	vst v63  }
0x1f: {  	_ = 	snop  }
0x20: {  	[spmem:s10] =	stream.linear.scatter [tilespmem:s20], [sflag:$0x1], $0x2800, $0x38;
	[tilespmem:$0x1F000] =	vst v63  }
0x21: {  	_ = 	snop  }
0x22: {  	[spmem:s11] =	stream.linear.scatter [tilespmem:s20], [sflag:$0x1], $0x2800, $0x38;
	[tilespmem:$0x1F000] =	vst v63  }
0x23: {  	_ = 	snop  }
0x24: {  	[spmem:s12] =	stream.linear.scatter [tilespmem:s20], [sflag:$0x1], $0x2800, $0x38;
	[tilespmem:$0x1F000] =	vst v63  }
0x25: {  	_ = 	snop  }
0x26: {  	[spmem:s13] =	stream.linear.scatter [tilespmem:s20], [sflag:$0x1], $0x2800, $0x38;
	[tilespmem:$0x1F000] =	vst v63  }
0x27: {  	_ = 	snop  }
0x28: {  	[spmem:s14] =	stream.linear.scatter [tilespmem:s20], [sflag:$0x1], $0x2800, $0x38;
	[tilespmem:$0x1F000] =	vst v63  }
0x29: {  	_ = 	snop  }
0x2a: {  	[spmem:s15] =	stream.linear.scatter [tilespmem:s20], [sflag:$0x1], $0x2000, $0x38;
	[tilespmem:$0x1F000] =	vst v63  }
0x2b: {  	s0 =	simm.s32 @!p0 $0x1A000  }
0x2c: {  	[spmem:s16] =	stream.linear.scatter @!p0 [tilespmem:s0], [sflag:$0x1], $0x800, $0x38;
	[tilespmem:$0x1F000] =	vst v63  }
0x2d: {  	s0 =	simm.s32 @!p0 $0x1  }
0x2e: {  	_ =	swait.ge @!p0 [sflag:s0], $0x800  }
0x2f: {  	[sflag:s0] =	ssyncset.done @!p0 $0x0  }
0x30: {  	[sflag:s0] =	ssyncadd.s32 @!p0 $0xFFFFF800  }
0x31: {  	_ =	swait.ge [sflag:s25], $0x2800  }
0x32: {  	[sflag:s25] =	ssyncset.done $0x0  }
0x33: {  	[sflag:s25] =	ssyncadd.s32 $0xFFFFD800  }
0x34: {  	_ =	swait.ge [sflag:s25], $0x2800  }
0x35: {  	[sflag:s25] =	ssyncset.done $0x0  }
0x36: {  	[sflag:s25] =	ssyncadd.s32 $0xFFFFD800  }
0x37: {  	_ =	swait.ge [sflag:s25], $0x2800  }
0x38: {  	[sflag:s25] =	ssyncset.done $0x0  }
0x39: {  	[sflag:s25] =	ssyncadd.s32 $0xFFFFD800  }
0x3a: {  	_ =	swait.ge [sflag:s25], $0x2800  }
0x3b: {  	[sflag:s25] =	ssyncset.done $0x0  }
0x3c: {  	[sflag:s25] =	ssyncadd.s32 $0xFFFFD800  }
0x3d: {  	_ =	swait.ge [sflag:s25], $0x2800  }
0x3e: {  	[sflag:s25] =	ssyncset.done $0x0  }
0x3f: {  	[sflag:s25] =	ssyncadd.s32 $0xFFFFD800  }
0x40: {  	_ =	swait.ge [sflag:s25], $0x2800  }
0x41: {  	[sflag:s25] =	ssyncset.done $0x0  }
0x42: {  	[sflag:s25] =	ssyncadd.s32 $0xFFFFD800  }
0x43: {  	_ =	swait.ge [sflag:s25], $0x2800  }
0x44: {  	[sflag:s25] =	ssyncset.done $0x0  }
0x45: {  	[sflag:s25] =	ssyncadd.s32 $0xFFFFD800  }
0x46: {  	_ =	swait.ge [sflag:s25], $0x2000  }
0x47: {  	[sflag:s25] =	ssyncset.done $0x0  }
0x48: {  	[sflag:s25] =	ssyncadd.s32 $0xFFFFE000  }
0x49: {  	_ =	swait.ge [sflag:s26], $0x2780  }
0x4a: {  	[sflag:s26] =	ssyncset.done $0x0  }
0x4b: {  	[sflag:s26] =	ssyncadd.s32 $0xFFFFD880  }
0x4c: {  	_ =	swait.ge [sflag:s26], $0x3E80  }
0x4d: {  	[sflag:s26] =	ssyncset.done $0x0  }
0x4e: {  	[sflag:s26] =	ssyncadd.s32 $0xFFFFC180  }
0x4f: {  	[bflag:$0x0] =	sbarrier.arrive $0xFFFF  }
0x50: {  	[tilespmem:s20], [sflag:$0x1] =	stream.indirect.gather [hbm4b:s1+s28], $0x80, s23, s28, $0xb8;
	[tilespmem:$0x1F000] =	vst v63  }
0x51: {  	s21 =	simm.s32 $0x138D0  }
0x52: {  	[tilespmem:s29], [sflag:$0x2] =	stream.indirect.gather [hbm4b:s1+s28], $0x80, s21, s28, $0xb8;
	[tilespmem:$0x1F000] =	vst v63  }
0x53: {  	_ =	swait.ge [sflag:s25], $0x2800  }
0x54: {  	[sflag:s25] =	ssyncset.done $0x0  }
0x55: {  	s22 =	simm.s32 $0x16000;
	[sflag:s25] =	ssyncadd.s32 $0xFFFFD800  }
0x56: {  	[spmem:s3] =	stream.indirect.scatter.add.f32 [tilespmem:s20], [sflag:$0x3], $0x80, s22, s28, $0xb8;
	[tilespmem:$0x1F000] =	vst v63  }
0x57: {  	_ =	swait.ge [sflag:s30], $0x2800  }
0x58: {  	[sflag:s30] =	ssyncset.done $0x0  }
0x59: {  	s24 =	simm.s32 $0x13920;
	[sflag:s30] =	ssyncadd.s32 $0xFFFFD800  }
0x5a: {  	[tilespmem:s20], [sflag:$0x1] =	stream.indirect.gather [hbm4b:s1+s28], $0x80, s24, s28, $0xb8;
	[tilespmem:$0x1F000] =	vst v63  }
0x5b: {  	_ =	swait.ge [sflag:s26], $0x2800  }
0x5c: {  	[sflag:s26] =	ssyncset.done $0x0  }
0x5d: {  	s31 =	simm.s32 $0x16080;
	[sflag:s26] =	ssyncadd.s32 $0xFFFFD800  }
0x5e: {  	[spmem:s3] =	stream.indirect.scatter.add.f32 [tilespmem:s29], [sflag:$0x3], $0x80, s31, s28, $0xb8;
	[tilespmem:$0x1F000] =	vst v63  }
0x5f: {  	s0 =	simm.s32 $0x139C0;
	_ =	swait.ge [sflag:s30], $0x2800  }
0x60: {  	s21 =	simm.s32 $0x400;
	s22 =	simm.s32 $0x800;
	[sflag:s30] =	ssyncset.done $0x0  }
.LBB2_2:
0x61: {  	p1 =	sne.s32 s22, $0xF400;
	s24 =	sadd.s32 $0xFFFFFFB0, s0;
	[sflag:s30] =	ssyncadd.s32 $0xFFFFD800  }
0x62: {  	[tilespmem:s29], [sflag:$0x2] =	stream.indirect.gather [hbm4b:s1+s28], $0x80, s24, s28, $0xb8;
	[tilespmem:$0x1F000] =	vst v63  }
0x63: {  	s24 =	smov.u32 s22;
	s22 =	sadd.s32 $0x400, s22;
	_ =	swait.ge [sflag:s25], $0x2800  }
0x64: {  	s31 =	sshra.s32 s21, $0x2;
	s21 =	smov.u32 s24;
	[sflag:s25] =	ssyncset.done $0x0  }
0x65: {  	s24 =	sadd.s32 $0x16000, s31;
	[sflag:s25] =	ssyncadd.s32 $0xFFFFD800  }
0x66: {  	[spmem:s3] =	stream.indirect.scatter.add.f32 [tilespmem:s20], [sflag:$0x3], $0x80, s24, s28, $0xb8;
	[tilespmem:$0x1F000] =	vst v63  }
0x67: {  	_ =	swait.ge [sflag:s30], $0x2800  }
0x68: {  	[sflag:s30] =	ssyncset.done $0x0  }
0x69: {  	[sflag:s30] =	ssyncadd.s32 $0xFFFFD800  }
0x6a: {  	[tilespmem:s20], [sflag:$0x1] =	stream.indirect.gather [hbm4b:s1+s28], $0x80, s0, s28, $0xb8;
	[tilespmem:$0x1F000] =	vst v63  }
0x6b: {  	_ =	swait.ge [sflag:s26], $0x2800  }
.Ltmp0:
0x6c: {  	[sflag:s26] =	ssyncset.done $0x0;
	(pc) =	sbr.rel @p1 .LBB2_2-.Ltmp0, $4  }
0x6d: {  	s24 =	sadd.s32 $0x16080, s31;
	[sflag:s26] =	ssyncadd.s32 $0xFFFFD800  }
0x6e: {  	[spmem:s3] =	stream.indirect.scatter.add.f32 [tilespmem:s29], [sflag:$0x3], $0x80, s24, s28, $0xb8;
	[tilespmem:$0x1F000] =	vst v63  }
0x6f: {  	_ =	swait.ge [sflag:s30], $0x2800  }
0x70: {  	s0 =	sadd.s32 $0xA0, s0;
	[sflag:s30] =	ssyncset.done $0x0  }
0x71: {  	s22 =	sadd.s32 $0xFFFFFFB0, s0;
	[sflag:s30] =	ssyncadd.s32 $0xFFFFD800  }
0x72: {  	[tilespmem:s29], [sflag:$0x2] =	stream.indirect.gather [hbm4b:s1+s28], $0x80, s22, s28, $0xb8;
	[tilespmem:$0x1F000] =	vst v63  }
0x73: {  	_ =	swait.ge [sflag:s25], $0x2800  }
0x74: {  	s21 =	sshra.s32 s21, $0x2;
	[sflag:s25] =	ssyncset.done $0x0  }
0x75: {  	s31 =	sadd.s32 $0x16000, s21;
	[sflag:s25] =	ssyncadd.s32 $0xFFFFD800  }
0x76: {  	[spmem:s3] =	stream.indirect.scatter.add.f32 [tilespmem:s20], [sflag:$0x3], $0x80, s31, s28, $0xb8;
	[tilespmem:$0x1F000] =	vst v63  }
0x77: {  	_ =	swait.ge [sflag:s30], $0x2800  }
0x78: {  	[sflag:s30] =	ssyncset.done $0x0  }
0x79: {  	[sflag:s30] =	ssyncadd.s32 $0xFFFFD800  }
0x7a: {  	[tilespmem:s20], [sflag:$0x1] =	stream.indirect.gather [hbm4b:s1+s28], $0x80, s0, s28, $0xb8;
	[tilespmem:$0x1F000] =	vst v63  }
0x7b: {  	_ =	swait.ge [sflag:s26], $0x2800  }
0x7c: {  	[sflag:s26] =	ssyncset.done $0x0  }
0x7d: {  	s21 =	sadd.s32 $0x16080, s21;
	[sflag:s26] =	ssyncadd.s32 $0xFFFFD800  }
0x7e: {  	[spmem:s3] =	stream.indirect.scatter.add.f32 [tilespmem:s29], [sflag:$0x3], $0x80, s21, s28, $0xb8;
	[tilespmem:$0x1F000] =	vst v63  }
0x7f: {  	_ =	swait.ge [sflag:s30], $0x2800  }
0x80: {  	[sflag:s30] =	ssyncset.done $0x0  }
0x81: {  	[sflag:s30] =	ssyncadd.s32 $0xFFFFD800  }
0x82: {  	_ =	swait.ge [sflag:s25], $0x2800  }
0x83: {  	[sflag:s25] =	ssyncset.done $0x0  }
0x84: {  	s22 =	simm.s32 $0x19E00;
	[sflag:s25] =	ssyncadd.s32 $0xFFFFD800  }
0x85: {  	[spmem:s3] =	stream.indirect.scatter.add.f32 [tilespmem:s20], [sflag:$0x3], $0x80, s22, s28, $0xb8;
	[tilespmem:$0x1F000] =	vst v63  }
0x86: {  	_ =	swait.ge [sflag:s30], $0x2800  }
0x87: {  	s24 =	stileid.u32;
	[sflag:s30] =	ssyncset.done $0x0  }
0x88: {  	s0 =	sshll.u32 s24, $0x6;
	[sflag:s30] =	ssyncadd.s32 $0xFFFFD800  }
0x89: {  	s31 =	sshrl.u32 s7, $0x3;
	s0 =	sor.u32 $0x1C03, s0;
	[bflag:$0x0] =	sbarrier.arrive $0xFFFF  }
0x8a: {  	[hbm:s17], [sflag:s0] =	dma.local [spmem:s31], $0x2700  }
0x8b: {  	_ =	swait.ge [sflag:s30], $0x2700  }
0x8c: {  	s2 =	sadd.s32 $0x1, s2;
	[sflag:s30] =	ssyncset.done $0x0  }
0x8d: {  	p1 =	sne.s32 s2, s19;
	s21 =	sshrl.u32 @!p0 s16, $0x3;
	[sflag:s30] =	ssyncadd.s32 $0xFFFFD900  }
0x8e: {  	[hbm:s18], [sflag:s0] =	dma.local @!p0 [spmem:s21], $0x100  }
.Ltmp1:
0x8f: {  	_ = 	snop;
	(pc) =	sbr.rel @p1 .LBB2_1-.Ltmp1, $4  }
0x90: {  	s0 =	simm.s32 @!p0 $0x3  }
0x91: {  	_ =	swait.ge @!p0 [sflag:s0], $0x100  }
0x92: {  	[sflag:s0] =	ssyncset.done @!p0 $0x0  }
0x93: {  	[sflag:s0] =	ssyncadd.s32 @!p0 $0xFFFFFF00  }
0x94: {  	_ =	sfence.sel $0x180000  }
0x95: {  	[bflag:$0x0] =	sbarrier.arrive $0xFFFF  }
0x96: {  	_ =	strace $0x9000004A  }
0x97: {  	[bflag:$0x2] =	sbarrier.arrive $0xFFFF  }
0x98: {  	s0 =	rddreg [dreg:$0x3]  }
0x99: {  	s0 =	sadd.s32 @!p0 $0x100000, s0  }
0x9a: {  	[sflag:s0] =	ssyncadd.tile.s32 @!p0 $0x1;
	_ =	shalt  }
.Lfunc_end2:
_tile_overlayer_lowered:
.L_overlay_start_2:
0x9b: {  	(tag) =	ssettag $0x2  }
0x9c: {  	s0 =	rddreg [dreg:$0x0];
	s2 =	stileid.u32  }
0x9d: {  	s1 =	rddreg [dreg:$0x1];
	p0 =	sne.s32 s2, $0x0  }
0x9e: {  	s3 =	rddreg [dreg:$0x2];
	[bflag:$0x3] =	sbarrier.arrive $0xFFFF;
	s2 =	simm.s32 @!p0 $0x1C03  }
0x9f: {  	[timem:s3], [sflag:s2] =	dma.local @!p0 [hbm:s0], s1  }
0xa0: {  	s0 =	simm.s32 @!p0 $0x3  }
0xa1: {  	_ =	swait.ge @!p0 [sflag:s0], s1  }
0xa2: {  	s1 =	ssub.s32 @!p0 $0x0, s1;
	[sflag:s0] =	ssyncset.done @!p0 $0x0  }
0xa3: {  	[sflag:s0] =	ssyncadd.s32 @!p0 s1  }
0xa4: {  	[bflag:$0x3] =	sbarrier.arrive $0xFFFF  }
0xa5: {  	_ =	shalt  }

// kernel: kernel.17.cloned.1.call-start
scs
__scs_entry_jumppad:
0x0: {  	(pc) =	sbr.rel $0x88, $3  }
0x1: {  	(tag) =	ssettag $0x0;
	lr =	simm.s32 $0x1  }
0x2: {  	[smem:$0x3F97] =	sst lr;
	_ =	strace $0xD0000000  }
0x3: {  	_ = 	snop  }
0x4: {  	_ = 	snop  }
0x5: {  	_ = 	snop  }
0x6: {  	_ = 	snop  }
0x7: {  	_ = 	snop  }
__scs_overlays_trampoline_lowered:
0x8: {  	[smem:$0x3FA6] =	sst s0  }
0x9: {  	[smem:$0x3FA7] =	sst s1  }
0xa: {  	[smem:$0x3FA8] =	sst s2  }
0xb: {  	[smem:$0x3FA9] =	sst s3  }
0xc: {  	[smem:$0x3FAA] =	sst s4  }
0xd: {  	[smem:$0x3FAB] =	sst s5  }
0xe: {  	[smem:$0x3FAC] =	sst s6  }
0xf: {  	[smem:$0x3FAD] =	sst s7  }
0x10: {  	[smem:$0x3FAE] =	sst s8  }
0x11: {  	[smem:$0x3FAF] =	sst s9;
	s0 =	simm.s32 @!p0 $0x0  }
0x12: {  	s1 =	sld [smem:$0x3F95];
	s0 =	simm.s32 @p0 $0x1  }
0x13: {  	[smem:$0x3FB0] =	sst s0;
	s0 =	simm.s32 @!p1 $0x0  }
0x14: {  	s2 =	sld [smem:$0x3F94];
	s0 =	simm.s32 @p1 $0x1  }
0x15: {  	[smem:$0x3FB1] =	sst s0;
	s0 =	simm.s32 @!p2 $0x0  }
0x16: {  	s3 =	sld [smem:$0x3FDB];
	s0 =	simm.s32 @p2 $0x1  }
0x17: {  	s4 =	simm.s32 $0x1BF5;
	[smem:$0x3FB3] =	sst s0  }
0x18: {  	s0 =	sld [smem:$0x3F96];
	_ =	swait.ge [sflag:s4], $0x0  }
0x19: {  	s7 =	sld [smem:$0x3F97]  }
0x1a: {  	s8 =	sadd.s32 $0xFFFFE003, lr  }
0x1b: {  	s9 =	sadd.s32 $0xFFFFFEF7, lr;
	s5 =	simm.s32 $0xFFFFFFFF;
	p2 =	slt.u32 s8, $0xFFFFF086  }
0x1c: {  	p1 =	slt.u32 s9, $0xF7A;
	s5 =	simm.s32 @!p2 $0x0  }
0x1d: {  	s5 =	simm.s32 @p1 $0x1;
	p0 =	seq.s32 s7, s2  }
0x1e: {  	s7 =	smul.u32 @!p0 $0xF7A, s2;
	p2 =	seq.s32 @!p0 s5, $0x0  }
0x1f: {  	s9 =	smul.u32 $0xF7A, s1;
	s8 =	simm.s32 @!p0 $0x1BF5;
	p2 =	por !p2, p0  }
0x20: {  	[sflag:s8] =	ssyncset.s32 @!p0 $0xFFFFF086;
	s6 =	sadd.s32 @!p0 s3, s7;
	s7 =	simm.s32 @!p0 $0x108  }
0x21: {  	s3 =	sadd.s32 s3, s9;
	s6 =	sadd.s32 @!p0 $0x88, s6;
	s7 =	simm.s32 @p2 $0x1082  }
0x22: {  	[simem:s7], [sflag:s8] =	dma.local @!p0 [hbm:s6], $0xF7A  }
0x23: {  	s9 =	sor.u32 $0xD0000000, s2;
	s6 =	simm.s32 $0x108;
	_ =	swait.ge @!p0 [sflag:s8], $0x0  }
0x24: {  	s3 =	sadd.s32 $0x88, s3;
	s6 =	simm.s32 @!p1 $0x1082;
	[sflag:s4] =	ssyncset.s32 $0xFFFFF086  }
0x25: {  	[simem:s6], [sflag:s4] =	dma.local [hbm:s3], $0xF7A  }
0x26: {  	[smem:$0x3F97] =	sst s1;
	(tag) =	ssettag s2;
	_ =	strace s9  }
0x27: {  	s1 =	sld [smem:$0x3FA7]  }
0x28: {  	s2 =	sld [smem:$0x3FA8]  }
0x29: {  	s4 =	sld [smem:$0x3FAA]  }
0x2a: {  	p0 =	seq.s32 s5, $0x0;
	s5 =	sld [smem:$0x3FAB]  }
0x2b: {  	s6 =	sld [smem:$0x3FAC]  }
0x2c: {  	s7 =	sld [smem:$0x3FAD]  }
0x2d: {  	s3 =	simm.s32 $0x108;
	s8 =	sld [smem:$0x3FAE]  }
0x2e: {  	s3 =	simm.s32 @!p0 $0x1082;
	s9 =	sld [smem:$0x3FAF]  }
0x2f: {  	lr =	sadd.s32 s0, s3;
	s0 =	sld [smem:$0x3FA6]  }
0x30: {  	s3 =	sld [smem:$0x3FA9]  }
0x31: {  	[smem:$0x3FB2] =	sst s10  }
0x32: {  	s10 =	sld [smem:$0x3FB0];
	_ =	sdelay $0x3  }
0x33: {  	p0 =	seq.s32 s10, $0x1;
	s10 =	sld [smem:$0x3FB2];
	_ =	sdelay $0x3  }
0x34: {  	[smem:$0x3FB2] =	sst s10  }
0x35: {  	s10 =	sld [smem:$0x3FB1];
	_ =	sdelay $0x3  }
0x36: {  	p1 =	seq.s32 s10, $0x1;
	s10 =	sld [smem:$0x3FB2];
	_ =	sdelay $0x3  }
0x37: {  	[smem:$0x3FB2] =	sst s10  }
0x38: {  	s10 =	sld [smem:$0x3FB3]  }
0x39: {  	_ = 	snop;
	(pc) =	sbr.ind lr, $3  }
0x3a: {  	_ = 	snop  }
0x3b: {  	_ = 	snop  }
0x3c: {  	p2 =	seq.s32 s10, $0x1;
	s10 =	sld [smem:$0x3FB2]  }
0x3d: {  	_ =	shalt  }
0x3e: {  	_ =	shalt  }
0x3f: {  	_ =	shalt  }
0x40: {  	_ =	shalt  }
0x41: {  	_ =	shalt  }
0x42: {  	_ =	shalt  }
0x43: {  	_ =	shalt  }
0x44: {  	_ =	shalt  }
0x45: {  	_ =	shalt  }
0x46: {  	_ =	shalt  }
0x47: {  	_ =	shalt  }
0x48: {  	_ =	shalt  }
0x49: {  	_ =	shalt  }
0x4a: {  	_ =	shalt  }
0x4b: {  	_ =	shalt  }
0x4c: {  	_ =	shalt  }
0x4d: {  	_ =	shalt  }
0x4e: {  	_ =	shalt  }
0x4f: {  	_ =	shalt  }
0x50: {  	_ =	shalt  }
0x51: {  	_ =	shalt  }
0x52: {  	_ =	shalt  }
0x53: {  	_ =	shalt  }
0x54: {  	_ =	shalt  }
0x55: {  	_ =	shalt  }
0x56: {  	_ =	shalt  }
0x57: {  	_ =	shalt  }
0x58: {  	_ =	shalt  }
0x59: {  	_ =	shalt  }
0x5a: {  	_ =	shalt  }
0x5b: {  	_ =	shalt  }
0x5c: {  	_ =	shalt  }
0x5d: {  	_ =	shalt  }
0x5e: {  	_ =	shalt  }
0x5f: {  	_ =	shalt  }
0x60: {  	_ =	shalt  }
0x61: {  	_ =	shalt  }
0x62: {  	_ =	shalt  }
0x63: {  	_ =	shalt  }
0x64: {  	_ =	shalt  }
0x65: {  	_ =	shalt  }
0x66: {  	_ =	shalt  }
0x67: {  	_ =	shalt  }
0x68: {  	_ =	shalt  }
0x69: {  	_ =	shalt  }
0x6a: {  	_ =	shalt  }
0x6b: {  	_ =	shalt  }
0x6c: {  	_ =	shalt  }
0x6d: {  	_ =	shalt  }
0x6e: {  	_ =	shalt  }
0x6f: {  	_ =	shalt  }
0x70: {  	_ =	shalt  }
0x71: {  	_ =	shalt  }
0x72: {  	_ =	shalt  }
0x73: {  	_ =	shalt  }
0x74: {  	_ =	shalt  }
0x75: {  	_ =	shalt  }
0x76: {  	_ =	shalt  }
0x77: {  	_ =	shalt  }
0x78: {  	_ =	shalt  }
0x79: {  	_ =	shalt  }
0x7a: {  	_ =	shalt  }
0x7b: {  	_ =	shalt  }
0x7c: {  	_ =	shalt  }
0x7d: {  	_ =	shalt  }
0x7e: {  	_ =	shalt  }
0x7f: {  	_ =	shalt  }
0x80: {  	_ =	shalt  }
0x81: {  	_ =	shalt  }
0x82: {  	_ =	shalt  }
0x83: {  	_ =	shalt  }
0x84: {  	_ =	shalt  }
0x85: {  	_ =	shalt  }
0x86: {  	_ =	shalt  }
0x87: {  	_ =	shalt  }
.Lfunc_end0:
.L_simem_size_0:
called_computation.2_lowered:
.L_overlay_start_0:
0x88: {  	s2 =	sld [smem:$0x3FD9]  }
0x89: {  	s3 =	sld [smem:$0x3FFE];
	_ =	sdelay $0x1  }
0x8a: {  	s1 =	srdreg.scid  }
0x8b: {  	s0 =	sand.u32 $0x1, s1  }
0x8c: {  	s17 =	sshll.u32 s0, $0xA;
	s2 =	sadd.s32 s3, s2  }
0x8d: {  	s2 =	sadd.s32 s2, s17  }
0x8e: {  	[smem:$0x3FBE] =	sst s2  }
0x8f: {  	_ = 	snop  }
0x90: {  	s2 =	sld [smem:$0x3FD0];
	(tm) =	ssettm $0x1  }
0x91: {  	s18 =	sld [smem:$0x3FFB];
	_ =	sdelay $0x3  }
0x92: {  	_ =	strace s18  }
0x93: {  	s3 =	sld [smem:$0x3FFC];
	_ =	sdelay $0x3  }
0x94: {  	_ =	strace s3  }
0x95: {  	s3 =	sld [smem:$0x3FFD];
	_ =	sdelay $0x3  }
0x96: {  	_ =	strace s3  }
0x97: {  	_ =	strace $0x8FFFFFFF  }
0x98: {  	s19 =	sld [smem:$0x3FDB];
	_ =	sdelay $0x1  }
0x99: {  	s4 =	simm.s32 $_scs_section_size  }
0x9a: {  	s5 =	simm.s32 $_size__tile_overlayer_lowered;
	s6 =	simm.s32 $_tile_overlayer_lowered  }
0x9b: {  	s22 =	simm.s32 $0x1BFF;
	s21 =	sshll.u32 s6, $0x1;
	s3 =	sadd.s32 s4, s19  }
0x9c: {  	s7 =	simm.s32 $0x0;
	s20 =	sshll.u32 s5, $0x1;
	s5 =	sadd.s32 s21, s3  }
0x9d: {  	[timem:s7], [sflag:s22] =	dma.local [hbm:s5], s20  }
0x9e: {  	_ =	swait.ge [sflag:s22], s20  }
0x9f: {  	s4 =	ssub.s32 $0x0, s20;
	[sflag:s22] =	ssyncset.done $0x0  }
0xa0: {  	[sflag:s22] =	ssyncadd.s32 s4;
	_ =	sdelay $0x1  }
0xa1: {  	s23 =	simm.s32 $0x1B8B  }
0xa2: {  	_ =	swait.ge [sflag:s23], $0x1  }
0xa3: {  	[sflag:s23] =	ssyncset.done $0x0  }
0xa4: {  	s25 =	simm.s32 $0x1B8E;
	s24 =	sld [smem:$0x3FFE];
	[sflag:s23] =	ssyncadd.s32 $0xFFFFFFFF  }
0xa5: {  	s26 =	simm.s32 $execute0_lowered;
	[smem:$0x3FD2] =	sst s25  }
0xa6: {  	s5 =	sshll.u32 s26, $0x1;
	_ =	strace $0x8000004C;
	[dreg:$0x1] =	wrdreg $0xFFFFFFFF  }
0xa7: {  	s28 =	simm.s32 $_size_execute0_lowered;
	s3 =	sadd.s32 s3, s5;
	[dreg:$0x0] =	wrdreg $0x0  }
0xa8: {  	s5 =	sshll.u32 s28, $0x1;
	[dreg:$0x2] =	wrdreg s3  }
0xa9: {  	[dreg:$0x3] =	wrdreg s5  }
0xaa: {  	[dreg:$0x4] =	wrdreg $0xC0  }
0xab: {  	_ =	task [dreg:s7], $0x5FFFF  }
0xac: {  	[dreg:$0x1] =	wrdreg $0xFFFFFFFF  }
0xad: {  	[dreg:$0x0] =	wrdreg $0x60  }
0xae: {  	[dreg:$0x2] =	wrdreg s2  }
0xaf: {  	[dreg:$0x3] =	wrdreg s24  }
0xb0: {  	[dreg:$0x4] =	wrdreg $0x0  }
0xb1: {  	[dreg:$0x5] =	wrdreg $0x9  }
0xb2: {  	_ =	task.clear_ibuf [dreg:s7], $0x6FFFF;
	_ =	strace $0x9000004C  }
0xb3: {  	s29 =	simm.s32 $0x9;
	_ =	strace $0x8000004E  }
0xb4: {  	_ =	swait.ge [sflag:s29], $0x1  }
0xb5: {  	[sflag:s29] =	ssyncadd.s32 $0xFFFFFFFF  }
0xb6: {  	_ =	strace $0x9000004E  }
0xb7: {  	_ =	sfence  }
0xb8: {  	s30 =	sld [smem:$0x0];
	_ =	sdelay $0x2  }
0xb9: {  	s31 =	sshll.u32 s1, $0xD;
	s1 =	sshrl.u32 s1, $0x2  }
0xba: {  	s3 =	sand.u32 $0x4000, s31;
	s1 =	sadd.s32 s1, s30  }
0xbb: {  	s0 =	sor.u32 s3, s0;
	s1 =	sshll.u32 s1, $0x11  }
0xbc: {  	s0 =	sor.u32 s1, s0  }
0xbd: {  	s0 =	sadd.s32 $0x8F2B, s0  }
0xbe: {  	[sflag:s0] =	ssyncadd.remote.s32 $0x1  }
0xbf: {  	_ =	sfence.sel $0xFFFF  }
0xc0: {  	[dreg:$0x0] =	wrdreg $0xFFFFFFFF;
	(pc) =	sbr.abs _section_cstart, $3  }
0xc1: {  	[dreg:$0x1] =	wrdreg $0xFFFFFFFF  }
0xc2: {  	_ =	task.clear_ibuf [dreg:s7], $0x2FFFF;
	_ =	strace $0x9FFFFFFF  }
0xc3: {  	(tm) =	ssettm $0x7FFFFFFF  }
tec
execute0_lowered:
.L_overlay_start_1:
0x0: {  	(tag) =	ssettag $0x1  }
0x1: {  	s0 =	srdreg.scid;
	s20 =	stileid.u32  }
0x2: {  	s6 =	rddreg [dreg:$0x1];
	s23 =	simm.s32 $0x13880;
	s28 =	simm.s32 $0x50  }
0x3: {  	s29 =	simm.s32 $0x1C800;
	s30 =	simm.s32 $0x3;
	s0 =	sand.u32 $0x1, s0  }
0x4: {  	s4 =	sshll.u32 s20, $0x7;
	s9 =	smul.u32 $0x4E000, s20;
	s18 =	sadd.s32 $0x37A00, s6  }
0x5: {  	s31 =	smul.u32 $0x13800, s20;
	p0 =	sne.s32 s20, $0x0;
	s1 =	sshll.u32 s0, $0x4  }
0x6: {  	s7 =	sand.u32 $0x380, s4;
	s4 =	simm.s32 $0x0;
	s8 =	ssub.s32 $0x2, s0  }
0x7: {  	s0 =	smul.u32 $0x138800, s0;
	s2 =	sor.u32 s20, s1;
	s1 =	rddreg [dreg:$0x0]  }
0x8: {  	[smem:$0x7FF] =	sst s4;
	s10 =	sshrl.u32 s8, $0x1;
	s26 =	sshrl.u32 s9, $0x2  }
0x9: {  	s20 =	simm.s32 $0x1A000;
	s3 =	sshrl.u32 s2, $0x3;
	s2 =	sshll.u32 s2, $0xB  }
0xa: {  	s19 =	ssub.s32 s8, s10;
	s5 =	smul.u32 $0x13C00, s3;
	s3 =	rddreg [dreg:$0x2]  }
0xb: {  	_ =	strace $0x8000004D;
	s2 =	sadd.s32 s2, s6;
	s19 =	smax.u32 s19, $0x1  }
0xc: {  	s8 =	sadd.s32 $0x13800, s2;
	s2 =	sadd.s32 s31, s0;
	s0 =	sshrl.u32 s0, $0x3  }
0xd: {  	s16 =	sadd.s32 $0x138000, s3;
	s5 =	sor.u32 s7, s5;
	s7 =	sadd.s32 s26, s3  }
0xe: {  	s2 =	sshrl.u32 s2, $0x3;
	s0 =	sadd.s32 s18, s0;
	s26 =	simm.s32 $0x2  }
0xf: {  	s5 =	sshrl.u32 s5, $0x3;
	s9 =	sadd.s32 $0x2800, s7;
	s10 =	sadd.s32 $0x5000, s7  }
0x10: {  	s11 =	sadd.s32 $0x7800, s7;
	s12 =	sadd.s32 $0xA000, s7;
	s13 =	sadd.s32 $0xC800, s7  }
0x11: {  	s14 =	sadd.s32 $0xF000, s7;
	s15 =	sadd.s32 $0x11800, s7;
	s17 =	sadd.s32 s18, s2  }
0x12: {  	s18 =	sadd.s32 $0x27000, s0;
	s2 =	simm.s32 $0x0;
	s25 =	sadd.s32 s5, s6  }
0x13: {  	s5 =	sadd.s32 $0x23800, s6;
	s6 =	sadd.s32 $0x23E00, s25;
	s25 =	simm.s32 $0x1  }
.LBB2_1:
0x14: {  	[tilespmem:s20], [sflag:$0x1] =	stream.linear.gather [hbm4b:s5+s4], $0x2800, $0x38;
	[tilespmem:$0x1F000] =	vst v63  }
0x15: {  	s0 =	simm.s32 $0x80;
	s21 =	simm.s32 $0x400  }
0x16: {  	[tilespmem:s23], [sflag:$0x2] =	stream.strided.gather [hbm4b:s6+s0], $0x2780, s21, s0, $0x38;
	[tilespmem:$0x1F000] =	vst v63  }
0x17: {  	s31 =	simm.s32 $0x16000  }
0x18: {  	[tilespmem:s31], [sflag:$0x2] =	stream.linear.gather [hbm4b:s8+s4], $0x3E80, $0x38;
	[tilespmem:$0x1F000] =	vst v63  }
0x19: {  	_ =	swait.ge [sflag:s25], $0x2800  }
0x1a: {  	[sflag:s25] =	ssyncset.done $0x0  }
0x1b: {  	[sflag:s25] =	ssyncadd.s32 $0xFFFFD800  }
0x1c: {  	[spmem:s7] =	stream.linear.scatter [tilespmem:s20], [sflag:$0x1], $0x2800, $0x38;
	[tilespmem:$0x1F000] =	vst v63  }
0x1d: {  	_ = 	snop  }
0x1e: {  	[spmem:s9] =	stream.linear.scatter [tilespmem:s20], [sflag:$0x1], $0x2800, $0x38;
	[tilespmem:$0x1F000] =	vst v63  }
0x1f: {  	_ = 	snop  }
0x20: {  	[spmem:s10] =	stream.linear.scatter [tilespmem:s20], [sflag:$0x1], $0x2800, $0x38;
	[tilespmem:$0x1F000] =	vst v63  }
0x21: {  	_ = 	snop  }
0x22: {  	[spmem:s11] =	stream.linear.scatter [tilespmem:s20], [sflag:$0x1], $0x2800, $0x38;
	[tilespmem:$0x1F000] =	vst v63  }
0x23: {  	_ = 	snop  }
0x24: {  	[spmem:s12] =	stream.linear.scatter [tilespmem:s20], [sflag:$0x1], $0x2800, $0x38;
	[tilespmem:$0x1F000] =	vst v63  }
0x25: {  	_ = 	snop  }
0x26: {  	[spmem:s13] =	stream.linear.scatter [tilespmem:s20], [sflag:$0x1], $0x2800, $0x38;
	[tilespmem:$0x1F000] =	vst v63  }
0x27: {  	_ = 	snop  }
0x28: {  	[spmem:s14] =	stream.linear.scatter [tilespmem:s20], [sflag:$0x1], $0x2800, $0x38;
	[tilespmem:$0x1F000] =	vst v63  }
0x29: {  	_ = 	snop  }
0x2a: {  	[spmem:s15] =	stream.linear.scatter [tilespmem:s20], [sflag:$0x1], $0x2000, $0x38;
	[tilespmem:$0x1F000] =	vst v63  }
0x2b: {  	s0 =	simm.s32 @!p0 $0x1A000  }
0x2c: {  	[spmem:s16] =	stream.linear.scatter @!p0 [tilespmem:s0], [sflag:$0x1], $0x800, $0x38;
	[tilespmem:$0x1F000] =	vst v63  }
0x2d: {  	s0 =	simm.s32 @!p0 $0x1  }
0x2e: {  	_ =	swait.ge @!p0 [sflag:s0], $0x800  }
0x2f: {  	[sflag:s0] =	ssyncset.done @!p0 $0x0  }
0x30: {  	[sflag:s0] =	ssyncadd.s32 @!p0 $0xFFFFF800  }
0x31: {  	_ =	swait.ge [sflag:s25], $0x2800  }
0x32: {  	[sflag:s25] =	ssyncset.done $0x0  }
0x33: {  	[sflag:s25] =	ssyncadd.s32 $0xFFFFD800  }
0x34: {  	_ =	swait.ge [sflag:s25], $0x2800  }
0x35: {  	[sflag:s25] =	ssyncset.done $0x0  }
0x36: {  	[sflag:s25] =	ssyncadd.s32 $0xFFFFD800  }
0x37: {  	_ =	swait.ge [sflag:s25], $0x2800  }
0x38: {  	[sflag:s25] =	ssyncset.done $0x0  }
0x39: {  	[sflag:s25] =	ssyncadd.s32 $0xFFFFD800  }
0x3a: {  	_ =	swait.ge [sflag:s25], $0x2800  }
0x3b: {  	[sflag:s25] =	ssyncset.done $0x0  }
0x3c: {  	[sflag:s25] =	ssyncadd.s32 $0xFFFFD800  }
0x3d: {  	_ =	swait.ge [sflag:s25], $0x2800  }
0x3e: {  	[sflag:s25] =	ssyncset.done $0x0  }
0x3f: {  	[sflag:s25] =	ssyncadd.s32 $0xFFFFD800  }
0x40: {  	_ =	swait.ge [sflag:s25], $0x2800  }
0x41: {  	[sflag:s25] =	ssyncset.done $0x0  }
0x42: {  	[sflag:s25] =	ssyncadd.s32 $0xFFFFD800  }
0x43: {  	_ =	swait.ge [sflag:s25], $0x2800  }
0x44: {  	[sflag:s25] =	ssyncset.done $0x0  }
0x45: {  	[sflag:s25] =	ssyncadd.s32 $0xFFFFD800  }
0x46: {  	_ =	swait.ge [sflag:s25], $0x2000  }
0x47: {  	[sflag:s25] =	ssyncset.done $0x0  }
0x48: {  	[sflag:s25] =	ssyncadd.s32 $0xFFFFE000  }
0x49: {  	_ =	swait.ge [sflag:s26], $0x2780  }
0x4a: {  	[sflag:s26] =	ssyncset.done $0x0  }
0x4b: {  	[sflag:s26] =	ssyncadd.s32 $0xFFFFD880  }
0x4c: {  	_ =	swait.ge [sflag:s26], $0x3E80  }
0x4d: {  	[sflag:s26] =	ssyncset.done $0x0  }
0x4e: {  	[sflag:s26] =	ssyncadd.s32 $0xFFFFC180  }
0x4f: {  	[bflag:$0x0] =	sbarrier.arrive $0xFFFF  }
0x50: {  	[tilespmem:s20], [sflag:$0x1] =	stream.indirect.gather [hbm4b:s1+s28], $0x80, s23, s28, $0xb8;
	[tilespmem:$0x1F000] =	vst v63  }
0x51: {  	s21 =	simm.s32 $0x138D0  }
0x52: {  	[tilespmem:s29], [sflag:$0x2] =	stream.indirect.gather [hbm4b:s1+s28], $0x80, s21, s28, $0xb8;
	[tilespmem:$0x1F000] =	vst v63  }
0x53: {  	_ =	swait.ge [sflag:s25], $0x2800  }
0x54: {  	[sflag:s25] =	ssyncset.done $0x0  }
0x55: {  	s22 =	simm.s32 $0x16000;
	[sflag:s25] =	ssyncadd.s32 $0xFFFFD800  }
0x56: {  	[spmem:s3] =	stream.indirect.scatter.add.f32 [tilespmem:s20], [sflag:$0x3], $0x80, s22, s28, $0xb8;
	[tilespmem:$0x1F000] =	vst v63  }
0x57: {  	_ =	swait.ge [sflag:s30], $0x2800  }
0x58: {  	[sflag:s30] =	ssyncset.done $0x0  }
0x59: {  	s24 =	simm.s32 $0x13920;
	[sflag:s30] =	ssyncadd.s32 $0xFFFFD800  }
0x5a: {  	[tilespmem:s20], [sflag:$0x1] =	stream.indirect.gather [hbm4b:s1+s28], $0x80, s24, s28, $0xb8;
	[tilespmem:$0x1F000] =	vst v63  }
0x5b: {  	_ =	swait.ge [sflag:s26], $0x2800  }
0x5c: {  	[sflag:s26] =	ssyncset.done $0x0  }
0x5d: {  	s31 =	simm.s32 $0x16080;
	[sflag:s26] =	ssyncadd.s32 $0xFFFFD800  }
0x5e: {  	[spmem:s3] =	stream.indirect.scatter.add.f32 [tilespmem:s29], [sflag:$0x3], $0x80, s31, s28, $0xb8;
	[tilespmem:$0x1F000] =	vst v63  }
0x5f: {  	s0 =	simm.s32 $0x139C0;
	_ =	swait.ge [sflag:s30], $0x2800  }
0x60: {  	s21 =	simm.s32 $0x400;
	s22 =	simm.s32 $0x800;
	[sflag:s30] =	ssyncset.done $0x0  }
.LBB2_2:
0x61: {  	p1 =	sne.s32 s22, $0xF400;
	s24 =	sadd.s32 $0xFFFFFFB0, s0;
	[sflag:s30] =	ssyncadd.s32 $0xFFFFD800  }
0x62: {  	[tilespmem:s29], [sflag:$0x2] =	stream.indirect.gather [hbm4b:s1+s28], $0x80, s24, s28, $0xb8;
	[tilespmem:$0x1F000] =	vst v63  }
0x63: {  	s24 =	smov.u32 s22;
	s22 =	sadd.s32 $0x400, s22;
	_ =	swait.ge [sflag:s25], $0x2800  }
0x64: {  	s31 =	sshra.s32 s21, $0x2;
	s21 =	smov.u32 s24;
	[sflag:s25] =	ssyncset.done $0x0  }
0x65: {  	s24 =	sadd.s32 $0x16000, s31;
	[sflag:s25] =	ssyncadd.s32 $0xFFFFD800  }
0x66: {  	[spmem:s3] =	stream.indirect.scatter.add.f32 [tilespmem:s20], [sflag:$0x3], $0x80, s24, s28, $0xb8;
	[tilespmem:$0x1F000] =	vst v63  }
0x67: {  	_ =	swait.ge [sflag:s30], $0x2800  }
0x68: {  	[sflag:s30] =	ssyncset.done $0x0  }
0x69: {  	[sflag:s30] =	ssyncadd.s32 $0xFFFFD800  }
0x6a: {  	[tilespmem:s20], [sflag:$0x1] =	stream.indirect.gather [hbm4b:s1+s28], $0x80, s0, s28, $0xb8;
	[tilespmem:$0x1F000] =	vst v63  }
0x6b: {  	_ =	swait.ge [sflag:s26], $0x2800  }
.Ltmp0:
0x6c: {  	[sflag:s26] =	ssyncset.done $0x0;
	(pc) =	sbr.rel @p1 .LBB2_2-.Ltmp0, $4  }
0x6d: {  	s24 =	sadd.s32 $0x16080, s31;
	[sflag:s26] =	ssyncadd.s32 $0xFFFFD800  }
0x6e: {  	[spmem:s3] =	stream.indirect.scatter.add.f32 [tilespmem:s29], [sflag:$0x3], $0x80, s24, s28, $0xb8;
	[tilespmem:$0x1F000] =	vst v63  }
0x6f: {  	_ =	swait.ge [sflag:s30], $0x2800  }
0x70: {  	s0 =	sadd.s32 $0xA0, s0;
	[sflag:s30] =	ssyncset.done $0x0  }
0x71: {  	s22 =	sadd.s32 $0xFFFFFFB0, s0;
	[sflag:s30] =	ssyncadd.s32 $0xFFFFD800  }
0x72: {  	[tilespmem:s29], [sflag:$0x2] =	stream.indirect.gather [hbm4b:s1+s28], $0x80, s22, s28, $0xb8;
	[tilespmem:$0x1F000] =	vst v63  }
0x73: {  	_ =	swait.ge [sflag:s25], $0x2800  }
0x74: {  	s21 =	sshra.s32 s21, $0x2;
	[sflag:s25] =	ssyncset.done $0x0  }
0x75: {  	s31 =	sadd.s32 $0x16000, s21;
	[sflag:s25] =	ssyncadd.s32 $0xFFFFD800  }
0x76: {  	[spmem:s3] =	stream.indirect.scatter.add.f32 [tilespmem:s20], [sflag:$0x3], $0x80, s31, s28, $0xb8;
	[tilespmem:$0x1F000] =	vst v63  }
0x77: {  	_ =	swait.ge [sflag:s30], $0x2800  }
0x78: {  	[sflag:s30] =	ssyncset.done $0x0  }
0x79: {  	[sflag:s30] =	ssyncadd.s32 $0xFFFFD800  }
0x7a: {  	[tilespmem:s20], [sflag:$0x1] =	stream.indirect.gather [hbm4b:s1+s28], $0x80, s0, s28, $0xb8;
	[tilespmem:$0x1F000] =	vst v63  }
0x7b: {  	_ =	swait.ge [sflag:s26], $0x2800  }
0x7c: {  	[sflag:s26] =	ssyncset.done $0x0  }
0x7d: {  	s21 =	sadd.s32 $0x16080, s21;
	[sflag:s26] =	ssyncadd.s32 $0xFFFFD800  }
0x7e: {  	[spmem:s3] =	stream.indirect.scatter.add.f32 [tilespmem:s29], [sflag:$0x3], $0x80, s21, s28, $0xb8;
	[tilespmem:$0x1F000] =	vst v63  }
0x7f: {  	_ =	swait.ge [sflag:s30], $0x2800  }
0x80: {  	[sflag:s30] =	ssyncset.done $0x0  }
0x81: {  	[sflag:s30] =	ssyncadd.s32 $0xFFFFD800  }
0x82: {  	_ =	swait.ge [sflag:s25], $0x2800  }
0x83: {  	[sflag:s25] =	ssyncset.done $0x0  }
0x84: {  	s22 =	simm.s32 $0x19E00;
	[sflag:s25] =	ssyncadd.s32 $0xFFFFD800  }
0x85: {  	[spmem:s3] =	stream.indirect.scatter.add.f32 [tilespmem:s20], [sflag:$0x3], $0x80, s22, s28, $0xb8;
	[tilespmem:$0x1F000] =	vst v63  }
0x86: {  	_ =	swait.ge [sflag:s30], $0x2800  }
0x87: {  	s24 =	stileid.u32;
	[sflag:s30] =	ssyncset.done $0x0  }
0x88: {  	s0 =	sshll.u32 s24, $0x6;
	[sflag:s30] =	ssyncadd.s32 $0xFFFFD800  }
0x89: {  	s31 =	sshrl.u32 s7, $0x3;
	s0 =	sor.u32 $0x1C03, s0;
	[bflag:$0x0] =	sbarrier.arrive $0xFFFF  }
0x8a: {  	[hbm:s17], [sflag:s0] =	dma.local [spmem:s31], $0x2700  }
0x8b: {  	_ =	swait.ge [sflag:s30], $0x2700  }
0x8c: {  	s2 =	sadd.s32 $0x1, s2;
	[sflag:s30] =	ssyncset.done $0x0  }
0x8d: {  	p1 =	sne.s32 s2, s19;
	s21 =	sshrl.u32 @!p0 s16, $0x3;
	[sflag:s30] =	ssyncadd.s32 $0xFFFFD900  }
0x8e: {  	[hbm:s18], [sflag:s0] =	dma.local @!p0 [spmem:s21], $0x100  }
.Ltmp1:
0x8f: {  	_ = 	snop;
	(pc) =	sbr.rel @p1 .LBB2_1-.Ltmp1, $4  }
0x90: {  	s0 =	simm.s32 @!p0 $0x3  }
0x91: {  	_ =	swait.ge @!p0 [sflag:s0], $0x100  }
0x92: {  	[sflag:s0] =	ssyncset.done @!p0 $0x0  }
0x93: {  	[sflag:s0] =	ssyncadd.s32 @!p0 $0xFFFFFF00  }
0x94: {  	_ =	sfence.sel $0x180000  }
0x95: {  	[bflag:$0x0] =	sbarrier.arrive $0xFFFF  }
0x96: {  	_ =	strace $0x9000004D  }
0x97: {  	[bflag:$0x2] =	sbarrier.arrive $0xFFFF  }
0x98: {  	s0 =	rddreg [dreg:$0x3]  }
0x99: {  	s0 =	sadd.s32 @!p0 $0x100000, s0  }
0x9a: {  	[sflag:s0] =	ssyncadd.tile.s32 @!p0 $0x1;
	_ =	shalt  }
.Lfunc_end2:
_tile_overlayer_lowered:
.L_overlay_start_2:
0x9b: {  	(tag) =	ssettag $0x2  }
0x9c: {  	s0 =	rddreg [dreg:$0x0];
	s2 =	stileid.u32  }
0x9d: {  	s1 =	rddreg [dreg:$0x1];
	p0 =	sne.s32 s2, $0x0  }
0x9e: {  	s3 =	rddreg [dreg:$0x2];
	[bflag:$0x3] =	sbarrier.arrive $0xFFFF;
	s2 =	simm.s32 @!p0 $0x1C03  }
0x9f: {  	[timem:s3], [sflag:s2] =	dma.local @!p0 [hbm:s0], s1  }
0xa0: {  	s0 =	simm.s32 @!p0 $0x3  }
0xa1: {  	_ =	swait.ge @!p0 [sflag:s0], s1  }
0xa2: {  	s1 =	ssub.s32 @!p0 $0x0, s1;
	[sflag:s0] =	ssyncset.done @!p0 $0x0  }
0xa3: {  	[sflag:s0] =	ssyncadd.s32 @!p0 s1  }
0xa4: {  	[bflag:$0x3] =	sbarrier.arrive $0xFFFF  }
0xa5: {  	_ =	shalt  }

// kernel: kernel.20.cloned.1.call-start
scs
__scs_entry_jumppad:
0x0: {  	(pc) =	sbr.rel $0x88, $3  }
0x1: {  	(tag) =	ssettag $0x0;
	lr =	simm.s32 $0x1  }
0x2: {  	[smem:$0x3F97] =	sst lr;
	_ =	strace $0xD0000000  }
0x3: {  	_ = 	snop  }
0x4: {  	_ = 	snop  }
0x5: {  	_ = 	snop  }
0x6: {  	_ = 	snop  }
0x7: {  	_ = 	snop  }
__scs_overlays_trampoline_lowered:
0x8: {  	[smem:$0x3FA6] =	sst s0  }
0x9: {  	[smem:$0x3FA7] =	sst s1  }
0xa: {  	[smem:$0x3FA8] =	sst s2  }
0xb: {  	[smem:$0x3FA9] =	sst s3  }
0xc: {  	[smem:$0x3FAA] =	sst s4  }
0xd: {  	[smem:$0x3FAB] =	sst s5  }
0xe: {  	[smem:$0x3FAC] =	sst s6  }
0xf: {  	[smem:$0x3FAD] =	sst s7  }
0x10: {  	[smem:$0x3FAE] =	sst s8  }
0x11: {  	[smem:$0x3FAF] =	sst s9;
	s0 =	simm.s32 @!p0 $0x0  }
0x12: {  	s1 =	sld [smem:$0x3F95];
	s0 =	simm.s32 @p0 $0x1  }
0x13: {  	[smem:$0x3FB0] =	sst s0;
	s0 =	simm.s32 @!p1 $0x0  }
0x14: {  	s2 =	sld [smem:$0x3F94];
	s0 =	simm.s32 @p1 $0x1  }
0x15: {  	[smem:$0x3FB1] =	sst s0;
	s0 =	simm.s32 @!p2 $0x0  }
0x16: {  	s3 =	sld [smem:$0x3FDB];
	s0 =	simm.s32 @p2 $0x1  }
0x17: {  	s4 =	simm.s32 $0x1BF5;
	[smem:$0x3FB3] =	sst s0  }
0x18: {  	s0 =	sld [smem:$0x3F96];
	_ =	swait.ge [sflag:s4], $0x0  }
0x19: {  	s7 =	sld [smem:$0x3F97]  }
0x1a: {  	s8 =	sadd.s32 $0xFFFFE003, lr  }
0x1b: {  	s9 =	sadd.s32 $0xFFFFFEF7, lr;
	s5 =	simm.s32 $0xFFFFFFFF;
	p2 =	slt.u32 s8, $0xFFFFF086  }
0x1c: {  	p1 =	slt.u32 s9, $0xF7A;
	s5 =	simm.s32 @!p2 $0x0  }
0x1d: {  	s5 =	simm.s32 @p1 $0x1;
	p0 =	seq.s32 s7, s2  }
0x1e: {  	s7 =	smul.u32 @!p0 $0xF7A, s2;
	p2 =	seq.s32 @!p0 s5, $0x0  }
0x1f: {  	s9 =	smul.u32 $0xF7A, s1;
	s8 =	simm.s32 @!p0 $0x1BF5;
	p2 =	por !p2, p0  }
0x20: {  	[sflag:s8] =	ssyncset.s32 @!p0 $0xFFFFF086;
	s6 =	sadd.s32 @!p0 s3, s7;
	s7 =	simm.s32 @!p0 $0x108  }
0x21: {  	s3 =	sadd.s32 s3, s9;
	s6 =	sadd.s32 @!p0 $0x88, s6;
	s7 =	simm.s32 @p2 $0x1082  }
0x22: {  	[simem:s7], [sflag:s8] =	dma.local @!p0 [hbm:s6], $0xF7A  }
0x23: {  	s9 =	sor.u32 $0xD0000000, s2;
	s6 =	simm.s32 $0x108;
	_ =	swait.ge @!p0 [sflag:s8], $0x0  }
0x24: {  	s3 =	sadd.s32 $0x88, s3;
	s6 =	simm.s32 @!p1 $0x1082;
	[sflag:s4] =	ssyncset.s32 $0xFFFFF086  }
0x25: {  	[simem:s6], [sflag:s4] =	dma.local [hbm:s3], $0xF7A  }
0x26: {  	[smem:$0x3F97] =	sst s1;
	(tag) =	ssettag s2;
	_ =	strace s9  }
0x27: {  	s1 =	sld [smem:$0x3FA7]  }
0x28: {  	s2 =	sld [smem:$0x3FA8]  }
0x29: {  	s4 =	sld [smem:$0x3FAA]  }
0x2a: {  	p0 =	seq.s32 s5, $0x0;
	s5 =	sld [smem:$0x3FAB]  }
0x2b: {  	s6 =	sld [smem:$0x3FAC]  }
0x2c: {  	s7 =	sld [smem:$0x3FAD]  }
0x2d: {  	s3 =	simm.s32 $0x108;
	s8 =	sld [smem:$0x3FAE]  }
0x2e: {  	s3 =	simm.s32 @!p0 $0x1082;
	s9 =	sld [smem:$0x3FAF]  }
0x2f: {  	lr =	sadd.s32 s0, s3;
	s0 =	sld [smem:$0x3FA6]  }
0x30: {  	s3 =	sld [smem:$0x3FA9]  }
0x31: {  	[smem:$0x3FB2] =	sst s10  }
0x32: {  	s10 =	sld [smem:$0x3FB0];
	_ =	sdelay $0x3  }
0x33: {  	p0 =	seq.s32 s10, $0x1;
	s10 =	sld [smem:$0x3FB2];
	_ =	sdelay $0x3  }
0x34: {  	[smem:$0x3FB2] =	sst s10  }
0x35: {  	s10 =	sld [smem:$0x3FB1];
	_ =	sdelay $0x3  }
0x36: {  	p1 =	seq.s32 s10, $0x1;
	s10 =	sld [smem:$0x3FB2];
	_ =	sdelay $0x3  }
0x37: {  	[smem:$0x3FB2] =	sst s10  }
0x38: {  	s10 =	sld [smem:$0x3FB3]  }
0x39: {  	_ = 	snop;
	(pc) =	sbr.ind lr, $3  }
0x3a: {  	_ = 	snop  }
0x3b: {  	_ = 	snop  }
0x3c: {  	p2 =	seq.s32 s10, $0x1;
	s10 =	sld [smem:$0x3FB2]  }
0x3d: {  	_ =	shalt  }
0x3e: {  	_ =	shalt  }
0x3f: {  	_ =	shalt  }
0x40: {  	_ =	shalt  }
0x41: {  	_ =	shalt  }
0x42: {  	_ =	shalt  }
0x43: {  	_ =	shalt  }
0x44: {  	_ =	shalt  }
0x45: {  	_ =	shalt  }
0x46: {  	_ =	shalt  }
0x47: {  	_ =	shalt  }
0x48: {  	_ =	shalt  }
0x49: {  	_ =	shalt  }
0x4a: {  	_ =	shalt  }
0x4b: {  	_ =	shalt  }
0x4c: {  	_ =	shalt  }
0x4d: {  	_ =	shalt  }
0x4e: {  	_ =	shalt  }
0x4f: {  	_ =	shalt  }
0x50: {  	_ =	shalt  }
0x51: {  	_ =	shalt  }
0x52: {  	_ =	shalt  }
0x53: {  	_ =	shalt  }
0x54: {  	_ =	shalt  }
0x55: {  	_ =	shalt  }
0x56: {  	_ =	shalt  }
0x57: {  	_ =	shalt  }
0x58: {  	_ =	shalt  }
0x59: {  	_ =	shalt  }
0x5a: {  	_ =	shalt  }
0x5b: {  	_ =	shalt  }
0x5c: {  	_ =	shalt  }
0x5d: {  	_ =	shalt  }
0x5e: {  	_ =	shalt  }
0x5f: {  	_ =	shalt  }
0x60: {  	_ =	shalt  }
0x61: {  	_ =	shalt  }
0x62: {  	_ =	shalt  }
0x63: {  	_ =	shalt  }
0x64: {  	_ =	shalt  }
0x65: {  	_ =	shalt  }
0x66: {  	_ =	shalt  }
0x67: {  	_ =	shalt  }
0x68: {  	_ =	shalt  }
0x69: {  	_ =	shalt  }
0x6a: {  	_ =	shalt  }
0x6b: {  	_ =	shalt  }
0x6c: {  	_ =	shalt  }
0x6d: {  	_ =	shalt  }
0x6e: {  	_ =	shalt  }
0x6f: {  	_ =	shalt  }
0x70: {  	_ =	shalt  }
0x71: {  	_ =	shalt  }
0x72: {  	_ =	shalt  }
0x73: {  	_ =	shalt  }
0x74: {  	_ =	shalt  }
0x75: {  	_ =	shalt  }
0x76: {  	_ =	shalt  }
0x77: {  	_ =	shalt  }
0x78: {  	_ =	shalt  }
0x79: {  	_ =	shalt  }
0x7a: {  	_ =	shalt  }
0x7b: {  	_ =	shalt  }
0x7c: {  	_ =	shalt  }
0x7d: {  	_ =	shalt  }
0x7e: {  	_ =	shalt  }
0x7f: {  	_ =	shalt  }
0x80: {  	_ =	shalt  }
0x81: {  	_ =	shalt  }
0x82: {  	_ =	shalt  }
0x83: {  	_ =	shalt  }
0x84: {  	_ =	shalt  }
0x85: {  	_ =	shalt  }
0x86: {  	_ =	shalt  }
0x87: {  	_ =	shalt  }
.Lfunc_end0:
.L_simem_size_0:
called_computation.3_lowered:
.L_overlay_start_0:
0x88: {  	s2 =	sld [smem:$0x3FD9]  }
0x89: {  	s3 =	sld [smem:$0x3FFE];
	_ =	sdelay $0x1  }
0x8a: {  	s1 =	srdreg.scid  }
0x8b: {  	s0 =	sand.u32 $0x1, s1  }
0x8c: {  	s17 =	sshll.u32 s0, $0xA;
	s2 =	sadd.s32 s3, s2  }
0x8d: {  	s2 =	sadd.s32 s2, s17  }
0x8e: {  	[smem:$0x3FBE] =	sst s2  }
0x8f: {  	_ = 	snop  }
0x90: {  	s2 =	sld [smem:$0x3FD0];
	(tm) =	ssettm $0x1  }
0x91: {  	s18 =	sld [smem:$0x3FFB];
	_ =	sdelay $0x3  }
0x92: {  	_ =	strace s18  }
0x93: {  	s3 =	sld [smem:$0x3FFC];
	_ =	sdelay $0x3  }
0x94: {  	_ =	strace s3  }
0x95: {  	s3 =	sld [smem:$0x3FFD];
	_ =	sdelay $0x3  }
0x96: {  	_ =	strace s3  }
0x97: {  	_ =	strace $0x8FFFFFFF  }
0x98: {  	s19 =	sld [smem:$0x3FDB];
	_ =	sdelay $0x1  }
0x99: {  	s4 =	simm.s32 $_scs_section_size  }
0x9a: {  	s5 =	simm.s32 $_size__tile_overlayer_lowered;
	s6 =	simm.s32 $_tile_overlayer_lowered  }
0x9b: {  	s22 =	simm.s32 $0x1BFF;
	s21 =	sshll.u32 s6, $0x1;
	s3 =	sadd.s32 s4, s19  }
0x9c: {  	s7 =	simm.s32 $0x0;
	s20 =	sshll.u32 s5, $0x1;
	s5 =	sadd.s32 s21, s3  }
0x9d: {  	[timem:s7], [sflag:s22] =	dma.local [hbm:s5], s20  }
0x9e: {  	_ =	swait.ge [sflag:s22], s20  }
0x9f: {  	s4 =	ssub.s32 $0x0, s20;
	[sflag:s22] =	ssyncset.done $0x0  }
0xa0: {  	[sflag:s22] =	ssyncadd.s32 s4;
	_ =	sdelay $0x1  }
0xa1: {  	s23 =	simm.s32 $0x1B8B  }
0xa2: {  	_ =	swait.ge [sflag:s23], $0x1  }
0xa3: {  	[sflag:s23] =	ssyncset.done $0x0  }
0xa4: {  	s25 =	simm.s32 $0x1B8E;
	s24 =	sld [smem:$0x3FFE];
	[sflag:s23] =	ssyncadd.s32 $0xFFFFFFFF  }
0xa5: {  	s26 =	simm.s32 $execute0_lowered;
	[smem:$0x3FD2] =	sst s25  }
0xa6: {  	s5 =	sshll.u32 s26, $0x1;
	_ =	strace $0x8000004F;
	[dreg:$0x1] =	wrdreg $0xFFFFFFFF  }
0xa7: {  	s28 =	simm.s32 $_size_execute0_lowered;
	s3 =	sadd.s32 s3, s5;
	[dreg:$0x0] =	wrdreg $0x0  }
0xa8: {  	s5 =	sshll.u32 s28, $0x1;
	[dreg:$0x2] =	wrdreg s3  }
0xa9: {  	[dreg:$0x3] =	wrdreg s5  }
0xaa: {  	[dreg:$0x4] =	wrdreg $0xC0  }
0xab: {  	_ =	task [dreg:s7], $0x5FFFF  }
0xac: {  	[dreg:$0x1] =	wrdreg $0xFFFFFFFF  }
0xad: {  	[dreg:$0x0] =	wrdreg $0x60  }
0xae: {  	[dreg:$0x2] =	wrdreg s2  }
0xaf: {  	[dreg:$0x3] =	wrdreg s24  }
0xb0: {  	[dreg:$0x4] =	wrdreg $0x0  }
0xb1: {  	[dreg:$0x5] =	wrdreg $0x9  }
0xb2: {  	_ =	task.clear_ibuf [dreg:s7], $0x6FFFF;
	_ =	strace $0x9000004F  }
0xb3: {  	s29 =	simm.s32 $0x9;
	_ =	strace $0x80000051  }
0xb4: {  	_ =	swait.ge [sflag:s29], $0x1  }
0xb5: {  	[sflag:s29] =	ssyncadd.s32 $0xFFFFFFFF  }
0xb6: {  	_ =	strace $0x90000051  }
0xb7: {  	_ =	sfence  }
0xb8: {  	s30 =	sld [smem:$0x0];
	_ =	sdelay $0x2  }
0xb9: {  	s31 =	sshll.u32 s1, $0xD;
	s1 =	sshrl.u32 s1, $0x2  }
0xba: {  	s3 =	sand.u32 $0x4000, s31;
	s1 =	sadd.s32 s1, s30  }
0xbb: {  	s0 =	sor.u32 s3, s0;
	s1 =	sshll.u32 s1, $0x11  }
0xbc: {  	s0 =	sor.u32 s1, s0  }
0xbd: {  	s0 =	sadd.s32 $0x8F2B, s0  }
0xbe: {  	[sflag:s0] =	ssyncadd.remote.s32 $0x1  }
0xbf: {  	_ =	sfence.sel $0xFFFF  }
0xc0: {  	[dreg:$0x0] =	wrdreg $0xFFFFFFFF;
	(pc) =	sbr.abs _section_cstart, $3  }
0xc1: {  	[dreg:$0x1] =	wrdreg $0xFFFFFFFF  }
0xc2: {  	_ =	task.clear_ibuf [dreg:s7], $0x2FFFF;
	_ =	strace $0x9FFFFFFF  }
0xc3: {  	(tm) =	ssettm $0x7FFFFFFF  }
tec
execute0_lowered:
.L_overlay_start_1:
0x0: {  	(tag) =	ssettag $0x1  }
0x1: {  	s0 =	srdreg.scid;
	s20 =	stileid.u32  }
0x2: {  	s6 =	rddreg [dreg:$0x1];
	s23 =	simm.s32 $0x13880;
	s28 =	simm.s32 $0x50  }
0x3: {  	s29 =	simm.s32 $0x1C800;
	s30 =	simm.s32 $0x3;
	s0 =	sand.u32 $0x1, s0  }
0x4: {  	s4 =	sshll.u32 s20, $0x7;
	s9 =	smul.u32 $0x4E000, s20;
	s18 =	sadd.s32 $0x37A00, s6  }
0x5: {  	s31 =	smul.u32 $0x13800, s20;
	p0 =	sne.s32 s20, $0x0;
	s1 =	sshll.u32 s0, $0x4  }
0x6: {  	s7 =	sand.u32 $0x380, s4;
	s4 =	simm.s32 $0x0;
	s8 =	ssub.s32 $0x2, s0  }
0x7: {  	s0 =	smul.u32 $0x138800, s0;
	s2 =	sor.u32 s20, s1;
	s1 =	rddreg [dreg:$0x0]  }
0x8: {  	[smem:$0x7FF] =	sst s4;
	s10 =	sshrl.u32 s8, $0x1;
	s26 =	sshrl.u32 s9, $0x2  }
0x9: {  	s20 =	simm.s32 $0x1A000;
	s3 =	sshrl.u32 s2, $0x3;
	s2 =	sshll.u32 s2, $0xB  }
0xa: {  	s19 =	ssub.s32 s8, s10;
	s5 =	smul.u32 $0x13C00, s3;
	s3 =	rddreg [dreg:$0x2]  }
0xb: {  	_ =	strace $0x80000050;
	s2 =	sadd.s32 s2, s6;
	s19 =	smax.u32 s19, $0x1  }
0xc: {  	s8 =	sadd.s32 $0x13800, s2;
	s2 =	sadd.s32 s31, s0;
	s0 =	sshrl.u32 s0, $0x3  }
0xd: {  	s16 =	sadd.s32 $0x138000, s3;
	s5 =	sor.u32 s7, s5;
	s7 =	sadd.s32 s26, s3  }
0xe: {  	s2 =	sshrl.u32 s2, $0x3;
	s0 =	sadd.s32 s18, s0;
	s26 =	simm.s32 $0x2  }
0xf: {  	s5 =	sshrl.u32 s5, $0x3;
	s9 =	sadd.s32 $0x2800, s7;
	s10 =	sadd.s32 $0x5000, s7  }
0x10: {  	s11 =	sadd.s32 $0x7800, s7;
	s12 =	sadd.s32 $0xA000, s7;
	s13 =	sadd.s32 $0xC800, s7  }
0x11: {  	s14 =	sadd.s32 $0xF000, s7;
	s15 =	sadd.s32 $0x11800, s7;
	s17 =	sadd.s32 s18, s2  }
0x12: {  	s18 =	sadd.s32 $0x27000, s0;
	s2 =	simm.s32 $0x0;
	s25 =	sadd.s32 s5, s6  }
0x13: {  	s5 =	sadd.s32 $0x23800, s6;
	s6 =	sadd.s32 $0x23E00, s25;
	s25 =	simm.s32 $0x1  }
.LBB2_1:
0x14: {  	[tilespmem:s20], [sflag:$0x1] =	stream.linear.gather [hbm4b:s5+s4], $0x2800, $0x38;
	[tilespmem:$0x1F000] =	vst v63  }
0x15: {  	s0 =	simm.s32 $0x80;
	s21 =	simm.s32 $0x400  }
0x16: {  	[tilespmem:s23], [sflag:$0x2] =	stream.strided.gather [hbm4b:s6+s0], $0x2780, s21, s0, $0x38;
	[tilespmem:$0x1F000] =	vst v63  }
0x17: {  	s31 =	simm.s32 $0x16000  }
0x18: {  	[tilespmem:s31], [sflag:$0x2] =	stream.linear.gather [hbm4b:s8+s4], $0x3E80, $0x38;
	[tilespmem:$0x1F000] =	vst v63  }
0x19: {  	_ =	swait.ge [sflag:s25], $0x2800  }
0x1a: {  	[sflag:s25] =	ssyncset.done $0x0  }
0x1b: {  	[sflag:s25] =	ssyncadd.s32 $0xFFFFD800  }
0x1c: {  	[spmem:s7] =	stream.linear.scatter [tilespmem:s20], [sflag:$0x1], $0x2800, $0x38;
	[tilespmem:$0x1F000] =	vst v63  }
0x1d: {  	_ = 	snop  }
0x1e: {  	[spmem:s9] =	stream.linear.scatter [tilespmem:s20], [sflag:$0x1], $0x2800, $0x38;
	[tilespmem:$0x1F000] =	vst v63  }
0x1f: {  	_ = 	snop  }
0x20: {  	[spmem:s10] =	stream.linear.scatter [tilespmem:s20], [sflag:$0x1], $0x2800, $0x38;
	[tilespmem:$0x1F000] =	vst v63  }
0x21: {  	_ = 	snop  }
0x22: {  	[spmem:s11] =	stream.linear.scatter [tilespmem:s20], [sflag:$0x1], $0x2800, $0x38;
	[tilespmem:$0x1F000] =	vst v63  }
0x23: {  	_ = 	snop  }
0x24: {  	[spmem:s12] =	stream.linear.scatter [tilespmem:s20], [sflag:$0x1], $0x2800, $0x38;
	[tilespmem:$0x1F000] =	vst v63  }
0x25: {  	_ = 	snop  }
0x26: {  	[spmem:s13] =	stream.linear.scatter [tilespmem:s20], [sflag:$0x1], $0x2800, $0x38;
	[tilespmem:$0x1F000] =	vst v63  }
0x27: {  	_ = 	snop  }
0x28: {  	[spmem:s14] =	stream.linear.scatter [tilespmem:s20], [sflag:$0x1], $0x2800, $0x38;
	[tilespmem:$0x1F000] =	vst v63  }
0x29: {  	_ = 	snop  }
0x2a: {  	[spmem:s15] =	stream.linear.scatter [tilespmem:s20], [sflag:$0x1], $0x2000, $0x38;
	[tilespmem:$0x1F000] =	vst v63  }
0x2b: {  	s0 =	simm.s32 @!p0 $0x1A000  }
0x2c: {  	[spmem:s16] =	stream.linear.scatter @!p0 [tilespmem:s0], [sflag:$0x1], $0x800, $0x38;
	[tilespmem:$0x1F000] =	vst v63  }
0x2d: {  	s0 =	simm.s32 @!p0 $0x1  }
0x2e: {  	_ =	swait.ge @!p0 [sflag:s0], $0x800  }
0x2f: {  	[sflag:s0] =	ssyncset.done @!p0 $0x0  }
0x30: {  	[sflag:s0] =	ssyncadd.s32 @!p0 $0xFFFFF800  }
0x31: {  	_ =	swait.ge [sflag:s25], $0x2800  }
0x32: {  	[sflag:s25] =	ssyncset.done $0x0  }
0x33: {  	[sflag:s25] =	ssyncadd.s32 $0xFFFFD800  }
0x34: {  	_ =	swait.ge [sflag:s25], $0x2800  }
0x35: {  	[sflag:s25] =	ssyncset.done $0x0  }
0x36: {  	[sflag:s25] =	ssyncadd.s32 $0xFFFFD800  }
0x37: {  	_ =	swait.ge [sflag:s25], $0x2800  }
0x38: {  	[sflag:s25] =	ssyncset.done $0x0  }
0x39: {  	[sflag:s25] =	ssyncadd.s32 $0xFFFFD800  }
0x3a: {  	_ =	swait.ge [sflag:s25], $0x2800  }
0x3b: {  	[sflag:s25] =	ssyncset.done $0x0  }
0x3c: {  	[sflag:s25] =	ssyncadd.s32 $0xFFFFD800  }
0x3d: {  	_ =	swait.ge [sflag:s25], $0x2800  }
0x3e: {  	[sflag:s25] =	ssyncset.done $0x0  }
0x3f: {  	[sflag:s25] =	ssyncadd.s32 $0xFFFFD800  }
0x40: {  	_ =	swait.ge [sflag:s25], $0x2800  }
0x41: {  	[sflag:s25] =	ssyncset.done $0x0  }
0x42: {  	[sflag:s25] =	ssyncadd.s32 $0xFFFFD800  }
0x43: {  	_ =	swait.ge [sflag:s25], $0x2800  }
0x44: {  	[sflag:s25] =	ssyncset.done $0x0  }
0x45: {  	[sflag:s25] =	ssyncadd.s32 $0xFFFFD800  }
0x46: {  	_ =	swait.ge [sflag:s25], $0x2000  }
0x47: {  	[sflag:s25] =	ssyncset.done $0x0  }
0x48: {  	[sflag:s25] =	ssyncadd.s32 $0xFFFFE000  }
0x49: {  	_ =	swait.ge [sflag:s26], $0x2780  }
0x4a: {  	[sflag:s26] =	ssyncset.done $0x0  }
0x4b: {  	[sflag:s26] =	ssyncadd.s32 $0xFFFFD880  }
0x4c: {  	_ =	swait.ge [sflag:s26], $0x3E80  }
0x4d: {  	[sflag:s26] =	ssyncset.done $0x0  }
0x4e: {  	[sflag:s26] =	ssyncadd.s32 $0xFFFFC180  }
0x4f: {  	[bflag:$0x0] =	sbarrier.arrive $0xFFFF  }
0x50: {  	[tilespmem:s20], [sflag:$0x1] =	stream.indirect.gather [hbm4b:s1+s28], $0x80, s23, s28, $0xb8;
	[tilespmem:$0x1F000] =	vst v63  }
0x51: {  	s21 =	simm.s32 $0x138D0  }
0x52: {  	[tilespmem:s29], [sflag:$0x2] =	stream.indirect.gather [hbm4b:s1+s28], $0x80, s21, s28, $0xb8;
	[tilespmem:$0x1F000] =	vst v63  }
0x53: {  	_ =	swait.ge [sflag:s25], $0x2800  }
0x54: {  	[sflag:s25] =	ssyncset.done $0x0  }
0x55: {  	s22 =	simm.s32 $0x16000;
	[sflag:s25] =	ssyncadd.s32 $0xFFFFD800  }
0x56: {  	[spmem:s3] =	stream.indirect.scatter.add.f32 [tilespmem:s20], [sflag:$0x3], $0x80, s22, s28, $0xb8;
	[tilespmem:$0x1F000] =	vst v63  }
0x57: {  	_ =	swait.ge [sflag:s30], $0x2800  }
0x58: {  	[sflag:s30] =	ssyncset.done $0x0  }
0x59: {  	s24 =	simm.s32 $0x13920;
	[sflag:s30] =	ssyncadd.s32 $0xFFFFD800  }
0x5a: {  	[tilespmem:s20], [sflag:$0x1] =	stream.indirect.gather [hbm4b:s1+s28], $0x80, s24, s28, $0xb8;
	[tilespmem:$0x1F000] =	vst v63  }
0x5b: {  	_ =	swait.ge [sflag:s26], $0x2800  }
0x5c: {  	[sflag:s26] =	ssyncset.done $0x0  }
0x5d: {  	s31 =	simm.s32 $0x16080;
	[sflag:s26] =	ssyncadd.s32 $0xFFFFD800  }
0x5e: {  	[spmem:s3] =	stream.indirect.scatter.add.f32 [tilespmem:s29], [sflag:$0x3], $0x80, s31, s28, $0xb8;
	[tilespmem:$0x1F000] =	vst v63  }
0x5f: {  	s0 =	simm.s32 $0x139C0;
	_ =	swait.ge [sflag:s30], $0x2800  }
0x60: {  	s21 =	simm.s32 $0x400;
	s22 =	simm.s32 $0x800;
	[sflag:s30] =	ssyncset.done $0x0  }
.LBB2_2:
0x61: {  	p1 =	sne.s32 s22, $0xF400;
	s24 =	sadd.s32 $0xFFFFFFB0, s0;
	[sflag:s30] =	ssyncadd.s32 $0xFFFFD800  }
0x62: {  	[tilespmem:s29], [sflag:$0x2] =	stream.indirect.gather [hbm4b:s1+s28], $0x80, s24, s28, $0xb8;
	[tilespmem:$0x1F000] =	vst v63  }
0x63: {  	s24 =	smov.u32 s22;
	s22 =	sadd.s32 $0x400, s22;
	_ =	swait.ge [sflag:s25], $0x2800  }
0x64: {  	s31 =	sshra.s32 s21, $0x2;
	s21 =	smov.u32 s24;
	[sflag:s25] =	ssyncset.done $0x0  }
0x65: {  	s24 =	sadd.s32 $0x16000, s31;
	[sflag:s25] =	ssyncadd.s32 $0xFFFFD800  }
0x66: {  	[spmem:s3] =	stream.indirect.scatter.add.f32 [tilespmem:s20], [sflag:$0x3], $0x80, s24, s28, $0xb8;
	[tilespmem:$0x1F000] =	vst v63  }
0x67: {  	_ =	swait.ge [sflag:s30], $0x2800  }
0x68: {  	[sflag:s30] =	ssyncset.done $0x0  }
0x69: {  	[sflag:s30] =	ssyncadd.s32 $0xFFFFD800  }
0x6a: {  	[tilespmem:s20], [sflag:$0x1] =	stream.indirect.gather [hbm4b:s1+s28], $0x80, s0, s28, $0xb8;
	[tilespmem:$0x1F000] =	vst v63  }
0x6b: {  	_ =	swait.ge [sflag:s26], $0x2800  }
.Ltmp0:
0x6c: {  	[sflag:s26] =	ssyncset.done $0x0;
	(pc) =	sbr.rel @p1 .LBB2_2-.Ltmp0, $4  }
0x6d: {  	s24 =	sadd.s32 $0x16080, s31;
	[sflag:s26] =	ssyncadd.s32 $0xFFFFD800  }
0x6e: {  	[spmem:s3] =	stream.indirect.scatter.add.f32 [tilespmem:s29], [sflag:$0x3], $0x80, s24, s28, $0xb8;
	[tilespmem:$0x1F000] =	vst v63  }
0x6f: {  	_ =	swait.ge [sflag:s30], $0x2800  }
0x70: {  	s0 =	sadd.s32 $0xA0, s0;
	[sflag:s30] =	ssyncset.done $0x0  }
0x71: {  	s22 =	sadd.s32 $0xFFFFFFB0, s0;
	[sflag:s30] =	ssyncadd.s32 $0xFFFFD800  }
0x72: {  	[tilespmem:s29], [sflag:$0x2] =	stream.indirect.gather [hbm4b:s1+s28], $0x80, s22, s28, $0xb8;
	[tilespmem:$0x1F000] =	vst v63  }
0x73: {  	_ =	swait.ge [sflag:s25], $0x2800  }
0x74: {  	s21 =	sshra.s32 s21, $0x2;
	[sflag:s25] =	ssyncset.done $0x0  }
0x75: {  	s31 =	sadd.s32 $0x16000, s21;
	[sflag:s25] =	ssyncadd.s32 $0xFFFFD800  }
0x76: {  	[spmem:s3] =	stream.indirect.scatter.add.f32 [tilespmem:s20], [sflag:$0x3], $0x80, s31, s28, $0xb8;
	[tilespmem:$0x1F000] =	vst v63  }
0x77: {  	_ =	swait.ge [sflag:s30], $0x2800  }
0x78: {  	[sflag:s30] =	ssyncset.done $0x0  }
0x79: {  	[sflag:s30] =	ssyncadd.s32 $0xFFFFD800  }
0x7a: {  	[tilespmem:s20], [sflag:$0x1] =	stream.indirect.gather [hbm4b:s1+s28], $0x80, s0, s28, $0xb8;
	[tilespmem:$0x1F000] =	vst v63  }
0x7b: {  	_ =	swait.ge [sflag:s26], $0x2800  }
0x7c: {  	[sflag:s26] =	ssyncset.done $0x0  }
0x7d: {  	s21 =	sadd.s32 $0x16080, s21;
	[sflag:s26] =	ssyncadd.s32 $0xFFFFD800  }
0x7e: {  	[spmem:s3] =	stream.indirect.scatter.add.f32 [tilespmem:s29], [sflag:$0x3], $0x80, s21, s28, $0xb8;
	[tilespmem:$0x1F000] =	vst v63  }
0x7f: {  	_ =	swait.ge [sflag:s30], $0x2800  }
0x80: {  	[sflag:s30] =	ssyncset.done $0x0  }
0x81: {  	[sflag:s30] =	ssyncadd.s32 $0xFFFFD800  }
0x82: {  	_ =	swait.ge [sflag:s25], $0x2800  }
0x83: {  	[sflag:s25] =	ssyncset.done $0x0  }
0x84: {  	s22 =	simm.s32 $0x19E00;
	[sflag:s25] =	ssyncadd.s32 $0xFFFFD800  }
0x85: {  	[spmem:s3] =	stream.indirect.scatter.add.f32 [tilespmem:s20], [sflag:$0x3], $0x80, s22, s28, $0xb8;
	[tilespmem:$0x1F000] =	vst v63  }
0x86: {  	_ =	swait.ge [sflag:s30], $0x2800  }
0x87: {  	s24 =	stileid.u32;
	[sflag:s30] =	ssyncset.done $0x0  }
0x88: {  	s0 =	sshll.u32 s24, $0x6;
	[sflag:s30] =	ssyncadd.s32 $0xFFFFD800  }
0x89: {  	s31 =	sshrl.u32 s7, $0x3;
	s0 =	sor.u32 $0x1C03, s0;
	[bflag:$0x0] =	sbarrier.arrive $0xFFFF  }
0x8a: {  	[hbm:s17], [sflag:s0] =	dma.local [spmem:s31], $0x2700  }
0x8b: {  	_ =	swait.ge [sflag:s30], $0x2700  }
0x8c: {  	s2 =	sadd.s32 $0x1, s2;
	[sflag:s30] =	ssyncset.done $0x0  }
0x8d: {  	p1 =	sne.s32 s2, s19;
	s21 =	sshrl.u32 @!p0 s16, $0x3;
	[sflag:s30] =	ssyncadd.s32 $0xFFFFD900  }
0x8e: {  	[hbm:s18], [sflag:s0] =	dma.local @!p0 [spmem:s21], $0x100  }
.Ltmp1:
0x8f: {  	_ = 	snop;
	(pc) =	sbr.rel @p1 .LBB2_1-.Ltmp1, $4  }
0x90: {  	s0 =	simm.s32 @!p0 $0x3  }
0x91: {  	_ =	swait.ge @!p0 [sflag:s0], $0x100  }
0x92: {  	[sflag:s0] =	ssyncset.done @!p0 $0x0  }
0x93: {  	[sflag:s0] =	ssyncadd.s32 @!p0 $0xFFFFFF00  }
0x94: {  	_ =	sfence.sel $0x180000  }
0x95: {  	[bflag:$0x0] =	sbarrier.arrive $0xFFFF  }
0x96: {  	_ =	strace $0x90000050  }
0x97: {  	[bflag:$0x2] =	sbarrier.arrive $0xFFFF  }
0x98: {  	s0 =	rddreg [dreg:$0x3]  }
0x99: {  	s0 =	sadd.s32 @!p0 $0x100000, s0  }
0x9a: {  	[sflag:s0] =	ssyncadd.tile.s32 @!p0 $0x1;
	_ =	shalt  }
.Lfunc_end2:
_tile_overlayer_lowered:
.L_overlay_start_2:
0x9b: {  	(tag) =	ssettag $0x2  }
0x9c: {  	s0 =	rddreg [dreg:$0x0];
	s2 =	stileid.u32  }
0x9d: {  	s1 =	rddreg [dreg:$0x1];
	p0 =	sne.s32 s2, $0x0  }
0x9e: {  	s3 =	rddreg [dreg:$0x2];
	[bflag:$0x3] =	sbarrier.arrive $0xFFFF;
	s2 =	simm.s32 @!p0 $0x1C03  }
0x9f: {  	[timem:s3], [sflag:s2] =	dma.local @!p0 [hbm:s0], s1  }
0xa0: {  	s0 =	simm.s32 @!p0 $0x3  }
0xa1: {  	_ =	swait.ge @!p0 [sflag:s0], s1  }
0xa2: {  	s1 =	ssub.s32 @!p0 $0x0, s1;
	[sflag:s0] =	ssyncset.done @!p0 $0x0  }
0xa3: {  	[sflag:s0] =	ssyncadd.s32 @!p0 s1  }
0xa4: {  	[bflag:$0x3] =	sbarrier.arrive $0xFFFF  }
0xa5: {  	_ =	shalt  }

</sc_bundles>
